<compile_context>
chip_gen: v7x
topology: tpu7x:2x2x1
jax: 0.10.2.dev20260603
libtpu: 0.0.44.dev20260713+nightly
codegen_flags: <defaults>
</compile_context>

<pallas_src>
import functools

import jax
import jax.numpy as jnp
from jax import lax
from jax.experimental import pallas as pl
from jax.experimental.pallas import tpu as pltpu
from jax.experimental.pallas import tpu_sc as plsc

B = 16384
CTX = 20
D = 64
NC = 2
NS = 16
NW = NC * NS
ROWS_PER_W = B // NW
CHUNK = 32
NCHUNKS = ROWS_PER_W // CHUNK
IDX_PER_CHUNK = CHUNK * CTX
IDX_W = 128
NQ = IDX_PER_CHUNK // IDX_W
LANES = 16
GPR = D // LANES


@functools.partial(
    pl.kernel,
    out_type=jax.ShapeDtypeStruct((B, D), jnp.float32),
    mesh=plsc.VectorSubcoreMesh(core_axis_name="c", subcore_axis_name="s"),
    compiler_params=pltpu.CompilerParams(use_tc_tiling_on_sc=False),
    scratch_types=[
        pltpu.VMEM((ROWS_PER_W * CTX,), jnp.int32),
        pltpu.VMEM((2, IDX_PER_CHUNK, D), jnp.float32),
        pltpu.VMEM((2, CHUNK, D), jnp.float32),
        pltpu.SemaphoreType.DMA,
        pltpu.SemaphoreType.DMA,
        pltpu.SemaphoreType.DMA,
        pltpu.SemaphoreType.DMA,
    ],
)
def _cbow(table_hbm, xflat_hbm, out_hbm, idx_v, rows_v, acc_v,
          gsem0, gsem1, ssem0, ssem1):
    wid = lax.axis_index("s") * NC + lax.axis_index("c")
    wbase = wid * ROWS_PER_W
    gsems = (gsem0, gsem1)
    ssems = (ssem0, ssem1)

    pltpu.sync_copy(xflat_hbm.at[pl.ds(wbase * CTX, ROWS_PER_W * CTX)], idx_v)

    def fire_gathers(c, b):
        for q in range(NQ):
            pltpu.async_copy(
                table_hbm.at[idx_v.at[pl.ds(c * IDX_PER_CHUNK + q * IDX_W,
                                            IDX_W)]],
                rows_v.at[b].at[pl.ds(q * IDX_W, IDX_W)],
                gsems[b],
            )

    def wait_gathers(b):
        pltpu.make_async_copy(
            table_hbm.at[pl.ds(0, IDX_PER_CHUNK)], rows_v.at[b], gsems[b]
        ).wait()

    def wait_store(b):
        pltpu.make_async_copy(
            acc_v.at[b], out_hbm.at[pl.ds(0, CHUNK)], ssems[b]
        ).wait()

    fire_gathers(0, 0)

    def pair_body(cc, carry):
        for b in range(2):
            c = cc * 2 + b
            acc = acc_v.at[b]
            rows = rows_v.at[b]

            @pl.when(c + 1 < NCHUNKS)
            def _():
                fire_gathers(c + 1, 1 - b)

            wait_gathers(b)

            @pl.when(c >= 2)
            def _():
                wait_store(b)

            def row_body(r, carry2):
                rb = r * CTX
                for g in range(GPR):
                    col = g * LANES
                    vals = [rows[rb + j, pl.ds(col, LANES)]
                            for j in range(CTX)]
                    while len(vals) > 1:
                        nxt = [a + b for a, b in zip(vals[::2], vals[1::2])]
                        if len(vals) % 2:
                            nxt[-1] = nxt[-1] + vals[-1]
                        vals = nxt
                    acc[r, pl.ds(col, LANES)] = vals[0] * (1.0 / CTX)
                return carry2

            lax.fori_loop(0, CHUNK, row_body, 0)
            pltpu.async_copy(
                acc, out_hbm.at[pl.ds(wbase + c * CHUNK, CHUNK)], ssems[b]
            )
        return carry

    lax.fori_loop(0, NCHUNKS // 2, pair_body, 0)
    wait_store(0)
    wait_store(1)


def kernel(x, emb_table):
    return _cbow(emb_table, x.reshape(B * CTX))

# --- scband reference (transcript-rebuilt; emitter-appended) ---
"""Pipeline reference for scband-cbow-3126736191711 (READ-ONLY COPY).

The authoritative reference and input builder live on the scoring server;
editing this copy changes nothing except your own understanding.
"""

import jax, jax.numpy as jnp
import numpy as np

W_DIM = 1000000
EMB_DIM = 64
BATCH = 16384
CTX = 20


def setup_inputs(seed: int = 0) -> dict:
    key = jax.random.key(seed)
    k_idx, k_emb = jax.random.split(key)
    x = jax.random.randint(k_idx, (BATCH, CTX), 0, W_DIM, dtype=jnp.int32)
    # Embedding table, RandomNormal(0.0, 0.1) initializer
    emb_table = jax.random.normal(k_emb, (W_DIM, EMB_DIM), dtype=jnp.float32) * 0.1
    return {"x": x, "emb_table": emb_table}


def reference(x, emb_table):
    # CBOW forward: gather context word embeddings and average over the
    # context dimension (tf.reduce_mean in the original keras model).
    o = jnp.take(emb_table, x, axis=0)          # [B, CTX, EMB_DIM]
    o = jnp.mean(o, axis=1)                      # [B, EMB_DIM]
    return o

if __name__ == "__main__":
    import jax
    _d = setup_inputs()
    print(jax.jit(kernel)(*tuple(_d.values())))

</pallas_src>

<mosaic_0001>
#map = affine_map<(d0, d1) -> (0, 0)>
#map1 = affine_map<(d0, d1) -> (0)>
module attributes {stable_mosaic.version = 14 : i64} {
  func.func @_cbow(%arg0: i32, %arg1: i32, %arg2: memref<1000000x64xf32, #tpu.memory_space<hbm>>, %arg3: memref<327680xi32, #tpu.memory_space<hbm>>, %arg4: memref<16384x64xf32, #tpu.memory_space<hbm>>, %arg5: memref<10240xi32, #tpu.memory_space<vmem>>, %arg6: memref<2x640x64xf32, #tpu.memory_space<vmem>>, %arg7: memref<2x32x64xf32, #tpu.memory_space<vmem>>, %arg8: memref<!tpu.dma_semaphore, #tpu.memory_space<semaphore_mem>>, %arg9: memref<!tpu.dma_semaphore, #tpu.memory_space<semaphore_mem>>, %arg10: memref<!tpu.dma_semaphore, #tpu.memory_space<semaphore_mem>>, %arg11: memref<!tpu.dma_semaphore, #tpu.memory_space<semaphore_mem>>) attributes {dimension_semantics = [#tpu.dimension_semantics<core_parallel>, #tpu.dimension_semantics<subcore_parallel>], iteration_bounds = array<i64: 2, 16>, scalar_prefetch = 0 : i64, scratch_operands = 7 : i64, tpu.core_type = #tpu.core_type<sc_vector_subcore>, window_params = [{transform_indices = #map}, {transform_indices = #map1}, {transform_indices = #map}]} {
    %mul3A = arith.constant 2 : i32
    %mul3A_0 = arith.muli %arg1, %mul3A : i32
    %add3A = arith.addi %mul3A_0, %arg0 : i32
    %mul3A_1 = arith.constant 512 : i32
    %mul3A_2 = arith.muli %add3A, %mul3A_1 : i32
    %mul3A_3 = arith.constant 20 : i32
    %mul3A_4 = arith.muli %mul3A_2, %mul3A_3 : i32
    "tpu.region"() ({
      %run_scoped3A = tpu.sem_alloc : memref<!tpu.dma_semaphore, #tpu.memory_space<semaphore_mem>>
      %dma_start3A_103 = tpu.memref_slice %arg3[%mul3A_4] : memref<327680xi32, #tpu.memory_space<hbm>> -> memref<10240xi32, #tpu.memory_space<hbm>>
      %dma_start3A_104 = tpu.memref_slice %arg3[%mul3A_4] : memref<327680xi32, #tpu.memory_space<hbm>> -> memref<10240xi32, #tpu.memory_space<hbm>>
      tpu.enqueue_dma source(%dma_start3A_104 : memref<10240xi32, #tpu.memory_space<hbm>>) target(%arg5 : memref<10240xi32, #tpu.memory_space<vmem>>) target_semaphore(%run_scoped3A : memref<!tpu.dma_semaphore, #tpu.memory_space<semaphore_mem>>)
      %dma_wait3A_105 = tpu.memref_slice %arg3[%mul3A_4] : memref<327680xi32, #tpu.memory_space<hbm>> -> memref<10240xi32, #tpu.memory_space<hbm>>
      %dma_wait3A_106 = tpu.memref_slice %arg3[%mul3A_4] : memref<327680xi32, #tpu.memory_space<hbm>> -> memref<10240xi32, #tpu.memory_space<hbm>>
      tpu.wait_dma2 semaphore(%run_scoped3A : memref<!tpu.dma_semaphore, #tpu.memory_space<semaphore_mem>>) src(%dma_wait3A_106 : memref<10240xi32, #tpu.memory_space<hbm>>) dst(%arg5 : memref<10240xi32, #tpu.memory_space<vmem>>)
      tpu.yield
    }) : () -> ()
    %dma_start3A = arith.constant 0 : i32
    %dma_start3A_5 = arith.constant 0 : i32
    %dma_start3A_6 = arith.constant 0 : i32
    %dma_start3A_7 = tpu.memref_slice %arg6[%dma_start3A, %dma_start3A_5, %dma_start3A_6] : memref<2x640x64xf32, #tpu.memory_space<vmem>> -> memref<1x640x64xf32, #tpu.memory_space<vmem>>
    %dma_start3A_8 = tpu.memref_squeeze %dma_start3A_7 : memref<1x640x64xf32, #tpu.memory_space<vmem>> -> memref<640x64xf32, #tpu.memory_space<vmem>>
    %dma_start3A_9 = arith.constant 0 : i32
    %dma_start3A_10 = arith.constant 0 : i32
    %dma_start3A_11 = tpu.memref_slice %dma_start3A_8[%dma_start3A_9, %dma_start3A_10] : memref<640x64xf32, #tpu.memory_space<vmem>> -> memref<128x64xf32, #tpu.memory_space<vmem>>
    %dma_start3A_12 = arith.constant 0 : i32
    %dma_start3A_13 = tpu.memref_slice %arg5[%dma_start3A_12] : memref<10240xi32, #tpu.memory_space<vmem>> -> memref<128xi32, #tpu.memory_space<vmem>>
    %dma_start3A_14 = arith.constant 0 : i32
    %dma_start3A_15 = arith.constant 0 : i32
    %dma_start3A_16 = tpu.memref_slice %arg2[%dma_start3A_14, %dma_start3A_15] : memref<1000000x64xf32, #tpu.memory_space<hbm>> -> memref<1000000x64xf32, #tpu.memory_space<hbm>>
    tpu.enqueue_indirect_dma source(%dma_start3A_16 : memref<1000000x64xf32, #tpu.memory_space<hbm>>) target(%dma_start3A_11 : memref<128x64xf32, #tpu.memory_space<vmem>>) offsets(%dma_start3A_13 : memref<128xi32, #tpu.memory_space<vmem>>) semaphore(%arg8 : memref<!tpu.dma_semaphore, #tpu.memory_space<semaphore_mem>>)
    %dma_start3A_17 = arith.constant 0 : i32
    %dma_start3A_18 = arith.constant 0 : i32
    %dma_start3A_19 = arith.constant 0 : i32
    %dma_start3A_20 = tpu.memref_slice %arg6[%dma_start3A_17, %dma_start3A_18, %dma_start3A_19] : memref<2x640x64xf32, #tpu.memory_space<vmem>> -> memref<1x640x64xf32, #tpu.memory_space<vmem>>
    %dma_start3A_21 = tpu.memref_squeeze %dma_start3A_20 : memref<1x640x64xf32, #tpu.memory_space<vmem>> -> memref<640x64xf32, #tpu.memory_space<vmem>>
    %dma_start3A_22 = arith.constant 128 : i32
    %dma_start3A_23 = arith.constant 0 : i32
    %dma_start3A_24 = tpu.memref_slice %dma_start3A_21[%dma_start3A_22, %dma_start3A_23] : memref<640x64xf32, #tpu.memory_space<vmem>> -> memref<128x64xf32, #tpu.memory_space<vmem>>
    %dma_start3A_25 = arith.constant 128 : i32
    %dma_start3A_26 = tpu.memref_slice %arg5[%dma_start3A_25] : memref<10240xi32, #tpu.memory_space<vmem>> -> memref<128xi32, #tpu.memory_space<vmem>>
    %dma_start3A_27 = arith.constant 0 : i32
    %dma_start3A_28 = arith.constant 0 : i32
    %dma_start3A_29 = tpu.memref_slice %arg2[%dma_start3A_27, %dma_start3A_28] : memref<1000000x64xf32, #tpu.memory_space<hbm>> -> memref<1000000x64xf32, #tpu.memory_space<hbm>>
    tpu.enqueue_indirect_dma source(%dma_start3A_29 : memref<1000000x64xf32, #tpu.memory_space<hbm>>) target(%dma_start3A_24 : memref<128x64xf32, #tpu.memory_space<vmem>>) offsets(%dma_start3A_26 : memref<128xi32, #tpu.memory_space<vmem>>) semaphore(%arg8 : memref<!tpu.dma_semaphore, #tpu.memory_space<semaphore_mem>>)
    %dma_start3A_30 = arith.constant 0 : i32
    %dma_start3A_31 = arith.constant 0 : i32
    %dma_start3A_32 = arith.constant 0 : i32
    %dma_start3A_33 = tpu.memref_slice %arg6[%dma_start3A_30, %dma_start3A_31, %dma_start3A_32] : memref<2x640x64xf32, #tpu.memory_space<vmem>> -> memref<1x640x64xf32, #tpu.memory_space<vmem>>
    %dma_start3A_34 = tpu.memref_squeeze %dma_start3A_33 : memref<1x640x64xf32, #tpu.memory_space<vmem>> -> memref<640x64xf32, #tpu.memory_space<vmem>>
    %dma_start3A_35 = arith.constant 256 : i32
    %dma_start3A_36 = arith.constant 0 : i32
    %dma_start3A_37 = tpu.memref_slice %dma_start3A_34[%dma_start3A_35, %dma_start3A_36] : memref<640x64xf32, #tpu.memory_space<vmem>> -> memref<128x64xf32, #tpu.memory_space<vmem>>
    %dma_start3A_38 = arith.constant 256 : i32
    %dma_start3A_39 = tpu.memref_slice %arg5[%dma_start3A_38] : memref<10240xi32, #tpu.memory_space<vmem>> -> memref<128xi32, #tpu.memory_space<vmem>>
    %dma_start3A_40 = arith.constant 0 : i32
    %dma_start3A_41 = arith.constant 0 : i32
    %dma_start3A_42 = tpu.memref_slice %arg2[%dma_start3A_40, %dma_start3A_41] : memref<1000000x64xf32, #tpu.memory_space<hbm>> -> memref<1000000x64xf32, #tpu.memory_space<hbm>>
    tpu.enqueue_indirect_dma source(%dma_start3A_42 : memref<1000000x64xf32, #tpu.memory_space<hbm>>) target(%dma_start3A_37 : memref<128x64xf32, #tpu.memory_space<vmem>>) offsets(%dma_start3A_39 : memref<128xi32, #tpu.memory_space<vmem>>) semaphore(%arg8 : memref<!tpu.dma_semaphore, #tpu.memory_space<semaphore_mem>>)
    %dma_start3A_43 = arith.constant 0 : i32
    %dma_start3A_44 = arith.constant 0 : i32
    %dma_start3A_45 = arith.constant 0 : i32
    %dma_start3A_46 = tpu.memref_slice %arg6[%dma_start3A_43, %dma_start3A_44, %dma_start3A_45] : memref<2x640x64xf32, #tpu.memory_space<vmem>> -> memref<1x640x64xf32, #tpu.memory_space<vmem>>
    %dma_start3A_47 = tpu.memref_squeeze %dma_start3A_46 : memref<1x640x64xf32, #tpu.memory_space<vmem>> -> memref<640x64xf32, #tpu.memory_space<vmem>>
    %dma_start3A_48 = arith.constant 384 : i32
    %dma_start3A_49 = arith.constant 0 : i32
    %dma_start3A_50 = tpu.memref_slice %dma_start3A_47[%dma_start3A_48, %dma_start3A_49] : memref<640x64xf32, #tpu.memory_space<vmem>> -> memref<128x64xf32, #tpu.memory_space<vmem>>
    %dma_start3A_51 = arith.constant 384 : i32
    %dma_start3A_52 = tpu.memref_slice %arg5[%dma_start3A_51] : memref<10240xi32, #tpu.memory_space<vmem>> -> memref<128xi32, #tpu.memory_space<vmem>>
    %dma_start3A_53 = arith.constant 0 : i32
    %dma_start3A_54 = arith.constant 0 : i32
    %dma_start3A_55 = tpu.memref_slice %arg2[%dma_start3A_53, %dma_start3A_54] : memref<1000000x64xf32, #tpu.memory_space<hbm>> -> memref<1000000x64xf32, #tpu.memory_space<hbm>>
    tpu.enqueue_indirect_dma source(%dma_start3A_55 : memref<1000000x64xf32, #tpu.memory_space<hbm>>) target(%dma_start3A_50 : memref<128x64xf32, #tpu.memory_space<vmem>>) offsets(%dma_start3A_52 : memref<128xi32, #tpu.memory_space<vmem>>) semaphore(%arg8 : memref<!tpu.dma_semaphore, #tpu.memory_space<semaphore_mem>>)
    %dma_start3A_56 = arith.constant 0 : i32
    %dma_start3A_57 = arith.constant 0 : i32
    %dma_start3A_58 = arith.constant 0 : i32
    %dma_start3A_59 = tpu.memref_slice %arg6[%dma_start3A_56, %dma_start3A_57, %dma_start3A_58] : memref<2x640x64xf32, #tpu.memory_space<vmem>> -> memref<1x640x64xf32, #tpu.memory_space<vmem>>
    %dma_start3A_60 = tpu.memref_squeeze %dma_start3A_59 : memref<1x640x64xf32, #tpu.memory_space<vmem>> -> memref<640x64xf32, #tpu.memory_space<vmem>>
    %dma_start3A_61 = arith.constant 512 : i32
    %dma_start3A_62 = arith.constant 0 : i32
    %dma_start3A_63 = tpu.memref_slice %dma_start3A_60[%dma_start3A_61, %dma_start3A_62] : memref<640x64xf32, #tpu.memory_space<vmem>> -> memref<128x64xf32, #tpu.memory_space<vmem>>
    %dma_start3A_64 = arith.constant 512 : i32
    %dma_start3A_65 = tpu.memref_slice %arg5[%dma_start3A_64] : memref<10240xi32, #tpu.memory_space<vmem>> -> memref<128xi32, #tpu.memory_space<vmem>>
    %dma_start3A_66 = arith.constant 0 : i32
    %dma_start3A_67 = arith.constant 0 : i32
    %dma_start3A_68 = tpu.memref_slice %arg2[%dma_start3A_66, %dma_start3A_67] : memref<1000000x64xf32, #tpu.memory_space<hbm>> -> memref<1000000x64xf32, #tpu.memory_space<hbm>>
    tpu.enqueue_indirect_dma source(%dma_start3A_68 : memref<1000000x64xf32, #tpu.memory_space<hbm>>) target(%dma_start3A_63 : memref<128x64xf32, #tpu.memory_space<vmem>>) offsets(%dma_start3A_65 : memref<128xi32, #tpu.memory_space<vmem>>) semaphore(%arg8 : memref<!tpu.dma_semaphore, #tpu.memory_space<semaphore_mem>>)
    %scan3A = arith.constant 0 : i32
    %scan3A_69 = arith.constant 0 : i32
    %scan3A_70 = arith.constant 8 : i32
    %scan3A_71 = arith.addi %scan3A_69, %scan3A_70 : i32
    %scan3A_72 = arith.constant 1 : i32
    scf.for %scan3A_103 = %scan3A_69 to %scan3A_71 step %scan3A_72  : i32 {
      %mul3A_104 = arith.constant 2 : i32
      %mul3A_105 = arith.muli %scan3A_103, %mul3A_104 : i32
      %add3A_106 = arith.constant 0 : i32
      %add3A_107 = arith.addi %mul3A_105, %add3A_106 : i32
      %add3A_108 = arith.constant 1 : i32
      %add3A_109 = arith.addi %add3A_107, %add3A_108 : i32
      %lt3A = arith.constant 16 : i32
      %lt3A_110 = arith.cmpi slt, %add3A_109, %lt3A : i32
      %convert_element_type3A = arith.extui %lt3A_110 : i1 to i32
      %cond3A = arith.constant 0 : i32
      %cond3A_111 = arith.cmpi ne, %convert_element_type3A, %cond3A : i32
      scf.if %cond3A_111 {
        %add3A_210 = arith.constant 1 : i32
        %add3A_211 = arith.addi %add3A_107, %add3A_210 : i32
        %mul3A_212 = arith.constant 640 : i32
        %mul3A_213 = arith.muli %add3A_211, %mul3A_212 : i32
        %add3A_214 = arith.constant 0 : i32
        %add3A_215 = arith.addi %mul3A_213, %add3A_214 : i32
        %dma_start3A_216 = arith.constant 1 : i32
        %dma_start3A_217 = arith.constant 0 : i32
        %dma_start3A_218 = arith.constant 0 : i32
        %dma_start3A_219 = tpu.memref_slice %arg6[%dma_start3A_216, %dma_start3A_217, %dma_start3A_218] : memref<2x640x64xf32, #tpu.memory_space<vmem>> -> memref<1x640x64xf32, #tpu.memory_space<vmem>>
        %dma_start3A_220 = tpu.memref_squeeze %dma_start3A_219 : memref<1x640x64xf32, #tpu.memory_space<vmem>> -> memref<640x64xf32, #tpu.memory_space<vmem>>
        %dma_start3A_221 = arith.constant 0 : i32
        %dma_start3A_222 = arith.constant 0 : i32
        %dma_start3A_223 = tpu.memref_slice %dma_start3A_220[%dma_start3A_221, %dma_start3A_222] : memref<640x64xf32, #tpu.memory_space<vmem>> -> memref<128x64xf32, #tpu.memory_space<vmem>>
        %dma_start3A_224 = tpu.memref_slice %arg5[%add3A_215] : memref<10240xi32, #tpu.memory_space<vmem>> -> memref<128xi32, #tpu.memory_space<vmem>>
        %dma_start3A_225 = arith.constant 0 : i32
        %dma_start3A_226 = arith.constant 0 : i32
        %dma_start3A_227 = tpu.memref_slice %arg2[%dma_start3A_225, %dma_start3A_226] : memref<1000000x64xf32, #tpu.memory_space<hbm>> -> memref<1000000x64xf32, #tpu.memory_space<hbm>>
        tpu.enqueue_indirect_dma source(%dma_start3A_227 : memref<1000000x64xf32, #tpu.memory_space<hbm>>) target(%dma_start3A_223 : memref<128x64xf32, #tpu.memory_space<vmem>>) offsets(%dma_start3A_224 : memref<128xi32, #tpu.memory_space<vmem>>) semaphore(%arg9 : memref<!tpu.dma_semaphore, #tpu.memory_space<semaphore_mem>>)
        %mul3A_228 = arith.constant 640 : i32
        %mul3A_229 = arith.muli %add3A_211, %mul3A_228 : i32
        %add3A_230 = arith.constant 128 : i32
        %add3A_231 = arith.addi %mul3A_229, %add3A_230 : i32
        %dma_start3A_232 = arith.constant 1 : i32
        %dma_start3A_233 = arith.constant 0 : i32
        %dma_start3A_234 = arith.constant 0 : i32
        %dma_start3A_235 = tpu.memref_slice %arg6[%dma_start3A_232, %dma_start3A_233, %dma_start3A_234] : memref<2x640x64xf32, #tpu.memory_space<vmem>> -> memref<1x640x64xf32, #tpu.memory_space<vmem>>
        %dma_start3A_236 = tpu.memref_squeeze %dma_start3A_235 : memref<1x640x64xf32, #tpu.memory_space<vmem>> -> memref<640x64xf32, #tpu.memory_space<vmem>>
        %dma_start3A_237 = arith.constant 128 : i32
        %dma_start3A_238 = arith.constant 0 : i32
        %dma_start3A_239 = tpu.memref_slice %dma_start3A_236[%dma_start3A_237, %dma_start3A_238] : memref<640x64xf32, #tpu.memory_space<vmem>> -> memref<128x64xf32, #tpu.memory_space<vmem>>
        %dma_start3A_240 = tpu.memref_slice %arg5[%add3A_231] : memref<10240xi32, #tpu.memory_space<vmem>> -> memref<128xi32, #tpu.memory_space<vmem>>
        %dma_start3A_241 = arith.constant 0 : i32
        %dma_start3A_242 = arith.constant 0 : i32
        %dma_start3A_243 = tpu.memref_slice %arg2[%dma_start3A_241, %dma_start3A_242] : memref<1000000x64xf32, #tpu.memory_space<hbm>> -> memref<1000000x64xf32, #tpu.memory_space<hbm>>
        tpu.enqueue_indirect_dma source(%dma_start3A_243 : memref<1000000x64xf32, #tpu.memory_space<hbm>>) target(%dma_start3A_239 : memref<128x64xf32, #tpu.memory_space<vmem>>) offsets(%dma_start3A_240 : memref<128xi32, #tpu.memory_space<vmem>>) semaphore(%arg9 : memref<!tpu.dma_semaphore, #tpu.memory_space<semaphore_mem>>)
        %mul3A_244 = arith.constant 640 : i32
        %mul3A_245 = arith.muli %add3A_211, %mul3A_244 : i32
        %add3A_246 = arith.constant 256 : i32
        %add3A_247 = arith.addi %mul3A_245, %add3A_246 : i32
        %dma_start3A_248 = arith.constant 1 : i32
        %dma_start3A_249 = arith.constant 0 : i32
        %dma_start3A_250 = arith.constant 0 : i32
        %dma_start3A_251 = tpu.memref_slice %arg6[%dma_start3A_248, %dma_start3A_249, %dma_start3A_250] : memref<2x640x64xf32, #tpu.memory_space<vmem>> -> memref<1x640x64xf32, #tpu.memory_space<vmem>>
        %dma_start3A_252 = tpu.memref_squeeze %dma_start3A_251 : memref<1x640x64xf32, #tpu.memory_space<vmem>> -> memref<640x64xf32, #tpu.memory_space<vmem>>
        %dma_start3A_253 = arith.constant 256 : i32
        %dma_start3A_254 = arith.constant 0 : i32
        %dma_start3A_255 = tpu.memref_slice %dma_start3A_252[%dma_start3A_253, %dma_start3A_254] : memref<640x64xf32, #tpu.memory_space<vmem>> -> memref<128x64xf32, #tpu.memory_space<vmem>>
        %dma_start3A_256 = tpu.memref_slice %arg5[%add3A_247] : memref<10240xi32, #tpu.memory_space<vmem>> -> memref<128xi32, #tpu.memory_space<vmem>>
        %dma_start3A_257 = arith.constant 0 : i32
        %dma_start3A_258 = arith.constant 0 : i32
        %dma_start3A_259 = tpu.memref_slice %arg2[%dma_start3A_257, %dma_start3A_258] : memref<1000000x64xf32, #tpu.memory_space<hbm>> -> memref<1000000x64xf32, #tpu.memory_space<hbm>>
        tpu.enqueue_indirect_dma source(%dma_start3A_259 : memref<1000000x64xf32, #tpu.memory_space<hbm>>) target(%dma_start3A_255 : memref<128x64xf32, #tpu.memory_space<vmem>>) offsets(%dma_start3A_256 : memref<128xi32, #tpu.memory_space<vmem>>) semaphore(%arg9 : memref<!tpu.dma_semaphore, #tpu.memory_space<semaphore_mem>>)
        %mul3A_260 = arith.constant 640 : i32
        %mul3A_261 = arith.muli %add3A_211, %mul3A_260 : i32
        %add3A_262 = arith.constant 384 : i32
        %add3A_263 = arith.addi %mul3A_261, %add3A_262 : i32
        %dma_start3A_264 = arith.constant 1 : i32
        %dma_start3A_265 = arith.constant 0 : i32
        %dma_start3A_266 = arith.constant 0 : i32
        %dma_start3A_267 = tpu.memref_slice %arg6[%dma_start3A_264, %dma_start3A_265, %dma_start3A_266] : memref<2x640x64xf32, #tpu.memory_space<vmem>> -> memref<1x640x64xf32, #tpu.memory_space<vmem>>
        %dma_start3A_268 = tpu.memref_squeeze %dma_start3A_267 : memref<1x640x64xf32, #tpu.memory_space<vmem>> -> memref<640x64xf32, #tpu.memory_space<vmem>>
        %dma_start3A_269 = arith.constant 384 : i32
        %dma_start3A_270 = arith.constant 0 : i32
        %dma_start3A_271 = tpu.memref_slice %dma_start3A_268[%dma_start3A_269, %dma_start3A_270] : memref<640x64xf32, #tpu.memory_space<vmem>> -> memref<128x64xf32, #tpu.memory_space<vmem>>
        %dma_start3A_272 = tpu.memref_slice %arg5[%add3A_263] : memref<10240xi32, #tpu.memory_space<vmem>> -> memref<128xi32, #tpu.memory_space<vmem>>
        %dma_start3A_273 = arith.constant 0 : i32
        %dma_start3A_274 = arith.constant 0 : i32
        %dma_start3A_275 = tpu.memref_slice %arg2[%dma_start3A_273, %dma_start3A_274] : memref<1000000x64xf32, #tpu.memory_space<hbm>> -> memref<1000000x64xf32, #tpu.memory_space<hbm>>
        tpu.enqueue_indirect_dma source(%dma_start3A_275 : memref<1000000x64xf32, #tpu.memory_space<hbm>>) target(%dma_start3A_271 : memref<128x64xf32, #tpu.memory_space<vmem>>) offsets(%dma_start3A_272 : memref<128xi32, #tpu.memory_space<vmem>>) semaphore(%arg9 : memref<!tpu.dma_semaphore, #tpu.memory_space<semaphore_mem>>)
        %mul3A_276 = arith.constant 640 : i32
        %mul3A_277 = arith.muli %add3A_211, %mul3A_276 : i32
        %add3A_278 = arith.constant 512 : i32
        %add3A_279 = arith.addi %mul3A_277, %add3A_278 : i32
        %dma_start3A_280 = arith.constant 1 : i32
        %dma_start3A_281 = arith.constant 0 : i32
        %dma_start3A_282 = arith.constant 0 : i32
        %dma_start3A_283 = tpu.memref_slice %arg6[%dma_start3A_280, %dma_start3A_281, %dma_start3A_282] : memref<2x640x64xf32, #tpu.memory_space<vmem>> -> memref<1x640x64xf32, #tpu.memory_space<vmem>>
        %dma_start3A_284 = tpu.memref_squeeze %dma_start3A_283 : memref<1x640x64xf32, #tpu.memory_space<vmem>> -> memref<640x64xf32, #tpu.memory_space<vmem>>
        %dma_start3A_285 = arith.constant 512 : i32
        %dma_start3A_286 = arith.constant 0 : i32
        %dma_start3A_287 = tpu.memref_slice %dma_start3A_284[%dma_start3A_285, %dma_start3A_286] : memref<640x64xf32, #tpu.memory_space<vmem>> -> memref<128x64xf32, #tpu.memory_space<vmem>>
        %dma_start3A_288 = tpu.memref_slice %arg5[%add3A_279] : memref<10240xi32, #tpu.memory_space<vmem>> -> memref<128xi32, #tpu.memory_space<vmem>>
        %dma_start3A_289 = arith.constant 0 : i32
        %dma_start3A_290 = arith.constant 0 : i32
        %dma_start3A_291 = tpu.memref_slice %arg2[%dma_start3A_289, %dma_start3A_290] : memref<1000000x64xf32, #tpu.memory_space<hbm>> -> memref<1000000x64xf32, #tpu.memory_space<hbm>>
        tpu.enqueue_indirect_dma source(%dma_start3A_291 : memref<1000000x64xf32, #tpu.memory_space<hbm>>) target(%dma_start3A_287 : memref<128x64xf32, #tpu.memory_space<vmem>>) offsets(%dma_start3A_288 : memref<128xi32, #tpu.memory_space<vmem>>) semaphore(%arg9 : memref<!tpu.dma_semaphore, #tpu.memory_space<semaphore_mem>>)
      } else {
      }
      %dma_wait3A_112 = arith.constant 0 : i32
      %dma_wait3A_113 = arith.constant 0 : i32
      %dma_wait3A_114 = arith.constant 0 : i32
      %dma_wait3A_115 = tpu.memref_slice %arg6[%dma_wait3A_112, %dma_wait3A_113, %dma_wait3A_114] : memref<2x640x64xf32, #tpu.memory_space<vmem>> -> memref<1x640x64xf32, #tpu.memory_space<vmem>>
      %dma_wait3A_116 = tpu.memref_squeeze %dma_wait3A_115 : memref<1x640x64xf32, #tpu.memory_space<vmem>> -> memref<640x64xf32, #tpu.memory_space<vmem>>
      %dma_wait3A_117 = arith.constant 0 : i32
      %dma_wait3A_118 = arith.constant 0 : i32
      %dma_wait3A_119 = tpu.memref_slice %arg2[%dma_wait3A_117, %dma_wait3A_118] : memref<1000000x64xf32, #tpu.memory_space<hbm>> -> memref<640x64xf32, #tpu.memory_space<hbm>>
      %dma_wait3A_120 = arith.constant 0 : i32
      %dma_wait3A_121 = arith.constant 0 : i32
      %dma_wait3A_122 = tpu.memref_slice %arg6[%dma_wait3A_112, %dma_wait3A_120, %dma_wait3A_121] : memref<2x640x64xf32, #tpu.memory_space<vmem>> -> memref<1x640x64xf32, #tpu.memory_space<vmem>>
      %dma_wait3A_123 = tpu.memref_squeeze %dma_wait3A_122 : memref<1x640x64xf32, #tpu.memory_space<vmem>> -> memref<640x64xf32, #tpu.memory_space<vmem>>
      %dma_wait3A_124 = arith.constant 0 : i32
      %dma_wait3A_125 = arith.constant 0 : i32
      %dma_wait3A_126 = tpu.memref_slice %arg2[%dma_wait3A_124, %dma_wait3A_125] : memref<1000000x64xf32, #tpu.memory_space<hbm>> -> memref<640x64xf32, #tpu.memory_space<hbm>>
      tpu.wait_dma2 semaphore(%arg8 : memref<!tpu.dma_semaphore, #tpu.memory_space<semaphore_mem>>) src(%dma_wait3A_126 : memref<640x64xf32, #tpu.memory_space<hbm>>) dst(%dma_wait3A_123 : memref<640x64xf32, #tpu.memory_space<vmem>>)
      %ge3A = arith.constant 2 : i32
      %ge3A_127 = arith.cmpi sge, %add3A_107, %ge3A : i32
      %convert_element_type3A_128 = arith.extui %ge3A_127 : i1 to i32
      %cond3A_129 = arith.constant 0 : i32
      %cond3A_130 = arith.cmpi ne, %convert_element_type3A_128, %cond3A_129 : i32
      scf.if %cond3A_130 {
        %dma_wait3A_210 = arith.constant 0 : i32
        %dma_wait3A_211 = arith.constant 0 : i32
        %dma_wait3A_212 = arith.constant 0 : i32
        %dma_wait3A_213 = tpu.memref_slice %arg7[%dma_wait3A_210, %dma_wait3A_211, %dma_wait3A_212] : memref<2x32x64xf32, #tpu.memory_space<vmem>> -> memref<1x32x64xf32, #tpu.memory_space<vmem>>
        %dma_wait3A_214 = tpu.memref_squeeze %dma_wait3A_213 : memref<1x32x64xf32, #tpu.memory_space<vmem>> -> memref<32x64xf32, #tpu.memory_space<vmem>>
        %dma_wait3A_215 = arith.constant 0 : i32
        %dma_wait3A_216 = arith.constant 0 : i32
        %dma_wait3A_217 = tpu.memref_slice %arg4[%dma_wait3A_215, %dma_wait3A_216] : memref<16384x64xf32, #tpu.memory_space<hbm>> -> memref<32x64xf32, #tpu.memory_space<hbm>>
        %dma_wait3A_218 = arith.constant 0 : i32
        %dma_wait3A_219 = arith.constant 0 : i32
        %dma_wait3A_220 = tpu.memref_slice %arg4[%dma_wait3A_218, %dma_wait3A_219] : memref<16384x64xf32, #tpu.memory_space<hbm>> -> memref<32x64xf32, #tpu.memory_space<hbm>>
        %dma_wait3A_221 = arith.constant 0 : i32
        %dma_wait3A_222 = arith.constant 0 : i32
        %dma_wait3A_223 = tpu.memref_slice %arg7[%dma_wait3A_210, %dma_wait3A_221, %dma_wait3A_222] : memref<2x32x64xf32, #tpu.memory_space<vmem>> -> memref<1x32x64xf32, #tpu.memory_space<vmem>>
        %dma_wait3A_224 = tpu.memref_squeeze %dma_wait3A_223 : memref<1x32x64xf32, #tpu.memory_space<vmem>> -> memref<32x64xf32, #tpu.memory_space<vmem>>
        tpu.wait_dma2 semaphore(%arg10 : memref<!tpu.dma_semaphore, #tpu.memory_space<semaphore_mem>>) src(%dma_wait3A_224 : memref<32x64xf32, #tpu.memory_space<vmem>>) dst(%dma_wait3A_220 : memref<32x64xf32, #tpu.memory_space<hbm>>)
      } else {
      }
      %scan3A_131 = arith.constant 0 : i32
      %scan3A_132 = arith.constant 0 : i32
      %scan3A_133 = arith.constant 0 : i32
      %scan3A_134 = arith.constant 0 : i32
      %scan3A_135 = arith.constant 32 : i32
      %scan3A_136 = arith.addi %scan3A_134, %scan3A_135 : i32
      %scan3A_137 = arith.constant 1 : i32
      scf.for %scan3A_210 = %scan3A_134 to %scan3A_136 step %scan3A_137  : i32 {
        %mul3A_211 = arith.constant 20 : i32
        %mul3A_212 = arith.muli %scan3A_210, %mul3A_211 : i32
        %add3A_213 = arith.constant 0 : i32
        %add3A_214 = arith.addi %mul3A_212, %add3A_213 : i32
        %get3A = arith.constant 0 : i32
        %get3A_215 = arith.constant 0 : i32
        %get3A_216 = tpu.memref_slice %arg6[%scan3A_132, %get3A, %get3A_215] : memref<2x640x64xf32, #tpu.memory_space<vmem>> -> memref<1x640x64xf32, #tpu.memory_space<vmem>>
        %get3A_217 = tpu.memref_squeeze %get3A_216 : memref<1x640x64xf32, #tpu.memory_space<vmem>> -> memref<640x64xf32, #tpu.memory_space<vmem>>
        %get3A_218 = arith.index_cast %add3A_214 : i32 to index
        %get3A_219 = arith.constant 0 : index
        %get3A_220 = tpu.vector_load %get3A_217[%get3A_218, %get3A_219] {strides = array<i32>} : memref<640x64xf32, #tpu.memory_space<vmem>>, vector<1x16xf32>,
        %get3A_221 = vector.shape_cast %get3A_220 : vector<1x16xf32> to vector<16xf32>
        %add3A_222 = arith.constant 1 : i32
        %add3A_223 = arith.addi %mul3A_212, %add3A_222 : i32
        %get3A_224 = arith.constant 0 : i32
        %get3A_225 = arith.constant 0 : i32
        %get3A_226 = tpu.memref_slice %arg6[%scan3A_132, %get3A_224, %get3A_225] : memref<2x640x64xf32, #tpu.memory_space<vmem>> -> memref<1x640x64xf32, #tpu.memory_space<vmem>>
        %get3A_227 = tpu.memref_squeeze %get3A_226 : memref<1x640x64xf32, #tpu.memory_space<vmem>> -> memref<640x64xf32, #tpu.memory_space<vmem>>
        %get3A_228 = arith.index_cast %add3A_223 : i32 to index
        %get3A_229 = arith.constant 0 : index
        %get3A_230 = tpu.vector_load %get3A_227[%get3A_228, %get3A_229] {strides = array<i32>} : memref<640x64xf32, #tpu.memory_space<vmem>>, vector<1x16xf32>,
        %get3A_231 = vector.shape_cast %get3A_230 : vector<1x16xf32> to vector<16xf32>
        %add3A_232 = arith.constant 2 : i32
        %add3A_233 = arith.addi %mul3A_212, %add3A_232 : i32
        %get3A_234 = arith.constant 0 : i32
        %get3A_235 = arith.constant 0 : i32
        %get3A_236 = tpu.memref_slice %arg6[%scan3A_132, %get3A_234, %get3A_235] : memref<2x640x64xf32, #tpu.memory_space<vmem>> -> memref<1x640x64xf32, #tpu.memory_space<vmem>>
        %get3A_237 = tpu.memref_squeeze %get3A_236 : memref<1x640x64xf32, #tpu.memory_space<vmem>> -> memref<640x64xf32, #tpu.memory_space<vmem>>
        %get3A_238 = arith.index_cast %add3A_233 : i32 to index
        %get3A_239 = arith.constant 0 : index
        %get3A_240 = tpu.vector_load %get3A_237[%get3A_238, %get3A_239] {strides = array<i32>} : memref<640x64xf32, #tpu.memory_space<vmem>>, vector<1x16xf32>,
        %get3A_241 = vector.shape_cast %get3A_240 : vector<1x16xf32> to vector<16xf32>
        %add3A_242 = arith.constant 3 : i32
        %add3A_243 = arith.addi %mul3A_212, %add3A_242 : i32
        %get3A_244 = arith.constant 0 : i32
        %get3A_245 = arith.constant 0 : i32
        %get3A_246 = tpu.memref_slice %arg6[%scan3A_132, %get3A_244, %get3A_245] : memref<2x640x64xf32, #tpu.memory_space<vmem>> -> memref<1x640x64xf32, #tpu.memory_space<vmem>>
        %get3A_247 = tpu.memref_squeeze %get3A_246 : memref<1x640x64xf32, #tpu.memory_space<vmem>> -> memref<640x64xf32, #tpu.memory_space<vmem>>
        %get3A_248 = arith.index_cast %add3A_243 : i32 to index
        %get3A_249 = arith.constant 0 : index
        %get3A_250 = tpu.vector_load %get3A_247[%get3A_248, %get3A_249] {strides = array<i32>} : memref<640x64xf32, #tpu.memory_space<vmem>>, vector<1x16xf32>,
        %get3A_251 = vector.shape_cast %get3A_250 : vector<1x16xf32> to vector<16xf32>
        %add3A_252 = arith.constant 4 : i32
        %add3A_253 = arith.addi %mul3A_212, %add3A_252 : i32
        %get3A_254 = arith.constant 0 : i32
        %get3A_255 = arith.constant 0 : i32
        %get3A_256 = tpu.memref_slice %arg6[%scan3A_132, %get3A_254, %get3A_255] : memref<2x640x64xf32, #tpu.memory_space<vmem>> -> memref<1x640x64xf32, #tpu.memory_space<vmem>>
        %get3A_257 = tpu.memref_squeeze %get3A_256 : memref<1x640x64xf32, #tpu.memory_space<vmem>> -> memref<640x64xf32, #tpu.memory_space<vmem>>
        %get3A_258 = arith.index_cast %add3A_253 : i32 to index
        %get3A_259 = arith.constant 0 : index
        %get3A_260 = tpu.vector_load %get3A_257[%get3A_258, %get3A_259] {strides = array<i32>} : memref<640x64xf32, #tpu.memory_space<vmem>>, vector<1x16xf32>,
        %get3A_261 = vector.shape_cast %get3A_260 : vector<1x16xf32> to vector<16xf32>
        %add3A_262 = arith.constant 5 : i32
        %add3A_263 = arith.addi %mul3A_212, %add3A_262 : i32
        %get3A_264 = arith.constant 0 : i32
        %get3A_265 = arith.constant 0 : i32
        %get3A_266 = tpu.memref_slice %arg6[%scan3A_132, %get3A_264, %get3A_265] : memref<2x640x64xf32, #tpu.memory_space<vmem>> -> memref<1x640x64xf32, #tpu.memory_space<vmem>>
        %get3A_267 = tpu.memref_squeeze %get3A_266 : memref<1x640x64xf32, #tpu.memory_space<vmem>> -> memref<640x64xf32, #tpu.memory_space<vmem>>
        %get3A_268 = arith.index_cast %add3A_263 : i32 to index
        %get3A_269 = arith.constant 0 : index
        %get3A_270 = tpu.vector_load %get3A_267[%get3A_268, %get3A_269] {strides = array<i32>} : memref<640x64xf32, #tpu.memory_space<vmem>>, vector<1x16xf32>,
        %get3A_271 = vector.shape_cast %get3A_270 : vector<1x16xf32> to vector<16xf32>
        %add3A_272 = arith.constant 6 : i32
        %add3A_273 = arith.addi %mul3A_212, %add3A_272 : i32
        %get3A_274 = arith.constant 0 : i32
        %get3A_275 = arith.constant 0 : i32
        %get3A_276 = tpu.memref_slice %arg6[%scan3A_132, %get3A_274, %get3A_275] : memref<2x640x64xf32, #tpu.memory_space<vmem>> -> memref<1x640x64xf32, #tpu.memory_space<vmem>>
        %get3A_277 = tpu.memref_squeeze %get3A_276 : memref<1x640x64xf32, #tpu.memory_space<vmem>> -> memref<640x64xf32, #tpu.memory_space<vmem>>
        %get3A_278 = arith.index_cast %add3A_273 : i32 to index
        %get3A_279 = arith.constant 0 : index
        %get3A_280 = tpu.vector_load %get3A_277[%get3A_278, %get3A_279] {strides = array<i32>} : memref<640x64xf32, #tpu.memory_space<vmem>>, vector<1x16xf32>,
        %get3A_281 = vector.shape_cast %get3A_280 : vector<1x16xf32> to vector<16xf32>
        %add3A_282 = arith.constant 7 : i32
        %add3A_283 = arith.addi %mul3A_212, %add3A_282 : i32
        %get3A_284 = arith.constant 0 : i32
        %get3A_285 = arith.constant 0 : i32
        %get3A_286 = tpu.memref_slice %arg6[%scan3A_132, %get3A_284, %get3A_285] : memref<2x640x64xf32, #tpu.memory_space<vmem>> -> memref<1x640x64xf32, #tpu.memory_space<vmem>>
        %get3A_287 = tpu.memref_squeeze %get3A_286 : memref<1x640x64xf32, #tpu.memory_space<vmem>> -> memref<640x64xf32, #tpu.memory_space<vmem>>
        %get3A_288 = arith.index_cast %add3A_283 : i32 to index
        %get3A_289 = arith.constant 0 : index
        %get3A_290 = tpu.vector_load %get3A_287[%get3A_288, %get3A_289] {strides = array<i32>} : memref<640x64xf32, #tpu.memory_space<vmem>>, vector<1x16xf32>,
        %get3A_291 = vector.shape_cast %get3A_290 : vector<1x16xf32> to vector<16xf32>
        %add3A_292 = arith.constant 8 : i32
        %add3A_293 = arith.addi %mul3A_212, %add3A_292 : i32
        %get3A_294 = arith.constant 0 : i32
        %get3A_295 = arith.constant 0 : i32
        %get3A_296 = tpu.memref_slice %arg6[%scan3A_132, %get3A_294, %get3A_295] : memref<2x640x64xf32, #tpu.memory_space<vmem>> -> memref<1x640x64xf32, #tpu.memory_space<vmem>>
        %get3A_297 = tpu.memref_squeeze %get3A_296 : memref<1x640x64xf32, #tpu.memory_space<vmem>> -> memref<640x64xf32, #tpu.memory_space<vmem>>
        %get3A_298 = arith.index_cast %add3A_293 : i32 to index
        %get3A_299 = arith.constant 0 : index
        %get3A_300 = tpu.vector_load %get3A_297[%get3A_298, %get3A_299] {strides = array<i32>} : memref<640x64xf32, #tpu.memory_space<vmem>>, vector<1x16xf32>,
        %get3A_301 = vector.shape_cast %get3A_300 : vector<1x16xf32> to vector<16xf32>
        %add3A_302 = arith.constant 9 : i32
        %add3A_303 = arith.addi %mul3A_212, %add3A_302 : i32
        %get3A_304 = arith.constant 0 : i32
        %get3A_305 = arith.constant 0 : i32
        %get3A_306 = tpu.memref_slice %arg6[%scan3A_132, %get3A_304, %get3A_305] : memref<2x640x64xf32, #tpu.memory_space<vmem>> -> memref<1x640x64xf32, #tpu.memory_space<vmem>>
        %get3A_307 = tpu.memref_squeeze %get3A_306 : memref<1x640x64xf32, #tpu.memory_space<vmem>> -> memref<640x64xf32, #tpu.memory_space<vmem>>
        %get3A_308 = arith.index_cast %add3A_303 : i32 to index
        %get3A_309 = arith.constant 0 : index
        %get3A_310 = tpu.vector_load %get3A_307[%get3A_308, %get3A_309] {strides = array<i32>} : memref<640x64xf32, #tpu.memory_space<vmem>>, vector<1x16xf32>,
        %get3A_311 = vector.shape_cast %get3A_310 : vector<1x16xf32> to vector<16xf32>
        %add3A_312 = arith.constant 10 : i32
        %add3A_313 = arith.addi %mul3A_212, %add3A_312 : i32
        %get3A_314 = arith.constant 0 : i32
        %get3A_315 = arith.constant 0 : i32
        %get3A_316 = tpu.memref_slice %arg6[%scan3A_132, %get3A_314, %get3A_315] : memref<2x640x64xf32, #tpu.memory_space<vmem>> -> memref<1x640x64xf32, #tpu.memory_space<vmem>>
        %get3A_317 = tpu.memref_squeeze %get3A_316 : memref<1x640x64xf32, #tpu.memory_space<vmem>> -> memref<640x64xf32, #tpu.memory_space<vmem>>
        %get3A_318 = arith.index_cast %add3A_313 : i32 to index
        %get3A_319 = arith.constant 0 : index
        %get3A_320 = tpu.vector_load %get3A_317[%get3A_318, %get3A_319] {strides = array<i32>} : memref<640x64xf32, #tpu.memory_space<vmem>>, vector<1x16xf32>,
        %get3A_321 = vector.shape_cast %get3A_320 : vector<1x16xf32> to vector<16xf32>
        %add3A_322 = arith.constant 11 : i32
        %add3A_323 = arith.addi %mul3A_212, %add3A_322 : i32
        %get3A_324 = arith.constant 0 : i32
        %get3A_325 = arith.constant 0 : i32
        %get3A_326 = tpu.memref_slice %arg6[%scan3A_132, %get3A_324, %get3A_325] : memref<2x640x64xf32, #tpu.memory_space<vmem>> -> memref<1x640x64xf32, #tpu.memory_space<vmem>>
        %get3A_327 = tpu.memref_squeeze %get3A_326 : memref<1x640x64xf32, #tpu.memory_space<vmem>> -> memref<640x64xf32, #tpu.memory_space<vmem>>
        %get3A_328 = arith.index_cast %add3A_323 : i32 to index
        %get3A_329 = arith.constant 0 : index
        %get3A_330 = tpu.vector_load %get3A_327[%get3A_328, %get3A_329] {strides = array<i32>} : memref<640x64xf32, #tpu.memory_space<vmem>>, vector<1x16xf32>,
        %get3A_331 = vector.shape_cast %get3A_330 : vector<1x16xf32> to vector<16xf32>
        %add3A_332 = arith.constant 12 : i32
        %add3A_333 = arith.addi %mul3A_212, %add3A_332 : i32
        %get3A_334 = arith.constant 0 : i32
        %get3A_335 = arith.constant 0 : i32
        %get3A_336 = tpu.memref_slice %arg6[%scan3A_132, %get3A_334, %get3A_335] : memref<2x640x64xf32, #tpu.memory_space<vmem>> -> memref<1x640x64xf32, #tpu.memory_space<vmem>>
        %get3A_337 = tpu.memref_squeeze %get3A_336 : memref<1x640x64xf32, #tpu.memory_space<vmem>> -> memref<640x64xf32, #tpu.memory_space<vmem>>
        %get3A_338 = arith.index_cast %add3A_333 : i32 to index
        %get3A_339 = arith.constant 0 : index
        %get3A_340 = tpu.vector_load %get3A_337[%get3A_338, %get3A_339] {strides = array<i32>} : memref<640x64xf32, #tpu.memory_space<vmem>>, vector<1x16xf32>,
        %get3A_341 = vector.shape_cast %get3A_340 : vector<1x16xf32> to vector<16xf32>
        %add3A_342 = arith.constant 13 : i32
        %add3A_343 = arith.addi %mul3A_212, %add3A_342 : i32
        %get3A_344 = arith.constant 0 : i32
        %get3A_345 = arith.constant 0 : i32
        %get3A_346 = tpu.memref_slice %arg6[%scan3A_132, %get3A_344, %get3A_345] : memref<2x640x64xf32, #tpu.memory_space<vmem>> -> memref<1x640x64xf32, #tpu.memory_space<vmem>>
        %get3A_347 = tpu.memref_squeeze %get3A_346 : memref<1x640x64xf32, #tpu.memory_space<vmem>> -> memref<640x64xf32, #tpu.memory_space<vmem>>
        %get3A_348 = arith.index_cast %add3A_343 : i32 to index
        %get3A_349 = arith.constant 0 : index
        %get3A_350 = tpu.vector_load %get3A_347[%get3A_348, %get3A_349] {strides = array<i32>} : memref<640x64xf32, #tpu.memory_space<vmem>>, vector<1x16xf32>,
        %get3A_351 = vector.shape_cast %get3A_350 : vector<1x16xf32> to vector<16xf32>
        %add3A_352 = arith.constant 14 : i32
        %add3A_353 = arith.addi %mul3A_212, %add3A_352 : i32
        %get3A_354 = arith.constant 0 : i32
        %get3A_355 = arith.constant 0 : i32
        %get3A_356 = tpu.memref_slice %arg6[%scan3A_132, %get3A_354, %get3A_355] : memref<2x640x64xf32, #tpu.memory_space<vmem>> -> memref<1x640x64xf32, #tpu.memory_space<vmem>>
        %get3A_357 = tpu.memref_squeeze %get3A_356 : memref<1x640x64xf32, #tpu.memory_space<vmem>> -> memref<640x64xf32, #tpu.memory_space<vmem>>
        %get3A_358 = arith.index_cast %add3A_353 : i32 to index
        %get3A_359 = arith.constant 0 : index
        %get3A_360 = tpu.vector_load %get3A_357[%get3A_358, %get3A_359] {strides = array<i32>} : memref<640x64xf32, #tpu.memory_space<vmem>>, vector<1x16xf32>,
        %get3A_361 = vector.shape_cast %get3A_360 : vector<1x16xf32> to vector<16xf32>
        %add3A_362 = arith.constant 15 : i32
        %add3A_363 = arith.addi %mul3A_212, %add3A_362 : i32
        %get3A_364 = arith.constant 0 : i32
        %get3A_365 = arith.constant 0 : i32
        %get3A_366 = tpu.memref_slice %arg6[%scan3A_132, %get3A_364, %get3A_365] : memref<2x640x64xf32, #tpu.memory_space<vmem>> -> memref<1x640x64xf32, #tpu.memory_space<vmem>>
        %get3A_367 = tpu.memref_squeeze %get3A_366 : memref<1x640x64xf32, #tpu.memory_space<vmem>> -> memref<640x64xf32, #tpu.memory_space<vmem>>
        %get3A_368 = arith.index_cast %add3A_363 : i32 to index
        %get3A_369 = arith.constant 0 : index
        %get3A_370 = tpu.vector_load %get3A_367[%get3A_368, %get3A_369] {strides = array<i32>} : memref<640x64xf32, #tpu.memory_space<vmem>>, vector<1x16xf32>,
        %get3A_371 = vector.shape_cast %get3A_370 : vector<1x16xf32> to vector<16xf32>
        %add3A_372 = arith.constant 16 : i32
        %add3A_373 = arith.addi %mul3A_212, %add3A_372 : i32
        %get3A_374 = arith.constant 0 : i32
        %get3A_375 = arith.constant 0 : i32
        %get3A_376 = tpu.memref_slice %arg6[%scan3A_132, %get3A_374, %get3A_375] : memref<2x640x64xf32, #tpu.memory_space<vmem>> -> memref<1x640x64xf32, #tpu.memory_space<vmem>>
        %get3A_377 = tpu.memref_squeeze %get3A_376 : memref<1x640x64xf32, #tpu.memory_space<vmem>> -> memref<640x64xf32, #tpu.memory_space<vmem>>
        %get3A_378 = arith.index_cast %add3A_373 : i32 to index
        %get3A_379 = arith.constant 0 : index
        %get3A_380 = tpu.vector_load %get3A_377[%get3A_378, %get3A_379] {strides = array<i32>} : memref<640x64xf32, #tpu.memory_space<vmem>>, vector<1x16xf32>,
        %get3A_381 = vector.shape_cast %get3A_380 : vector<1x16xf32> to vector<16xf32>
        %add3A_382 = arith.constant 17 : i32
        %add3A_383 = arith.addi %mul3A_212, %add3A_382 : i32
        %get3A_384 = arith.constant 0 : i32
        %get3A_385 = arith.constant 0 : i32
        %get3A_386 = tpu.memref_slice %arg6[%scan3A_132, %get3A_384, %get3A_385] : memref<2x640x64xf32, #tpu.memory_space<vmem>> -> memref<1x640x64xf32, #tpu.memory_space<vmem>>
        %get3A_387 = tpu.memref_squeeze %get3A_386 : memref<1x640x64xf32, #tpu.memory_space<vmem>> -> memref<640x64xf32, #tpu.memory_space<vmem>>
        %get3A_388 = arith.index_cast %add3A_383 : i32 to index
        %get3A_389 = arith.constant 0 : index
        %get3A_390 = tpu.vector_load %get3A_387[%get3A_388, %get3A_389] {strides = array<i32>} : memref<640x64xf32, #tpu.memory_space<vmem>>, vector<1x16xf32>,
        %get3A_391 = vector.shape_cast %get3A_390 : vector<1x16xf32> to vector<16xf32>
        %add3A_392 = arith.constant 18 : i32
        %add3A_393 = arith.addi %mul3A_212, %add3A_392 : i32
        %get3A_394 = arith.constant 0 : i32
        %get3A_395 = arith.constant 0 : i32
        %get3A_396 = tpu.memref_slice %arg6[%scan3A_132, %get3A_394, %get3A_395] : memref<2x640x64xf32, #tpu.memory_space<vmem>> -> memref<1x640x64xf32, #tpu.memory_space<vmem>>
        %get3A_397 = tpu.memref_squeeze %get3A_396 : memref<1x640x64xf32, #tpu.memory_space<vmem>> -> memref<640x64xf32, #tpu.memory_space<vmem>>
        %get3A_398 = arith.index_cast %add3A_393 : i32 to index
        %get3A_399 = arith.constant 0 : index
        %get3A_400 = tpu.vector_load %get3A_397[%get3A_398, %get3A_399] {strides = array<i32>} : memref<640x64xf32, #tpu.memory_space<vmem>>, vector<1x16xf32>,
        %get3A_401 = vector.shape_cast %get3A_400 : vector<1x16xf32> to vector<16xf32>
        %add3A_402 = arith.constant 19 : i32
        %add3A_403 = arith.addi %mul3A_212, %add3A_402 : i32
        %get3A_404 = arith.constant 0 : i32
        %get3A_405 = arith.constant 0 : i32
        %get3A_406 = tpu.memref_slice %arg6[%scan3A_132, %get3A_404, %get3A_405] : memref<2x640x64xf32, #tpu.memory_space<vmem>> -> memref<1x640x64xf32, #tpu.memory_space<vmem>>
        %get3A_407 = tpu.memref_squeeze %get3A_406 : memref<1x640x64xf32, #tpu.memory_space<vmem>> -> memref<640x64xf32, #tpu.memory_space<vmem>>
        %get3A_408 = arith.index_cast %add3A_403 : i32 to index
        %get3A_409 = arith.constant 0 : index
        %get3A_410 = tpu.vector_load %get3A_407[%get3A_408, %get3A_409] {strides = array<i32>} : memref<640x64xf32, #tpu.memory_space<vmem>>, vector<1x16xf32>,
        %get3A_411 = vector.shape_cast %get3A_410 : vector<1x16xf32> to vector<16xf32>
        %add3A_412 = arith.addf %get3A_221, %get3A_231 : vector<16xf32>
        %add3A_413 = arith.addf %get3A_241, %get3A_251 : vector<16xf32>
        %add3A_414 = arith.addf %get3A_261, %get3A_271 : vector<16xf32>
        %add3A_415 = arith.addf %get3A_281, %get3A_291 : vector<16xf32>
        %add3A_416 = arith.addf %get3A_301, %get3A_311 : vector<16xf32>
        %add3A_417 = arith.addf %get3A_321, %get3A_331 : vector<16xf32>
        %add3A_418 = arith.addf %get3A_341, %get3A_351 : vector<16xf32>
        %add3A_419 = arith.addf %get3A_361, %get3A_371 : vector<16xf32>
        %add3A_420 = arith.addf %get3A_381, %get3A_391 : vector<16xf32>
        %add3A_421 = arith.addf %get3A_401, %get3A_411 : vector<16xf32>
        %add3A_422 = arith.addf %add3A_412, %add3A_413 : vector<16xf32>
        %add3A_423 = arith.addf %add3A_414, %add3A_415 : vector<16xf32>
        %add3A_424 = arith.addf %add3A_416, %add3A_417 : vector<16xf32>
        %add3A_425 = arith.addf %add3A_418, %add3A_419 : vector<16xf32>
        %add3A_426 = arith.addf %add3A_420, %add3A_421 : vector<16xf32>
        %add3A_427 = arith.addf %add3A_422, %add3A_423 : vector<16xf32>
        %add3A_428 = arith.addf %add3A_424, %add3A_425 : vector<16xf32>
        %add3A_429 = arith.addf %add3A_428, %add3A_426 : vector<16xf32>
        %add3A_430 = arith.addf %add3A_427, %add3A_429 : vector<16xf32>
        %mul3A_431 = arith.constant 5.000000e-02 : f32
        %mul3A_432 = vector.broadcast %mul3A_431 : f32 to vector<16xf32>
        %mul3A_433 = arith.mulf %add3A_430, %mul3A_432 : vector<16xf32>
        %swap3A = arith.constant 0 : i32
        %swap3A_434 = arith.constant 0 : i32
        %swap3A_435 = tpu.memref_slice %arg7[%scan3A_133, %swap3A, %swap3A_434] : memref<2x32x64xf32, #tpu.memory_space<vmem>> -> memref<1x32x64xf32, #tpu.memory_space<vmem>>
        %swap3A_436 = tpu.memref_squeeze %swap3A_435 : memref<1x32x64xf32, #tpu.memory_space<vmem>> -> memref<32x64xf32, #tpu.memory_space<vmem>>
        %swap3A_437 = arith.index_cast %scan3A_210 : i32 to index
        %swap3A_438 = arith.constant 0 : index
        %swap3A_439 = tpu.vector_load %swap3A_436[%swap3A_437, %swap3A_438] {strides = array<i32>} : memref<32x64xf32, #tpu.memory_space<vmem>>, vector<1x16xf32>,
        %swap3A_440 = vector.shape_cast %swap3A_439 : vector<1x16xf32> to vector<16xf32>
        %swap3A_441 = vector.shape_cast %mul3A_433 : vector<16xf32> to vector<1x16xf32>
        tpu.vector_store %swap3A_436[%swap3A_437, %swap3A_438], %swap3A_441 {strides = array<i32>} : memref<32x64xf32, #tpu.memory_space<vmem>>, vector<1x16xf32>,
        %add3A_442 = arith.constant 0 : i32
        %add3A_443 = arith.addi %mul3A_212, %add3A_442 : i32
        %get3A_444 = arith.constant 0 : i32
        %get3A_445 = arith.constant 0 : i32
        %get3A_446 = tpu.memref_slice %arg6[%scan3A_132, %get3A_444, %get3A_445] : memref<2x640x64xf32, #tpu.memory_space<vmem>> -> memref<1x640x64xf32, #tpu.memory_space<vmem>>
        %get3A_447 = tpu.memref_squeeze %get3A_446 : memref<1x640x64xf32, #tpu.memory_space<vmem>> -> memref<640x64xf32, #tpu.memory_space<vmem>>
        %get3A_448 = arith.index_cast %add3A_443 : i32 to index
        %get3A_449 = arith.constant 16 : index
        %get3A_450 = tpu.vector_load %get3A_447[%get3A_448, %get3A_449] {strides = array<i32>} : memref<640x64xf32, #tpu.memory_space<vmem>>, vector<1x16xf32>,
        %get3A_451 = vector.shape_cast %get3A_450 : vector<1x16xf32> to vector<16xf32>
        %add3A_452 = arith.constant 1 : i32
        %add3A_453 = arith.addi %mul3A_212, %add3A_452 : i32
        %get3A_454 = arith.constant 0 : i32
        %get3A_455 = arith.constant 0 : i32
        %get3A_456 = tpu.memref_slice %arg6[%scan3A_132, %get3A_454, %get3A_455] : memref<2x640x64xf32, #tpu.memory_space<vmem>> -> memref<1x640x64xf32, #tpu.memory_space<vmem>>
        %get3A_457 = tpu.memref_squeeze %get3A_456 : memref<1x640x64xf32, #tpu.memory_space<vmem>> -> memref<640x64xf32, #tpu.memory_space<vmem>>
        %get3A_458 = arith.index_cast %add3A_453 : i32 to index
        %get3A_459 = arith.constant 16 : index
        %get3A_460 = tpu.vector_load %get3A_457[%get3A_458, %get3A_459] {strides = array<i32>} : memref<640x64xf32, #tpu.memory_space<vmem>>, vector<1x16xf32>,
        %get3A_461 = vector.shape_cast %get3A_460 : vector<1x16xf32> to vector<16xf32>
        %add3A_462 = arith.constant 2 : i32
        %add3A_463 = arith.addi %mul3A_212, %add3A_462 : i32
        %get3A_464 = arith.constant 0 : i32
        %get3A_465 = arith.constant 0 : i32
        %get3A_466 = tpu.memref_slice %arg6[%scan3A_132, %get3A_464, %get3A_465] : memref<2x640x64xf32, #tpu.memory_space<vmem>> -> memref<1x640x64xf32, #tpu.memory_space<vmem>>
        %get3A_467 = tpu.memref_squeeze %get3A_466 : memref<1x640x64xf32, #tpu.memory_space<vmem>> -> memref<640x64xf32, #tpu.memory_space<vmem>>
        %get3A_468 = arith.index_cast %add3A_463 : i32 to index
        %get3A_469 = arith.constant 16 : index
        %get3A_470 = tpu.vector_load %get3A_467[%get3A_468, %get3A_469] {strides = array<i32>} : memref<640x64xf32, #tpu.memory_space<vmem>>, vector<1x16xf32>,
        %get3A_471 = vector.shape_cast %get3A_470 : vector<1x16xf32> to vector<16xf32>
        %add3A_472 = arith.constant 3 : i32
        %add3A_473 = arith.addi %mul3A_212, %add3A_472 : i32
        %get3A_474 = arith.constant 0 : i32
        %get3A_475 = arith.constant 0 : i32
        %get3A_476 = tpu.memref_slice %arg6[%scan3A_132, %get3A_474, %get3A_475] : memref<2x640x64xf32, #tpu.memory_space<vmem>> -> memref<1x640x64xf32, #tpu.memory_space<vmem>>
        %get3A_477 = tpu.memref_squeeze %get3A_476 : memref<1x640x64xf32, #tpu.memory_space<vmem>> -> memref<640x64xf32, #tpu.memory_space<vmem>>
        %get3A_478 = arith.index_cast %add3A_473 : i32 to index
        %get3A_479 = arith.constant 16 : index
        %get3A_480 = tpu.vector_load %get3A_477[%get3A_478, %get3A_479] {strides = array<i32>} : memref<640x64xf32, #tpu.memory_space<vmem>>, vector<1x16xf32>,
        %get3A_481 = vector.shape_cast %get3A_480 : vector<1x16xf32> to vector<16xf32>
        %add3A_482 = arith.constant 4 : i32
        %add3A_483 = arith.addi %mul3A_212, %add3A_482 : i32
        %get3A_484 = arith.constant 0 : i32
        %get3A_485 = arith.constant 0 : i32
        %get3A_486 = tpu.memref_slice %arg6[%scan3A_132, %get3A_484, %get3A_485] : memref<2x640x64xf32, #tpu.memory_space<vmem>> -> memref<1x640x64xf32, #tpu.memory_space<vmem>>
        %get3A_487 = tpu.memref_squeeze %get3A_486 : memref<1x640x64xf32, #tpu.memory_space<vmem>> -> memref<640x64xf32, #tpu.memory_space<vmem>>
        %get3A_488 = arith.index_cast %add3A_483 : i32 to index
        %get3A_489 = arith.constant 16 : index
        %get3A_490 = tpu.vector_load %get3A_487[%get3A_488, %get3A_489] {strides = array<i32>} : memref<640x64xf32, #tpu.memory_space<vmem>>, vector<1x16xf32>,
        %get3A_491 = vector.shape_cast %get3A_490 : vector<1x16xf32> to vector<16xf32>
        %add3A_492 = arith.constant 5 : i32
        %add3A_493 = arith.addi %mul3A_212, %add3A_492 : i32
        %get3A_494 = arith.constant 0 : i32
        %get3A_495 = arith.constant 0 : i32
        %get3A_496 = tpu.memref_slice %arg6[%scan3A_132, %get3A_494, %get3A_495] : memref<2x640x64xf32, #tpu.memory_space<vmem>> -> memref<1x640x64xf32, #tpu.memory_space<vmem>>
        %get3A_497 = tpu.memref_squeeze %get3A_496 : memref<1x640x64xf32, #tpu.memory_space<vmem>> -> memref<640x64xf32, #tpu.memory_space<vmem>>
        %get3A_498 = arith.index_cast %add3A_493 : i32 to index
        %get3A_499 = arith.constant 16 : index
        %get3A_500 = tpu.vector_load %get3A_497[%get3A_498, %get3A_499] {strides = array<i32>} : memref<640x64xf32, #tpu.memory_space<vmem>>, vector<1x16xf32>,
        %get3A_501 = vector.shape_cast %get3A_500 : vector<1x16xf32> to vector<16xf32>
        %add3A_502 = arith.constant 6 : i32
        %add3A_503 = arith.addi %mul3A_212, %add3A_502 : i32
        %get3A_504 = arith.constant 0 : i32
        %get3A_505 = arith.constant 0 : i32
        %get3A_506 = tpu.memref_slice %arg6[%scan3A_132, %get3A_504, %get3A_505] : memref<2x640x64xf32, #tpu.memory_space<vmem>> -> memref<1x640x64xf32, #tpu.memory_space<vmem>>
        %get3A_507 = tpu.memref_squeeze %get3A_506 : memref<1x640x64xf32, #tpu.memory_space<vmem>> -> memref<640x64xf32, #tpu.memory_space<vmem>>
        %get3A_508 = arith.index_cast %add3A_503 : i32 to index
        %get3A_509 = arith.constant 16 : index
        %get3A_510 = tpu.vector_load %get3A_507[%get3A_508, %get3A_509] {strides = array<i32>} : memref<640x64xf32, #tpu.memory_space<vmem>>, vector<1x16xf32>,
        %get3A_511 = vector.shape_cast %get3A_510 : vector<1x16xf32> to vector<16xf32>
        %add3A_512 = arith.constant 7 : i32
        %add3A_513 = arith.addi %mul3A_212, %add3A_512 : i32
        %get3A_514 = arith.constant 0 : i32
        %get3A_515 = arith.constant 0 : i32
        %get3A_516 = tpu.memref_slice %arg6[%scan3A_132, %get3A_514, %get3A_515] : memref<2x640x64xf32, #tpu.memory_space<vmem>> -> memref<1x640x64xf32, #tpu.memory_space<vmem>>
        %get3A_517 = tpu.memref_squeeze %get3A_516 : memref<1x640x64xf32, #tpu.memory_space<vmem>> -> memref<640x64xf32, #tpu.memory_space<vmem>>
        %get3A_518 = arith.index_cast %add3A_513 : i32 to index
        %get3A_519 = arith.constant 16 : index
        %get3A_520 = tpu.vector_load %get3A_517[%get3A_518, %get3A_519] {strides = array<i32>} : memref<640x64xf32, #tpu.memory_space<vmem>>, vector<1x16xf32>,
        %get3A_521 = vector.shape_cast %get3A_520 : vector<1x16xf32> to vector<16xf32>
        %add3A_522 = arith.constant 8 : i32
        %add3A_523 = arith.addi %mul3A_212, %add3A_522 : i32
        %get3A_524 = arith.constant 0 : i32
        %get3A_525 = arith.constant 0 : i32
        %get3A_526 = tpu.memref_slice %arg6[%scan3A_132, %get3A_524, %get3A_525] : memref<2x640x64xf32, #tpu.memory_space<vmem>> -> memref<1x640x64xf32, #tpu.memory_space<vmem>>
        %get3A_527 = tpu.memref_squeeze %get3A_526 : memref<1x640x64xf32, #tpu.memory_space<vmem>> -> memref<640x64xf32, #tpu.memory_space<vmem>>
        %get3A_528 = arith.index_cast %add3A_523 : i32 to index
        %get3A_529 = arith.constant 16 : index
        %get3A_530 = tpu.vector_load %get3A_527[%get3A_528, %get3A_529] {strides = array<i32>} : memref<640x64xf32, #tpu.memory_space<vmem>>, vector<1x16xf32>,
        %get3A_531 = vector.shape_cast %get3A_530 : vector<1x16xf32> to vector<16xf32>
        %add3A_532 = arith.constant 9 : i32
        %add3A_533 = arith.addi %mul3A_212, %add3A_532 : i32
        %get3A_534 = arith.constant 0 : i32
        %get3A_535 = arith.constant 0 : i32
        %get3A_536 = tpu.memref_slice %arg6[%scan3A_132, %get3A_534, %get3A_535] : memref<2x640x64xf32, #tpu.memory_space<vmem>> -> memref<1x640x64xf32, #tpu.memory_space<vmem>>
        %get3A_537 = tpu.memref_squeeze %get3A_536 : memref<1x640x64xf32, #tpu.memory_space<vmem>> -> memref<640x64xf32, #tpu.memory_space<vmem>>
        %get3A_538 = arith.index_cast %add3A_533 : i32 to index
        %get3A_539 = arith.constant 16 : index
        %get3A_540 = tpu.vector_load %get3A_537[%get3A_538, %get3A_539] {strides = array<i32>} : memref<640x64xf32, #tpu.memory_space<vmem>>, vector<1x16xf32>,
        %get3A_541 = vector.shape_cast %get3A_540 : vector<1x16xf32> to vector<16xf32>
        %add3A_542 = arith.constant 10 : i32
        %add3A_543 = arith.addi %mul3A_212, %add3A_542 : i32
        %get3A_544 = arith.constant 0 : i32
        %get3A_545 = arith.constant 0 : i32
        %get3A_546 = tpu.memref_slice %arg6[%scan3A_132, %get3A_544, %get3A_545] : memref<2x640x64xf32, #tpu.memory_space<vmem>> -> memref<1x640x64xf32, #tpu.memory_space<vmem>>
        %get3A_547 = tpu.memref_squeeze %get3A_546 : memref<1x640x64xf32, #tpu.memory_space<vmem>> -> memref<640x64xf32, #tpu.memory_space<vmem>>
        %get3A_548 = arith.index_cast %add3A_543 : i32 to index
        %get3A_549 = arith.constant 16 : index
        %get3A_550 = tpu.vector_load %get3A_547[%get3A_548, %get3A_549] {strides = array<i32>} : memref<640x64xf32, #tpu.memory_space<vmem>>, vector<1x16xf32>,
        %get3A_551 = vector.shape_cast %get3A_550 : vector<1x16xf32> to vector<16xf32>
        %add3A_552 = arith.constant 11 : i32
        %add3A_553 = arith.addi %mul3A_212, %add3A_552 : i32
        %get3A_554 = arith.constant 0 : i32
        %get3A_555 = arith.constant 0 : i32
        %get3A_556 = tpu.memref_slice %arg6[%scan3A_132, %get3A_554, %get3A_555] : memref<2x640x64xf32, #tpu.memory_space<vmem>> -> memref<1x640x64xf32, #tpu.memory_space<vmem>>
        %get3A_557 = tpu.memref_squeeze %get3A_556 : memref<1x640x64xf32, #tpu.memory_space<vmem>> -> memref<640x64xf32, #tpu.memory_space<vmem>>
        %get3A_558 = arith.index_cast %add3A_553 : i32 to index
        %get3A_559 = arith.constant 16 : index
        %get3A_560 = tpu.vector_load %get3A_557[%get3A_558, %get3A_559] {strides = array<i32>} : memref<640x64xf32, #tpu.memory_space<vmem>>, vector<1x16xf32>,
        %get3A_561 = vector.shape_cast %get3A_560 : vector<1x16xf32> to vector<16xf32>
        %add3A_562 = arith.constant 12 : i32
        %add3A_563 = arith.addi %mul3A_212, %add3A_562 : i32
        %get3A_564 = arith.constant 0 : i32
        %get3A_565 = arith.constant 0 : i32
        %get3A_566 = tpu.memref_slice %arg6[%scan3A_132, %get3A_564, %get3A_565] : memref<2x640x64xf32, #tpu.memory_space<vmem>> -> memref<1x640x64xf32, #tpu.memory_space<vmem>>
        %get3A_567 = tpu.memref_squeeze %get3A_566 : memref<1x640x64xf32, #tpu.memory_space<vmem>> -> memref<640x64xf32, #tpu.memory_space<vmem>>
        %get3A_568 = arith.index_cast %add3A_563 : i32 to index
        %get3A_569 = arith.constant 16 : index
        %get3A_570 = tpu.vector_load %get3A_567[%get3A_568, %get3A_569] {strides = array<i32>} : memref<640x64xf32, #tpu.memory_space<vmem>>, vector<1x16xf32>,
        %get3A_571 = vector.shape_cast %get3A_570 : vector<1x16xf32> to vector<16xf32>
        %add3A_572 = arith.constant 13 : i32
        %add3A_573 = arith.addi %mul3A_212, %add3A_572 : i32
        %get3A_574 = arith.constant 0 : i32
        %get3A_575 = arith.constant 0 : i32
        %get3A_576 = tpu.memref_slice %arg6[%scan3A_132, %get3A_574, %get3A_575] : memref<2x640x64xf32, #tpu.memory_space<vmem>> -> memref<1x640x64xf32, #tpu.memory_space<vmem>>
        %get3A_577 = tpu.memref_squeeze %get3A_576 : memref<1x640x64xf32, #tpu.memory_space<vmem>> -> memref<640x64xf32, #tpu.memory_space<vmem>>
        %get3A_578 = arith.index_cast %add3A_573 : i32 to index
        %get3A_579 = arith.constant 16 : index
        %get3A_580 = tpu.vector_load %get3A_577[%get3A_578, %get3A_579] {strides = array<i32>} : memref<640x64xf32, #tpu.memory_space<vmem>>, vector<1x16xf32>,
        %get3A_581 = vector.shape_cast %get3A_580 : vector<1x16xf32> to vector<16xf32>
        %add3A_582 = arith.constant 14 : i32
        %add3A_583 = arith.addi %mul3A_212, %add3A_582 : i32
        %get3A_584 = arith.constant 0 : i32
        %get3A_585 = arith.constant 0 : i32
        %get3A_586 = tpu.memref_slice %arg6[%scan3A_132, %get3A_584, %get3A_585] : memref<2x640x64xf32, #tpu.memory_space<vmem>> -> memref<1x640x64xf32, #tpu.memory_space<vmem>>
        %get3A_587 = tpu.memref_squeeze %get3A_586 : memref<1x640x64xf32, #tpu.memory_space<vmem>> -> memref<640x64xf32, #tpu.memory_space<vmem>>
        %get3A_588 = arith.index_cast %add3A_583 : i32 to index
        %get3A_589 = arith.constant 16 : index
        %get3A_590 = tpu.vector_load %get3A_587[%get3A_588, %get3A_589] {strides = array<i32>} : memref<640x64xf32, #tpu.memory_space<vmem>>, vector<1x16xf32>,
        %get3A_591 = vector.shape_cast %get3A_590 : vector<1x16xf32> to vector<16xf32>
        %add3A_592 = arith.constant 15 : i32
        %add3A_593 = arith.addi %mul3A_212, %add3A_592 : i32
        %get3A_594 = arith.constant 0 : i32
        %get3A_595 = arith.constant 0 : i32
        %get3A_596 = tpu.memref_slice %arg6[%scan3A_132, %get3A_594, %get3A_595] : memref<2x640x64xf32, #tpu.memory_space<vmem>> -> memref<1x640x64xf32, #tpu.memory_space<vmem>>
        %get3A_597 = tpu.memref_squeeze %get3A_596 : memref<1x640x64xf32, #tpu.memory_space<vmem>> -> memref<640x64xf32, #tpu.memory_space<vmem>>
        %get3A_598 = arith.index_cast %add3A_593 : i32 to index
        %get3A_599 = arith.constant 16 : index
        %get3A_600 = tpu.vector_load %get3A_597[%get3A_598, %get3A_599] {strides = array<i32>} : memref<640x64xf32, #tpu.memory_space<vmem>>, vector<1x16xf32>,
        %get3A_601 = vector.shape_cast %get3A_600 : vector<1x16xf32> to vector<16xf32>
        %add3A_602 = arith.constant 16 : i32
        %add3A_603 = arith.addi %mul3A_212, %add3A_602 : i32
        %get3A_604 = arith.constant 0 : i32
        %get3A_605 = arith.constant 0 : i32
        %get3A_606 = tpu.memref_slice %arg6[%scan3A_132, %get3A_604, %get3A_605] : memref<2x640x64xf32, #tpu.memory_space<vmem>> -> memref<1x640x64xf32, #tpu.memory_space<vmem>>
        %get3A_607 = tpu.memref_squeeze %get3A_606 : memref<1x640x64xf32, #tpu.memory_space<vmem>> -> memref<640x64xf32, #tpu.memory_space<vmem>>
        %get3A_608 = arith.index_cast %add3A_603 : i32 to index
        %get3A_609 = arith.constant 16 : index
        %get3A_610 = tpu.vector_load %get3A_607[%get3A_608, %get3A_609] {strides = array<i32>} : memref<640x64xf32, #tpu.memory_space<vmem>>, vector<1x16xf32>,
        %get3A_611 = vector.shape_cast %get3A_610 : vector<1x16xf32> to vector<16xf32>
        %add3A_612 = arith.constant 17 : i32
        %add3A_613 = arith.addi %mul3A_212, %add3A_612 : i32
        %get3A_614 = arith.constant 0 : i32
        %get3A_615 = arith.constant 0 : i32
        %get3A_616 = tpu.memref_slice %arg6[%scan3A_132, %get3A_614, %get3A_615] : memref<2x640x64xf32, #tpu.memory_space<vmem>> -> memref<1x640x64xf32, #tpu.memory_space<vmem>>
        %get3A_617 = tpu.memref_squeeze %get3A_616 : memref<1x640x64xf32, #tpu.memory_space<vmem>> -> memref<640x64xf32, #tpu.memory_space<vmem>>
        %get3A_618 = arith.index_cast %add3A_613 : i32 to index
        %get3A_619 = arith.constant 16 : index
        %get3A_620 = tpu.vector_load %get3A_617[%get3A_618, %get3A_619] {strides = array<i32>} : memref<640x64xf32, #tpu.memory_space<vmem>>, vector<1x16xf32>,
        %get3A_621 = vector.shape_cast %get3A_620 : vector<1x16xf32> to vector<16xf32>
        %add3A_622 = arith.constant 18 : i32
        %add3A_623 = arith.addi %mul3A_212, %add3A_622 : i32
        %get3A_624 = arith.constant 0 : i32
        %get3A_625 = arith.constant 0 : i32
        %get3A_626 = tpu.memref_slice %arg6[%scan3A_132, %get3A_624, %get3A_625] : memref<2x640x64xf32, #tpu.memory_space<vmem>> -> memref<1x640x64xf32, #tpu.memory_space<vmem>>
        %get3A_627 = tpu.memref_squeeze %get3A_626 : memref<1x640x64xf32, #tpu.memory_space<vmem>> -> memref<640x64xf32, #tpu.memory_space<vmem>>
        %get3A_628 = arith.index_cast %add3A_623 : i32 to index
        %get3A_629 = arith.constant 16 : index
        %get3A_630 = tpu.vector_load %get3A_627[%get3A_628, %get3A_629] {strides = array<i32>} : memref<640x64xf32, #tpu.memory_space<vmem>>, vector<1x16xf32>,
        %get3A_631 = vector.shape_cast %get3A_630 : vector<1x16xf32> to vector<16xf32>
        %add3A_632 = arith.constant 19 : i32
        %add3A_633 = arith.addi %mul3A_212, %add3A_632 : i32
        %get3A_634 = arith.constant 0 : i32
        %get3A_635 = arith.constant 0 : i32
        %get3A_636 = tpu.memref_slice %arg6[%scan3A_132, %get3A_634, %get3A_635] : memref<2x640x64xf32, #tpu.memory_space<vmem>> -> memref<1x640x64xf32, #tpu.memory_space<vmem>>
        %get3A_637 = tpu.memref_squeeze %get3A_636 : memref<1x640x64xf32, #tpu.memory_space<vmem>> -> memref<640x64xf32, #tpu.memory_space<vmem>>
        %get3A_638 = arith.index_cast %add3A_633 : i32 to index
        %get3A_639 = arith.constant 16 : index
        %get3A_640 = tpu.vector_load %get3A_637[%get3A_638, %get3A_639] {strides = array<i32>} : memref<640x64xf32, #tpu.memory_space<vmem>>, vector<1x16xf32>,
        %get3A_641 = vector.shape_cast %get3A_640 : vector<1x16xf32> to vector<16xf32>
        %add3A_642 = arith.addf %get3A_451, %get3A_461 : vector<16xf32>
        %add3A_643 = arith.addf %get3A_471, %get3A_481 : vector<16xf32>
        %add3A_644 = arith.addf %get3A_491, %get3A_501 : vector<16xf32>
        %add3A_645 = arith.addf %get3A_511, %get3A_521 : vector<16xf32>
        %add3A_646 = arith.addf %get3A_531, %get3A_541 : vector<16xf32>
        %add3A_647 = arith.addf %get3A_551, %get3A_561 : vector<16xf32>
        %add3A_648 = arith.addf %get3A_571, %get3A_581 : vector<16xf32>
        %add3A_649 = arith.addf %get3A_591, %get3A_601 : vector<16xf32>
        %add3A_650 = arith.addf %get3A_611, %get3A_621 : vector<16xf32>
        %add3A_651 = arith.addf %get3A_631, %get3A_641 : vector<16xf32>
        %add3A_652 = arith.addf %add3A_642, %add3A_643 : vector<16xf32>
        %add3A_653 = arith.addf %add3A_644, %add3A_645 : vector<16xf32>
        %add3A_654 = arith.addf %add3A_646, %add3A_647 : vector<16xf32>
        %add3A_655 = arith.addf %add3A_648, %add3A_649 : vector<16xf32>
        %add3A_656 = arith.addf %add3A_650, %add3A_651 : vector<16xf32>
        %add3A_657 = arith.addf %add3A_652, %add3A_653 : vector<16xf32>
        %add3A_658 = arith.addf %add3A_654, %add3A_655 : vector<16xf32>
        %add3A_659 = arith.addf %add3A_658, %add3A_656 : vector<16xf32>
        %add3A_660 = arith.addf %add3A_657, %add3A_659 : vector<16xf32>
        %mul3A_661 = arith.constant 5.000000e-02 : f32
        %mul3A_662 = vector.broadcast %mul3A_661 : f32 to vector<16xf32>
        %mul3A_663 = arith.mulf %add3A_660, %mul3A_662 : vector<16xf32>
        %swap3A_664 = arith.constant 0 : i32
        %swap3A_665 = arith.constant 0 : i32
        %swap3A_666 = tpu.memref_slice %arg7[%scan3A_133, %swap3A_664, %swap3A_665] : memref<2x32x64xf32, #tpu.memory_space<vmem>> -> memref<1x32x64xf32, #tpu.memory_space<vmem>>
        %swap3A_667 = tpu.memref_squeeze %swap3A_666 : memref<1x32x64xf32, #tpu.memory_space<vmem>> -> memref<32x64xf32, #tpu.memory_space<vmem>>
        %swap3A_668 = arith.index_cast %scan3A_210 : i32 to index
        %swap3A_669 = arith.constant 16 : index
        %swap3A_670 = tpu.vector_load %swap3A_667[%swap3A_668, %swap3A_669] {strides = array<i32>} : memref<32x64xf32, #tpu.memory_space<vmem>>, vector<1x16xf32>,
        %swap3A_671 = vector.shape_cast %swap3A_670 : vector<1x16xf32> to vector<16xf32>
        %swap3A_672 = vector.shape_cast %mul3A_663 : vector<16xf32> to vector<1x16xf32>
        tpu.vector_store %swap3A_667[%swap3A_668, %swap3A_669], %swap3A_672 {strides = array<i32>} : memref<32x64xf32, #tpu.memory_space<vmem>>, vector<1x16xf32>,
        %add3A_673 = arith.constant 0 : i32
        %add3A_674 = arith.addi %mul3A_212, %add3A_673 : i32
        %get3A_675 = arith.constant 0 : i32
        %get3A_676 = arith.constant 0 : i32
        %get3A_677 = tpu.memref_slice %arg6[%scan3A_132, %get3A_675, %get3A_676] : memref<2x640x64xf32, #tpu.memory_space<vmem>> -> memref<1x640x64xf32, #tpu.memory_space<vmem>>
        %get3A_678 = tpu.memref_squeeze %get3A_677 : memref<1x640x64xf32, #tpu.memory_space<vmem>> -> memref<640x64xf32, #tpu.memory_space<vmem>>
        %get3A_679 = arith.index_cast %add3A_674 : i32 to index
        %get3A_680 = arith.constant 32 : index
        %get3A_681 = tpu.vector_load %get3A_678[%get3A_679, %get3A_680] {strides = array<i32>} : memref<640x64xf32, #tpu.memory_space<vmem>>, vector<1x16xf32>,
        %get3A_682 = vector.shape_cast %get3A_681 : vector<1x16xf32> to vector<16xf32>
        %add3A_683 = arith.constant 1 : i32
        %add3A_684 = arith.addi %mul3A_212, %add3A_683 : i32
        %get3A_685 = arith.constant 0 : i32
        %get3A_686 = arith.constant 0 : i32
        %get3A_687 = tpu.memref_slice %arg6[%scan3A_132, %get3A_685, %get3A_686] : memref<2x640x64xf32, #tpu.memory_space<vmem>> -> memref<1x640x64xf32, #tpu.memory_space<vmem>>
        %get3A_688 = tpu.memref_squeeze %get3A_687 : memref<1x640x64xf32, #tpu.memory_space<vmem>> -> memref<640x64xf32, #tpu.memory_space<vmem>>
        %get3A_689 = arith.index_cast %add3A_684 : i32 to index
        %get3A_690 = arith.constant 32 : index
        %get3A_691 = tpu.vector_load %get3A_688[%get3A_689, %get3A_690] {strides = array<i32>} : memref<640x64xf32, #tpu.memory_space<vmem>>, vector<1x16xf32>,
        %get3A_692 = vector.shape_cast %get3A_691 : vector<1x16xf32> to vector<16xf32>
        %add3A_693 = arith.constant 2 : i32
        %add3A_694 = arith.addi %mul3A_212, %add3A_693 : i32
        %get3A_695 = arith.constant 0 : i32
        %get3A_696 = arith.constant 0 : i32
        %get3A_697 = tpu.memref_slice %arg6[%scan3A_132, %get3A_695, %get3A_696] : memref<2x640x64xf32, #tpu.memory_space<vmem>> -> memref<1x640x64xf32, #tpu.memory_space<vmem>>
        %get3A_698 = tpu.memref_squeeze %get3A_697 : memref<1x640x64xf32, #tpu.memory_space<vmem>> -> memref<640x64xf32, #tpu.memory_space<vmem>>
        %get3A_699 = arith.index_cast %add3A_694 : i32 to index
        %get3A_700 = arith.constant 32 : index
        %get3A_701 = tpu.vector_load %get3A_698[%get3A_699, %get3A_700] {strides = array<i32>} : memref<640x64xf32, #tpu.memory_space<vmem>>, vector<1x16xf32>,
        %get3A_702 = vector.shape_cast %get3A_701 : vector<1x16xf32> to vector<16xf32>
        %add3A_703 = arith.constant 3 : i32
        %add3A_704 = arith.addi %mul3A_212, %add3A_703 : i32
        %get3A_705 = arith.constant 0 : i32
        %get3A_706 = arith.constant 0 : i32
        %get3A_707 = tpu.memref_slice %arg6[%scan3A_132, %get3A_705, %get3A_706] : memref<2x640x64xf32, #tpu.memory_space<vmem>> -> memref<1x640x64xf32, #tpu.memory_space<vmem>>
        %get3A_708 = tpu.memref_squeeze %get3A_707 : memref<1x640x64xf32, #tpu.memory_space<vmem>> -> memref<640x64xf32, #tpu.memory_space<vmem>>
        %get3A_709 = arith.index_cast %add3A_704 : i32 to index
        %get3A_710 = arith.constant 32 : index
        %get3A_711 = tpu.vector_load %get3A_708[%get3A_709, %get3A_710] {strides = array<i32>} : memref<640x64xf32, #tpu.memory_space<vmem>>, vector<1x16xf32>,
        %get3A_712 = vector.shape_cast %get3A_711 : vector<1x16xf32> to vector<16xf32>
        %add3A_713 = arith.constant 4 : i32
        %add3A_714 = arith.addi %mul3A_212, %add3A_713 : i32
        %get3A_715 = arith.constant 0 : i32
        %get3A_716 = arith.constant 0 : i32
        %get3A_717 = tpu.memref_slice %arg6[%scan3A_132, %get3A_715, %get3A_716] : memref<2x640x64xf32, #tpu.memory_space<vmem>> -> memref<1x640x64xf32, #tpu.memory_space<vmem>>
        %get3A_718 = tpu.memref_squeeze %get3A_717 : memref<1x640x64xf32, #tpu.memory_space<vmem>> -> memref<640x64xf32, #tpu.memory_space<vmem>>
        %get3A_719 = arith.index_cast %add3A_714 : i32 to index
        %get3A_720 = arith.constant 32 : index
        %get3A_721 = tpu.vector_load %get3A_718[%get3A_719, %get3A_720] {strides = array<i32>} : memref<640x64xf32, #tpu.memory_space<vmem>>, vector<1x16xf32>,
        %get3A_722 = vector.shape_cast %get3A_721 : vector<1x16xf32> to vector<16xf32>
        %add3A_723 = arith.constant 5 : i32
        %add3A_724 = arith.addi %mul3A_212, %add3A_723 : i32
        %get3A_725 = arith.constant 0 : i32
        %get3A_726 = arith.constant 0 : i32
        %get3A_727 = tpu.memref_slice %arg6[%scan3A_132, %get3A_725, %get3A_726] : memref<2x640x64xf32, #tpu.memory_space<vmem>> -> memref<1x640x64xf32, #tpu.memory_space<vmem>>
        %get3A_728 = tpu.memref_squeeze %get3A_727 : memref<1x640x64xf32, #tpu.memory_space<vmem>> -> memref<640x64xf32, #tpu.memory_space<vmem>>
        %get3A_729 = arith.index_cast %add3A_724 : i32 to index
        %get3A_730 = arith.constant 32 : index
        %get3A_731 = tpu.vector_load %get3A_728[%get3A_729, %get3A_730] {strides = array<i32>} : memref<640x64xf32, #tpu.memory_space<vmem>>, vector<1x16xf32>,
        %get3A_732 = vector.shape_cast %get3A_731 : vector<1x16xf32> to vector<16xf32>
        %add3A_733 = arith.constant 6 : i32
        %add3A_734 = arith.addi %mul3A_212, %add3A_733 : i32
        %get3A_735 = arith.constant 0 : i32
        %get3A_736 = arith.constant 0 : i32
        %get3A_737 = tpu.memref_slice %arg6[%scan3A_132, %get3A_735, %get3A_736] : memref<2x640x64xf32, #tpu.memory_space<vmem>> -> memref<1x640x64xf32, #tpu.memory_space<vmem>>
        %get3A_738 = tpu.memref_squeeze %get3A_737 : memref<1x640x64xf32, #tpu.memory_space<vmem>> -> memref<640x64xf32, #tpu.memory_space<vmem>>
        %get3A_739 = arith.index_cast %add3A_734 : i32 to index
        %get3A_740 = arith.constant 32 : index
        %get3A_741 = tpu.vector_load %get3A_738[%get3A_739, %get3A_740] {strides = array<i32>} : memref<640x64xf32, #tpu.memory_space<vmem>>, vector<1x16xf32>,
        %get3A_742 = vector.shape_cast %get3A_741 : vector<1x16xf32> to vector<16xf32>
        %add3A_743 = arith.constant 7 : i32
        %add3A_744 = arith.addi %mul3A_212, %add3A_743 : i32
        %get3A_745 = arith.constant 0 : i32
        %get3A_746 = arith.constant 0 : i32
        %get3A_747 = tpu.memref_slice %arg6[%scan3A_132, %get3A_745, %get3A_746] : memref<2x640x64xf32, #tpu.memory_space<vmem>> -> memref<1x640x64xf32, #tpu.memory_space<vmem>>
        %get3A_748 = tpu.memref_squeeze %get3A_747 : memref<1x640x64xf32, #tpu.memory_space<vmem>> -> memref<640x64xf32, #tpu.memory_space<vmem>>
        %get3A_749 = arith.index_cast %add3A_744 : i32 to index
        %get3A_750 = arith.constant 32 : index
        %get3A_751 = tpu.vector_load %get3A_748[%get3A_749, %get3A_750] {strides = array<i32>} : memref<640x64xf32, #tpu.memory_space<vmem>>, vector<1x16xf32>,
        %get3A_752 = vector.shape_cast %get3A_751 : vector<1x16xf32> to vector<16xf32>
        %add3A_753 = arith.constant 8 : i32
        %add3A_754 = arith.addi %mul3A_212, %add3A_753 : i32
        %get3A_755 = arith.constant 0 : i32
        %get3A_756 = arith.constant 0 : i32
        %get3A_757 = tpu.memref_slice %arg6[%scan3A_132, %get3A_755, %get3A_756] : memref<2x640x64xf32, #tpu.memory_space<vmem>> -> memref<1x640x64xf32, #tpu.memory_space<vmem>>
        %get3A_758 = tpu.memref_squeeze %get3A_757 : memref<1x640x64xf32, #tpu.memory_space<vmem>> -> memref<640x64xf32, #tpu.memory_space<vmem>>
        %get3A_759 = arith.index_cast %add3A_754 : i32 to index
        %get3A_760 = arith.constant 32 : index
        %get3A_761 = tpu.vector_load %get3A_758[%get3A_759, %get3A_760] {strides = array<i32>} : memref<640x64xf32, #tpu.memory_space<vmem>>, vector<1x16xf32>,
        %get3A_762 = vector.shape_cast %get3A_761 : vector<1x16xf32> to vector<16xf32>
        %add3A_763 = arith.constant 9 : i32
        %add3A_764 = arith.addi %mul3A_212, %add3A_763 : i32
        %get3A_765 = arith.constant 0 : i32
        %get3A_766 = arith.constant 0 : i32
        %get3A_767 = tpu.memref_slice %arg6[%scan3A_132, %get3A_765, %get3A_766] : memref<2x640x64xf32, #tpu.memory_space<vmem>> -> memref<1x640x64xf32, #tpu.memory_space<vmem>>
        %get3A_768 = tpu.memref_squeeze %get3A_767 : memref<1x640x64xf32, #tpu.memory_space<vmem>> -> memref<640x64xf32, #tpu.memory_space<vmem>>
        %get3A_769 = arith.index_cast %add3A_764 : i32 to index
        %get3A_770 = arith.constant 32 : index
        %get3A_771 = tpu.vector_load %get3A_768[%get3A_769, %get3A_770] {strides = array<i32>} : memref<640x64xf32, #tpu.memory_space<vmem>>, vector<1x16xf32>,
        %get3A_772 = vector.shape_cast %get3A_771 : vector<1x16xf32> to vector<16xf32>
        %add3A_773 = arith.constant 10 : i32
        %add3A_774 = arith.addi %mul3A_212, %add3A_773 : i32
        %get3A_775 = arith.constant 0 : i32
        %get3A_776 = arith.constant 0 : i32
        %get3A_777 = tpu.memref_slice %arg6[%scan3A_132, %get3A_775, %get3A_776] : memref<2x640x64xf32, #tpu.memory_space<vmem>> -> memref<1x640x64xf32, #tpu.memory_space<vmem>>
        %get3A_778 = tpu.memref_squeeze %get3A_777 : memref<1x640x64xf32, #tpu.memory_space<vmem>> -> memref<640x64xf32, #tpu.memory_space<vmem>>
        %get3A_779 = arith.index_cast %add3A_774 : i32 to index
        %get3A_780 = arith.constant 32 : index
        %get3A_781 = tpu.vector_load %get3A_778[%get3A_779, %get3A_780] {strides = array<i32>} : memref<640x64xf32, #tpu.memory_space<vmem>>, vector<1x16xf32>,
        %get3A_782 = vector.shape_cast %get3A_781 : vector<1x16xf32> to vector<16xf32>
        %add3A_783 = arith.constant 11 : i32
        %add3A_784 = arith.addi %mul3A_212, %add3A_783 : i32
        %get3A_785 = arith.constant 0 : i32
        %get3A_786 = arith.constant 0 : i32
        %get3A_787 = tpu.memref_slice %arg6[%scan3A_132, %get3A_785, %get3A_786] : memref<2x640x64xf32, #tpu.memory_space<vmem>> -> memref<1x640x64xf32, #tpu.memory_space<vmem>>
        %get3A_788 = tpu.memref_squeeze %get3A_787 : memref<1x640x64xf32, #tpu.memory_space<vmem>> -> memref<640x64xf32, #tpu.memory_space<vmem>>
        %get3A_789 = arith.index_cast %add3A_784 : i32 to index
        %get3A_790 = arith.constant 32 : index
        %get3A_791 = tpu.vector_load %get3A_788[%get3A_789, %get3A_790] {strides = array<i32>} : memref<640x64xf32, #tpu.memory_space<vmem>>, vector<1x16xf32>,
        %get3A_792 = vector.shape_cast %get3A_791 : vector<1x16xf32> to vector<16xf32>
        %add3A_793 = arith.constant 12 : i32
        %add3A_794 = arith.addi %mul3A_212, %add3A_793 : i32
        %get3A_795 = arith.constant 0 : i32
        %get3A_796 = arith.constant 0 : i32
        %get3A_797 = tpu.memref_slice %arg6[%scan3A_132, %get3A_795, %get3A_796] : memref<2x640x64xf32, #tpu.memory_space<vmem>> -> memref<1x640x64xf32, #tpu.memory_space<vmem>>
        %get3A_798 = tpu.memref_squeeze %get3A_797 : memref<1x640x64xf32, #tpu.memory_space<vmem>> -> memref<640x64xf32, #tpu.memory_space<vmem>>
        %get3A_799 = arith.index_cast %add3A_794 : i32 to index
        %get3A_800 = arith.constant 32 : index
        %get3A_801 = tpu.vector_load %get3A_798[%get3A_799, %get3A_800] {strides = array<i32>} : memref<640x64xf32, #tpu.memory_space<vmem>>, vector<1x16xf32>,
        %get3A_802 = vector.shape_cast %get3A_801 : vector<1x16xf32> to vector<16xf32>
        %add3A_803 = arith.constant 13 : i32
        %add3A_804 = arith.addi %mul3A_212, %add3A_803 : i32
        %get3A_805 = arith.constant 0 : i32
        %get3A_806 = arith.constant 0 : i32
        %get3A_807 = tpu.memref_slice %arg6[%scan3A_132, %get3A_805, %get3A_806] : memref<2x640x64xf32, #tpu.memory_space<vmem>> -> memref<1x640x64xf32, #tpu.memory_space<vmem>>
        %get3A_808 = tpu.memref_squeeze %get3A_807 : memref<1x640x64xf32, #tpu.memory_space<vmem>> -> memref<640x64xf32, #tpu.memory_space<vmem>>
        %get3A_809 = arith.index_cast %add3A_804 : i32 to index
        %get3A_810 = arith.constant 32 : index
        %get3A_811 = tpu.vector_load %get3A_808[%get3A_809, %get3A_810] {strides = array<i32>} : memref<640x64xf32, #tpu.memory_space<vmem>>, vector<1x16xf32>,
        %get3A_812 = vector.shape_cast %get3A_811 : vector<1x16xf32> to vector<16xf32>
        %add3A_813 = arith.constant 14 : i32
        %add3A_814 = arith.addi %mul3A_212, %add3A_813 : i32
        %get3A_815 = arith.constant 0 : i32
        %get3A_816 = arith.constant 0 : i32
        %get3A_817 = tpu.memref_slice %arg6[%scan3A_132, %get3A_815, %get3A_816] : memref<2x640x64xf32, #tpu.memory_space<vmem>> -> memref<1x640x64xf32, #tpu.memory_space<vmem>>
        %get3A_818 = tpu.memref_squeeze %get3A_817 : memref<1x640x64xf32, #tpu.memory_space<vmem>> -> memref<640x64xf32, #tpu.memory_space<vmem>>
        %get3A_819 = arith.index_cast %add3A_814 : i32 to index
        %get3A_820 = arith.constant 32 : index
        %get3A_821 = tpu.vector_load %get3A_818[%get3A_819, %get3A_820] {strides = array<i32>} : memref<640x64xf32, #tpu.memory_space<vmem>>, vector<1x16xf32>,
        %get3A_822 = vector.shape_cast %get3A_821 : vector<1x16xf32> to vector<16xf32>
        %add3A_823 = arith.constant 15 : i32
        %add3A_824 = arith.addi %mul3A_212, %add3A_823 : i32
        %get3A_825 = arith.constant 0 : i32
        %get3A_826 = arith.constant 0 : i32
        %get3A_827 = tpu.memref_slice %arg6[%scan3A_132, %get3A_825, %get3A_826] : memref<2x640x64xf32, #tpu.memory_space<vmem>> -> memref<1x640x64xf32, #tpu.memory_space<vmem>>
        %get3A_828 = tpu.memref_squeeze %get3A_827 : memref<1x640x64xf32, #tpu.memory_space<vmem>> -> memref<640x64xf32, #tpu.memory_space<vmem>>
        %get3A_829 = arith.index_cast %add3A_824 : i32 to index
        %get3A_830 = arith.constant 32 : index
        %get3A_831 = tpu.vector_load %get3A_828[%get3A_829, %get3A_830] {strides = array<i32>} : memref<640x64xf32, #tpu.memory_space<vmem>>, vector<1x16xf32>,
        %get3A_832 = vector.shape_cast %get3A_831 : vector<1x16xf32> to vector<16xf32>
        %add3A_833 = arith.constant 16 : i32
        %add3A_834 = arith.addi %mul3A_212, %add3A_833 : i32
        %get3A_835 = arith.constant 0 : i32
        %get3A_836 = arith.constant 0 : i32
        %get3A_837 = tpu.memref_slice %arg6[%scan3A_132, %get3A_835, %get3A_836] : memref<2x640x64xf32, #tpu.memory_space<vmem>> -> memref<1x640x64xf32, #tpu.memory_space<vmem>>
        %get3A_838 = tpu.memref_squeeze %get3A_837 : memref<1x640x64xf32, #tpu.memory_space<vmem>> -> memref<640x64xf32, #tpu.memory_space<vmem>>
        %get3A_839 = arith.index_cast %add3A_834 : i32 to index
        %get3A_840 = arith.constant 32 : index
        %get3A_841 = tpu.vector_load %get3A_838[%get3A_839, %get3A_840] {strides = array<i32>} : memref<640x64xf32, #tpu.memory_space<vmem>>, vector<1x16xf32>,
        %get3A_842 = vector.shape_cast %get3A_841 : vector<1x16xf32> to vector<16xf32>
        %add3A_843 = arith.constant 17 : i32
        %add3A_844 = arith.addi %mul3A_212, %add3A_843 : i32
        %get3A_845 = arith.constant 0 : i32
        %get3A_846 = arith.constant 0 : i32
        %get3A_847 = tpu.memref_slice %arg6[%scan3A_132, %get3A_845, %get3A_846] : memref<2x640x64xf32, #tpu.memory_space<vmem>> -> memref<1x640x64xf32, #tpu.memory_space<vmem>>
        %get3A_848 = tpu.memref_squeeze %get3A_847 : memref<1x640x64xf32, #tpu.memory_space<vmem>> -> memref<640x64xf32, #tpu.memory_space<vmem>>
        %get3A_849 = arith.index_cast %add3A_844 : i32 to index
        %get3A_850 = arith.constant 32 : index
        %get3A_851 = tpu.vector_load %get3A_848[%get3A_849, %get3A_850] {strides = array<i32>} : memref<640x64xf32, #tpu.memory_space<vmem>>, vector<1x16xf32>,
        %get3A_852 = vector.shape_cast %get3A_851 : vector<1x16xf32> to vector<16xf32>
        %add3A_853 = arith.constant 18 : i32
        %add3A_854 = arith.addi %mul3A_212, %add3A_853 : i32
        %get3A_855 = arith.constant 0 : i32
        %get3A_856 = arith.constant 0 : i32
        %get3A_857 = tpu.memref_slice %arg6[%scan3A_132, %get3A_855, %get3A_856] : memref<2x640x64xf32, #tpu.memory_space<vmem>> -> memref<1x640x64xf32, #tpu.memory_space<vmem>>
        %get3A_858 = tpu.memref_squeeze %get3A_857 : memref<1x640x64xf32, #tpu.memory_space<vmem>> -> memref<640x64xf32, #tpu.memory_space<vmem>>
        %get3A_859 = arith.index_cast %add3A_854 : i32 to index
        %get3A_860 = arith.constant 32 : index
        %get3A_861 = tpu.vector_load %get3A_858[%get3A_859, %get3A_860] {strides = array<i32>} : memref<640x64xf32, #tpu.memory_space<vmem>>, vector<1x16xf32>,
        %get3A_862 = vector.shape_cast %get3A_861 : vector<1x16xf32> to vector<16xf32>
        %add3A_863 = arith.constant 19 : i32
        %add3A_864 = arith.addi %mul3A_212, %add3A_863 : i32
        %get3A_865 = arith.constant 0 : i32
        %get3A_866 = arith.constant 0 : i32
        %get3A_867 = tpu.memref_slice %arg6[%scan3A_132, %get3A_865, %get3A_866] : memref<2x640x64xf32, #tpu.memory_space<vmem>> -> memref<1x640x64xf32, #tpu.memory_space<vmem>>
        %get3A_868 = tpu.memref_squeeze %get3A_867 : memref<1x640x64xf32, #tpu.memory_space<vmem>> -> memref<640x64xf32, #tpu.memory_space<vmem>>
        %get3A_869 = arith.index_cast %add3A_864 : i32 to index
        %get3A_870 = arith.constant 32 : index
        %get3A_871 = tpu.vector_load %get3A_868[%get3A_869, %get3A_870] {strides = array<i32>} : memref<640x64xf32, #tpu.memory_space<vmem>>, vector<1x16xf32>,
        %get3A_872 = vector.shape_cast %get3A_871 : vector<1x16xf32> to vector<16xf32>
        %add3A_873 = arith.addf %get3A_682, %get3A_692 : vector<16xf32>
        %add3A_874 = arith.addf %get3A_702, %get3A_712 : vector<16xf32>
        %add3A_875 = arith.addf %get3A_722, %get3A_732 : vector<16xf32>
        %add3A_876 = arith.addf %get3A_742, %get3A_752 : vector<16xf32>
        %add3A_877 = arith.addf %get3A_762, %get3A_772 : vector<16xf32>
        %add3A_878 = arith.addf %get3A_782, %get3A_792 : vector<16xf32>
        %add3A_879 = arith.addf %get3A_802, %get3A_812 : vector<16xf32>
        %add3A_880 = arith.addf %get3A_822, %get3A_832 : vector<16xf32>
        %add3A_881 = arith.addf %get3A_842, %get3A_852 : vector<16xf32>
        %add3A_882 = arith.addf %get3A_862, %get3A_872 : vector<16xf32>
        %add3A_883 = arith.addf %add3A_873, %add3A_874 : vector<16xf32>
        %add3A_884 = arith.addf %add3A_875, %add3A_876 : vector<16xf32>
        %add3A_885 = arith.addf %add3A_877, %add3A_878 : vector<16xf32>
        %add3A_886 = arith.addf %add3A_879, %add3A_880 : vector<16xf32>
        %add3A_887 = arith.addf %add3A_881, %add3A_882 : vector<16xf32>
        %add3A_888 = arith.addf %add3A_883, %add3A_884 : vector<16xf32>
        %add3A_889 = arith.addf %add3A_885, %add3A_886 : vector<16xf32>
        %add3A_890 = arith.addf %add3A_889, %add3A_887 : vector<16xf32>
        %add3A_891 = arith.addf %add3A_888, %add3A_890 : vector<16xf32>
        %mul3A_892 = arith.constant 5.000000e-02 : f32
        %mul3A_893 = vector.broadcast %mul3A_892 : f32 to vector<16xf32>
        %mul3A_894 = arith.mulf %add3A_891, %mul3A_893 : vector<16xf32>
        %swap3A_895 = arith.constant 0 : i32
        %swap3A_896 = arith.constant 0 : i32
        %swap3A_897 = tpu.memref_slice %arg7[%scan3A_133, %swap3A_895, %swap3A_896] : memref<2x32x64xf32, #tpu.memory_space<vmem>> -> memref<1x32x64xf32, #tpu.memory_space<vmem>>
        %swap3A_898 = tpu.memref_squeeze %swap3A_897 : memref<1x32x64xf32, #tpu.memory_space<vmem>> -> memref<32x64xf32, #tpu.memory_space<vmem>>
        %swap3A_899 = arith.index_cast %scan3A_210 : i32 to index
        %swap3A_900 = arith.constant 32 : index
        %swap3A_901 = tpu.vector_load %swap3A_898[%swap3A_899, %swap3A_900] {strides = array<i32>} : memref<32x64xf32, #tpu.memory_space<vmem>>, vector<1x16xf32>,
        %swap3A_902 = vector.shape_cast %swap3A_901 : vector<1x16xf32> to vector<16xf32>
        %swap3A_903 = vector.shape_cast %mul3A_894 : vector<16xf32> to vector<1x16xf32>
        tpu.vector_store %swap3A_898[%swap3A_899, %swap3A_900], %swap3A_903 {strides = array<i32>} : memref<32x64xf32, #tpu.memory_space<vmem>>, vector<1x16xf32>,
        %add3A_904 = arith.constant 0 : i32
        %add3A_905 = arith.addi %mul3A_212, %add3A_904 : i32
        %get3A_906 = arith.constant 0 : i32
        %get3A_907 = arith.constant 0 : i32
        %get3A_908 = tpu.memref_slice %arg6[%scan3A_132, %get3A_906, %get3A_907] : memref<2x640x64xf32, #tpu.memory_space<vmem>> -> memref<1x640x64xf32, #tpu.memory_space<vmem>>
        %get3A_909 = tpu.memref_squeeze %get3A_908 : memref<1x640x64xf32, #tpu.memory_space<vmem>> -> memref<640x64xf32, #tpu.memory_space<vmem>>
        %get3A_910 = arith.index_cast %add3A_905 : i32 to index
        %get3A_911 = arith.constant 48 : index
        %get3A_912 = tpu.vector_load %get3A_909[%get3A_910, %get3A_911] {strides = array<i32>} : memref<640x64xf32, #tpu.memory_space<vmem>>, vector<1x16xf32>,
        %get3A_913 = vector.shape_cast %get3A_912 : vector<1x16xf32> to vector<16xf32>
        %add3A_914 = arith.constant 1 : i32
        %add3A_915 = arith.addi %mul3A_212, %add3A_914 : i32
        %get3A_916 = arith.constant 0 : i32
        %get3A_917 = arith.constant 0 : i32
        %get3A_918 = tpu.memref_slice %arg6[%scan3A_132, %get3A_916, %get3A_917] : memref<2x640x64xf32, #tpu.memory_space<vmem>> -> memref<1x640x64xf32, #tpu.memory_space<vmem>>
        %get3A_919 = tpu.memref_squeeze %get3A_918 : memref<1x640x64xf32, #tpu.memory_space<vmem>> -> memref<640x64xf32, #tpu.memory_space<vmem>>
        %get3A_920 = arith.index_cast %add3A_915 : i32 to index
        %get3A_921 = arith.constant 48 : index
        %get3A_922 = tpu.vector_load %get3A_919[%get3A_920, %get3A_921] {strides = array<i32>} : memref<640x64xf32, #tpu.memory_space<vmem>>, vector<1x16xf32>,
        %get3A_923 = vector.shape_cast %get3A_922 : vector<1x16xf32> to vector<16xf32>
        %add3A_924 = arith.constant 2 : i32
        %add3A_925 = arith.addi %mul3A_212, %add3A_924 : i32
        %get3A_926 = arith.constant 0 : i32
        %get3A_927 = arith.constant 0 : i32
        %get3A_928 = tpu.memref_slice %arg6[%scan3A_132, %get3A_926, %get3A_927] : memref<2x640x64xf32, #tpu.memory_space<vmem>> -> memref<1x640x64xf32, #tpu.memory_space<vmem>>
        %get3A_929 = tpu.memref_squeeze %get3A_928 : memref<1x640x64xf32, #tpu.memory_space<vmem>> -> memref<640x64xf32, #tpu.memory_space<vmem>>
        %get3A_930 = arith.index_cast %add3A_925 : i32 to index
        %get3A_931 = arith.constant 48 : index
        %get3A_932 = tpu.vector_load %get3A_929[%get3A_930, %get3A_931] {strides = array<i32>} : memref<640x64xf32, #tpu.memory_space<vmem>>, vector<1x16xf32>,
        %get3A_933 = vector.shape_cast %get3A_932 : vector<1x16xf32> to vector<16xf32>
        %add3A_934 = arith.constant 3 : i32
        %add3A_935 = arith.addi %mul3A_212, %add3A_934 : i32
        %get3A_936 = arith.constant 0 : i32
        %get3A_937 = arith.constant 0 : i32
        %get3A_938 = tpu.memref_slice %arg6[%scan3A_132, %get3A_936, %get3A_937] : memref<2x640x64xf32, #tpu.memory_space<vmem>> -> memref<1x640x64xf32, #tpu.memory_space<vmem>>
        %get3A_939 = tpu.memref_squeeze %get3A_938 : memref<1x640x64xf32, #tpu.memory_space<vmem>> -> memref<640x64xf32, #tpu.memory_space<vmem>>
        %get3A_940 = arith.index_cast %add3A_935 : i32 to index
        %get3A_941 = arith.constant 48 : index
        %get3A_942 = tpu.vector_load %get3A_939[%get3A_940, %get3A_941] {strides = array<i32>} : memref<640x64xf32, #tpu.memory_space<vmem>>, vector<1x16xf32>,
        %get3A_943 = vector.shape_cast %get3A_942 : vector<1x16xf32> to vector<16xf32>
        %add3A_944 = arith.constant 4 : i32
        %add3A_945 = arith.addi %mul3A_212, %add3A_944 : i32
        %get3A_946 = arith.constant 0 : i32
        %get3A_947 = arith.constant 0 : i32
        %get3A_948 = tpu.memref_slice %arg6[%scan3A_132, %get3A_946, %get3A_947] : memref<2x640x64xf32, #tpu.memory_space<vmem>> -> memref<1x640x64xf32, #tpu.memory_space<vmem>>
        %get3A_949 = tpu.memref_squeeze %get3A_948 : memref<1x640x64xf32, #tpu.memory_space<vmem>> -> memref<640x64xf32, #tpu.memory_space<vmem>>
        %get3A_950 = arith.index_cast %add3A_945 : i32 to index
        %get3A_951 = arith.constant 48 : index
        %get3A_952 = tpu.vector_load %get3A_949[%get3A_950, %get3A_951] {strides = array<i32>} : memref<640x64xf32, #tpu.memory_space<vmem>>, vector<1x16xf32>,
        %get3A_953 = vector.shape_cast %get3A_952 : vector<1x16xf32> to vector<16xf32>
        %add3A_954 = arith.constant 5 : i32
        %add3A_955 = arith.addi %mul3A_212, %add3A_954 : i32
        %get3A_956 = arith.constant 0 : i32
        %get3A_957 = arith.constant 0 : i32
        %get3A_958 = tpu.memref_slice %arg6[%scan3A_132, %get3A_956, %get3A_957] : memref<2x640x64xf32, #tpu.memory_space<vmem>> -> memref<1x640x64xf32, #tpu.memory_space<vmem>>
        %get3A_959 = tpu.memref_squeeze %get3A_958 : memref<1x640x64xf32, #tpu.memory_space<vmem>> -> memref<640x64xf32, #tpu.memory_space<vmem>>
        %get3A_960 = arith.index_cast %add3A_955 : i32 to index
        %get3A_961 = arith.constant 48 : index
        %get3A_962 = tpu.vector_load %get3A_959[%get3A_960, %get3A_961] {strides = array<i32>} : memref<640x64xf32, #tpu.memory_space<vmem>>, vector<1x16xf32>,
        %get3A_963 = vector.shape_cast %get3A_962 : vector<1x16xf32> to vector<16xf32>
        %add3A_964 = arith.constant 6 : i32
        %add3A_965 = arith.addi %mul3A_212, %add3A_964 : i32
        %get3A_966 = arith.constant 0 : i32
        %get3A_967 = arith.constant 0 : i32
        %get3A_968 = tpu.memref_slice %arg6[%scan3A_132, %get3A_966, %get3A_967] : memref<2x640x64xf32, #tpu.memory_space<vmem>> -> memref<1x640x64xf32, #tpu.memory_space<vmem>>
        %get3A_969 = tpu.memref_squeeze %get3A_968 : memref<1x640x64xf32, #tpu.memory_space<vmem>> -> memref<640x64xf32, #tpu.memory_space<vmem>>
        %get3A_970 = arith.index_cast %add3A_965 : i32 to index
        %get3A_971 = arith.constant 48 : index
        %get3A_972 = tpu.vector_load %get3A_969[%get3A_970, %get3A_971] {strides = array<i32>} : memref<640x64xf32, #tpu.memory_space<vmem>>, vector<1x16xf32>,
        %get3A_973 = vector.shape_cast %get3A_972 : vector<1x16xf32> to vector<16xf32>
        %add3A_974 = arith.constant 7 : i32
        %add3A_975 = arith.addi %mul3A_212, %add3A_974 : i32
        %get3A_976 = arith.constant 0 : i32
        %get3A_977 = arith.constant 0 : i32
        %get3A_978 = tpu.memref_slice %arg6[%scan3A_132, %get3A_976, %get3A_977] : memref<2x640x64xf32, #tpu.memory_space<vmem>> -> memref<1x640x64xf32, #tpu.memory_space<vmem>>
        %get3A_979 = tpu.memref_squeeze %get3A_978 : memref<1x640x64xf32, #tpu.memory_space<vmem>> -> memref<640x64xf32, #tpu.memory_space<vmem>>
        %get3A_980 = arith.index_cast %add3A_975 : i32 to index
        %get3A_981 = arith.constant 48 : index
        %get3A_982 = tpu.vector_load %get3A_979[%get3A_980, %get3A_981] {strides = array<i32>} : memref<640x64xf32, #tpu.memory_space<vmem>>, vector<1x16xf32>,
        %get3A_983 = vector.shape_cast %get3A_982 : vector<1x16xf32> to vector<16xf32>
        %add3A_984 = arith.constant 8 : i32
        %add3A_985 = arith.addi %mul3A_212, %add3A_984 : i32
        %get3A_986 = arith.constant 0 : i32
        %get3A_987 = arith.constant 0 : i32
        %get3A_988 = tpu.memref_slice %arg6[%scan3A_132, %get3A_986, %get3A_987] : memref<2x640x64xf32, #tpu.memory_space<vmem>> -> memref<1x640x64xf32, #tpu.memory_space<vmem>>
        %get3A_989 = tpu.memref_squeeze %get3A_988 : memref<1x640x64xf32, #tpu.memory_space<vmem>> -> memref<640x64xf32, #tpu.memory_space<vmem>>
        %get3A_990 = arith.index_cast %add3A_985 : i32 to index
        %get3A_991 = arith.constant 48 : index
        %get3A_992 = tpu.vector_load %get3A_989[%get3A_990, %get3A_991] {strides = array<i32>} : memref<640x64xf32, #tpu.memory_space<vmem>>, vector<1x16xf32>,
        %get3A_993 = vector.shape_cast %get3A_992 : vector<1x16xf32> to vector<16xf32>
        %add3A_994 = arith.constant 9 : i32
        %add3A_995 = arith.addi %mul3A_212, %add3A_994 : i32
        %get3A_996 = arith.constant 0 : i32
        %get3A_997 = arith.constant 0 : i32
        %get3A_998 = tpu.memref_slice %arg6[%scan3A_132, %get3A_996, %get3A_997] : memref<2x640x64xf32, #tpu.memory_space<vmem>> -> memref<1x640x64xf32, #tpu.memory_space<vmem>>
        %get3A_999 = tpu.memref_squeeze %get3A_998 : memref<1x640x64xf32, #tpu.memory_space<vmem>> -> memref<640x64xf32, #tpu.memory_space<vmem>>
        %get3A_1000 = arith.index_cast %add3A_995 : i32 to index
        %get3A_1001 = arith.constant 48 : index
        %get3A_1002 = tpu.vector_load %get3A_999[%get3A_1000, %get3A_1001] {strides = array<i32>} : memref<640x64xf32, #tpu.memory_space<vmem>>, vector<1x16xf32>,
        %get3A_1003 = vector.shape_cast %get3A_1002 : vector<1x16xf32> to vector<16xf32>
        %add3A_1004 = arith.constant 10 : i32
        %add3A_1005 = arith.addi %mul3A_212, %add3A_1004 : i32
        %get3A_1006 = arith.constant 0 : i32
        %get3A_1007 = arith.constant 0 : i32
        %get3A_1008 = tpu.memref_slice %arg6[%scan3A_132, %get3A_1006, %get3A_1007] : memref<2x640x64xf32, #tpu.memory_space<vmem>> -> memref<1x640x64xf32, #tpu.memory_space<vmem>>
        %get3A_1009 = tpu.memref_squeeze %get3A_1008 : memref<1x640x64xf32, #tpu.memory_space<vmem>> -> memref<640x64xf32, #tpu.memory_space<vmem>>
        %get3A_1010 = arith.index_cast %add3A_1005 : i32 to index
        %get3A_1011 = arith.constant 48 : index
        %get3A_1012 = tpu.vector_load %get3A_1009[%get3A_1010, %get3A_1011] {strides = array<i32>} : memref<640x64xf32, #tpu.memory_space<vmem>>, vector<1x16xf32>,
        %get3A_1013 = vector.shape_cast %get3A_1012 : vector<1x16xf32> to vector<16xf32>
        %add3A_1014 = arith.constant 11 : i32
        %add3A_1015 = arith.addi %mul3A_212, %add3A_1014 : i32
        %get3A_1016 = arith.constant 0 : i32
        %get3A_1017 = arith.constant 0 : i32
        %get3A_1018 = tpu.memref_slice %arg6[%scan3A_132, %get3A_1016, %get3A_1017] : memref<2x640x64xf32, #tpu.memory_space<vmem>> -> memref<1x640x64xf32, #tpu.memory_space<vmem>>
        %get3A_1019 = tpu.memref_squeeze %get3A_1018 : memref<1x640x64xf32, #tpu.memory_space<vmem>> -> memref<640x64xf32, #tpu.memory_space<vmem>>
        %get3A_1020 = arith.index_cast %add3A_1015 : i32 to index
        %get3A_1021 = arith.constant 48 : index
        %get3A_1022 = tpu.vector_load %get3A_1019[%get3A_1020, %get3A_1021] {strides = array<i32>} : memref<640x64xf32, #tpu.memory_space<vmem>>, vector<1x16xf32>,
        %get3A_1023 = vector.shape_cast %get3A_1022 : vector<1x16xf32> to vector<16xf32>
        %add3A_1024 = arith.constant 12 : i32
        %add3A_1025 = arith.addi %mul3A_212, %add3A_1024 : i32
        %get3A_1026 = arith.constant 0 : i32
        %get3A_1027 = arith.constant 0 : i32
        %get3A_1028 = tpu.memref_slice %arg6[%scan3A_132, %get3A_1026, %get3A_1027] : memref<2x640x64xf32, #tpu.memory_space<vmem>> -> memref<1x640x64xf32, #tpu.memory_space<vmem>>
        %get3A_1029 = tpu.memref_squeeze %get3A_1028 : memref<1x640x64xf32, #tpu.memory_space<vmem>> -> memref<640x64xf32, #tpu.memory_space<vmem>>
        %get3A_1030 = arith.index_cast %add3A_1025 : i32 to index
        %get3A_1031 = arith.constant 48 : index
        %get3A_1032 = tpu.vector_load %get3A_1029[%get3A_1030, %get3A_1031] {strides = array<i32>} : memref<640x64xf32, #tpu.memory_space<vmem>>, vector<1x16xf32>,
        %get3A_1033 = vector.shape_cast %get3A_1032 : vector<1x16xf32> to vector<16xf32>
        %add3A_1034 = arith.constant 13 : i32
        %add3A_1035 = arith.addi %mul3A_212, %add3A_1034 : i32
        %get3A_1036 = arith.constant 0 : i32
        %get3A_1037 = arith.constant 0 : i32
        %get3A_1038 = tpu.memref_slice %arg6[%scan3A_132, %get3A_1036, %get3A_1037] : memref<2x640x64xf32, #tpu.memory_space<vmem>> -> memref<1x640x64xf32, #tpu.memory_space<vmem>>
        %get3A_1039 = tpu.memref_squeeze %get3A_1038 : memref<1x640x64xf32, #tpu.memory_space<vmem>> -> memref<640x64xf32, #tpu.memory_space<vmem>>
        %get3A_1040 = arith.index_cast %add3A_1035 : i32 to index
        %get3A_1041 = arith.constant 48 : index
        %get3A_1042 = tpu.vector_load %get3A_1039[%get3A_1040, %get3A_1041] {strides = array<i32>} : memref<640x64xf32, #tpu.memory_space<vmem>>, vector<1x16xf32>,
        %get3A_1043 = vector.shape_cast %get3A_1042 : vector<1x16xf32> to vector<16xf32>
        %add3A_1044 = arith.constant 14 : i32
        %add3A_1045 = arith.addi %mul3A_212, %add3A_1044 : i32
        %get3A_1046 = arith.constant 0 : i32
        %get3A_1047 = arith.constant 0 : i32
        %get3A_1048 = tpu.memref_slice %arg6[%scan3A_132, %get3A_1046, %get3A_1047] : memref<2x640x64xf32, #tpu.memory_space<vmem>> -> memref<1x640x64xf32, #tpu.memory_space<vmem>>
        %get3A_1049 = tpu.memref_squeeze %get3A_1048 : memref<1x640x64xf32, #tpu.memory_space<vmem>> -> memref<640x64xf32, #tpu.memory_space<vmem>>
        %get3A_1050 = arith.index_cast %add3A_1045 : i32 to index
        %get3A_1051 = arith.constant 48 : index
        %get3A_1052 = tpu.vector_load %get3A_1049[%get3A_1050, %get3A_1051] {strides = array<i32>} : memref<640x64xf32, #tpu.memory_space<vmem>>, vector<1x16xf32>,
        %get3A_1053 = vector.shape_cast %get3A_1052 : vector<1x16xf32> to vector<16xf32>
        %add3A_1054 = arith.constant 15 : i32
        %add3A_1055 = arith.addi %mul3A_212, %add3A_1054 : i32
        %get3A_1056 = arith.constant 0 : i32
        %get3A_1057 = arith.constant 0 : i32
        %get3A_1058 = tpu.memref_slice %arg6[%scan3A_132, %get3A_1056, %get3A_1057] : memref<2x640x64xf32, #tpu.memory_space<vmem>> -> memref<1x640x64xf32, #tpu.memory_space<vmem>>
        %get3A_1059 = tpu.memref_squeeze %get3A_1058 : memref<1x640x64xf32, #tpu.memory_space<vmem>> -> memref<640x64xf32, #tpu.memory_space<vmem>>
        %get3A_1060 = arith.index_cast %add3A_1055 : i32 to index
        %get3A_1061 = arith.constant 48 : index
        %get3A_1062 = tpu.vector_load %get3A_1059[%get3A_1060, %get3A_1061] {strides = array<i32>} : memref<640x64xf32, #tpu.memory_space<vmem>>, vector<1x16xf32>,
        %get3A_1063 = vector.shape_cast %get3A_1062 : vector<1x16xf32> to vector<16xf32>
        %add3A_1064 = arith.constant 16 : i32
        %add3A_1065 = arith.addi %mul3A_212, %add3A_1064 : i32
        %get3A_1066 = arith.constant 0 : i32
        %get3A_1067 = arith.constant 0 : i32
        %get3A_1068 = tpu.memref_slice %arg6[%scan3A_132, %get3A_1066, %get3A_1067] : memref<2x640x64xf32, #tpu.memory_space<vmem>> -> memref<1x640x64xf32, #tpu.memory_space<vmem>>
        %get3A_1069 = tpu.memref_squeeze %get3A_1068 : memref<1x640x64xf32, #tpu.memory_space<vmem>> -> memref<640x64xf32, #tpu.memory_space<vmem>>
        %get3A_1070 = arith.index_cast %add3A_1065 : i32 to index
        %get3A_1071 = arith.constant 48 : index
        %get3A_1072 = tpu.vector_load %get3A_1069[%get3A_1070, %get3A_1071] {strides = array<i32>} : memref<640x64xf32, #tpu.memory_space<vmem>>, vector<1x16xf32>,
        %get3A_1073 = vector.shape_cast %get3A_1072 : vector<1x16xf32> to vector<16xf32>
        %add3A_1074 = arith.constant 17 : i32
        %add3A_1075 = arith.addi %mul3A_212, %add3A_1074 : i32
        %get3A_1076 = arith.constant 0 : i32
        %get3A_1077 = arith.constant 0 : i32
        %get3A_1078 = tpu.memref_slice %arg6[%scan3A_132, %get3A_1076, %get3A_1077] : memref<2x640x64xf32, #tpu.memory_space<vmem>> -> memref<1x640x64xf32, #tpu.memory_space<vmem>>
        %get3A_1079 = tpu.memref_squeeze %get3A_1078 : memref<1x640x64xf32, #tpu.memory_space<vmem>> -> memref<640x64xf32, #tpu.memory_space<vmem>>
        %get3A_1080 = arith.index_cast %add3A_1075 : i32 to index
        %get3A_1081 = arith.constant 48 : index
        %get3A_1082 = tpu.vector_load %get3A_1079[%get3A_1080, %get3A_1081] {strides = array<i32>} : memref<640x64xf32, #tpu.memory_space<vmem>>, vector<1x16xf32>,
        %get3A_1083 = vector.shape_cast %get3A_1082 : vector<1x16xf32> to vector<16xf32>
        %add3A_1084 = arith.constant 18 : i32
        %add3A_1085 = arith.addi %mul3A_212, %add3A_1084 : i32
        %get3A_1086 = arith.constant 0 : i32
        %get3A_1087 = arith.constant 0 : i32
        %get3A_1088 = tpu.memref_slice %arg6[%scan3A_132, %get3A_1086, %get3A_1087] : memref<2x640x64xf32, #tpu.memory_space<vmem>> -> memref<1x640x64xf32, #tpu.memory_space<vmem>>
        %get3A_1089 = tpu.memref_squeeze %get3A_1088 : memref<1x640x64xf32, #tpu.memory_space<vmem>> -> memref<640x64xf32, #tpu.memory_space<vmem>>
        %get3A_1090 = arith.index_cast %add3A_1085 : i32 to index
        %get3A_1091 = arith.constant 48 : index
        %get3A_1092 = tpu.vector_load %get3A_1089[%get3A_1090, %get3A_1091] {strides = array<i32>} : memref<640x64xf32, #tpu.memory_space<vmem>>, vector<1x16xf32>,
        %get3A_1093 = vector.shape_cast %get3A_1092 : vector<1x16xf32> to vector<16xf32>
        %add3A_1094 = arith.constant 19 : i32
        %add3A_1095 = arith.addi %mul3A_212, %add3A_1094 : i32
        %get3A_1096 = arith.constant 0 : i32
        %get3A_1097 = arith.constant 0 : i32
        %get3A_1098 = tpu.memref_slice %arg6[%scan3A_132, %get3A_1096, %get3A_1097] : memref<2x640x64xf32, #tpu.memory_space<vmem>> -> memref<1x640x64xf32, #tpu.memory_space<vmem>>
        %get3A_1099 = tpu.memref_squeeze %get3A_1098 : memref<1x640x64xf32, #tpu.memory_space<vmem>> -> memref<640x64xf32, #tpu.memory_space<vmem>>
        %get3A_1100 = arith.index_cast %add3A_1095 : i32 to index
        %get3A_1101 = arith.constant 48 : index
        %get3A_1102 = tpu.vector_load %get3A_1099[%get3A_1100, %get3A_1101] {strides = array<i32>} : memref<640x64xf32, #tpu.memory_space<vmem>>, vector<1x16xf32>,
        %get3A_1103 = vector.shape_cast %get3A_1102 : vector<1x16xf32> to vector<16xf32>
        %add3A_1104 = arith.addf %get3A_913, %get3A_923 : vector<16xf32>
        %add3A_1105 = arith.addf %get3A_933, %get3A_943 : vector<16xf32>
        %add3A_1106 = arith.addf %get3A_953, %get3A_963 : vector<16xf32>
        %add3A_1107 = arith.addf %get3A_973, %get3A_983 : vector<16xf32>
        %add3A_1108 = arith.addf %get3A_993, %get3A_1003 : vector<16xf32>
        %add3A_1109 = arith.addf %get3A_1013, %get3A_1023 : vector<16xf32>
        %add3A_1110 = arith.addf %get3A_1033, %get3A_1043 : vector<16xf32>
        %add3A_1111 = arith.addf %get3A_1053, %get3A_1063 : vector<16xf32>
        %add3A_1112 = arith.addf %get3A_1073, %get3A_1083 : vector<16xf32>
        %add3A_1113 = arith.addf %get3A_1093, %get3A_1103 : vector<16xf32>
        %add3A_1114 = arith.addf %add3A_1104, %add3A_1105 : vector<16xf32>
        %add3A_1115 = arith.addf %add3A_1106, %add3A_1107 : vector<16xf32>
        %add3A_1116 = arith.addf %add3A_1108, %add3A_1109 : vector<16xf32>
        %add3A_1117 = arith.addf %add3A_1110, %add3A_1111 : vector<16xf32>
        %add3A_1118 = arith.addf %add3A_1112, %add3A_1113 : vector<16xf32>
        %add3A_1119 = arith.addf %add3A_1114, %add3A_1115 : vector<16xf32>
        %add3A_1120 = arith.addf %add3A_1116, %add3A_1117 : vector<16xf32>
        %add3A_1121 = arith.addf %add3A_1120, %add3A_1118 : vector<16xf32>
        %add3A_1122 = arith.addf %add3A_1119, %add3A_1121 : vector<16xf32>
        %mul3A_1123 = arith.constant 5.000000e-02 : f32
        %mul3A_1124 = vector.broadcast %mul3A_1123 : f32 to vector<16xf32>
        %mul3A_1125 = arith.mulf %add3A_1122, %mul3A_1124 : vector<16xf32>
        %swap3A_1126 = arith.constant 0 : i32
        %swap3A_1127 = arith.constant 0 : i32
        %swap3A_1128 = tpu.memref_slice %arg7[%scan3A_133, %swap3A_1126, %swap3A_1127] : memref<2x32x64xf32, #tpu.memory_space<vmem>> -> memref<1x32x64xf32, #tpu.memory_space<vmem>>
        %swap3A_1129 = tpu.memref_squeeze %swap3A_1128 : memref<1x32x64xf32, #tpu.memory_space<vmem>> -> memref<32x64xf32, #tpu.memory_space<vmem>>
        %swap3A_1130 = arith.index_cast %scan3A_210 : i32 to index
        %swap3A_1131 = arith.constant 48 : index
        %swap3A_1132 = tpu.vector_load %swap3A_1129[%swap3A_1130, %swap3A_1131] {strides = array<i32>} : memref<32x64xf32, #tpu.memory_space<vmem>>, vector<1x16xf32>,
        %swap3A_1133 = vector.shape_cast %swap3A_1132 : vector<1x16xf32> to vector<16xf32>
        %swap3A_1134 = vector.shape_cast %mul3A_1125 : vector<16xf32> to vector<1x16xf32>
        tpu.vector_store %swap3A_1129[%swap3A_1130, %swap3A_1131], %swap3A_1134 {strides = array<i32>} : memref<32x64xf32, #tpu.memory_space<vmem>>, vector<1x16xf32>,
      }
      %scan3A_138 = arith.constant 32 : i32
      %mul3A_139 = arith.constant 32 : i32
      %mul3A_140 = arith.muli %add3A_107, %mul3A_139 : i32
      %add3A_141 = arith.addi %mul3A_2, %mul3A_140 : i32
      %dma_start3A_142 = arith.constant 0 : i32
      %dma_start3A_143 = arith.constant 0 : i32
      %dma_start3A_144 = arith.constant 0 : i32
      %dma_start3A_145 = tpu.memref_slice %arg7[%dma_start3A_142, %dma_start3A_143, %dma_start3A_144] : memref<2x32x64xf32, #tpu.memory_space<vmem>> -> memref<1x32x64xf32, #tpu.memory_space<vmem>>
      %dma_start3A_146 = tpu.memref_squeeze %dma_start3A_145 : memref<1x32x64xf32, #tpu.memory_space<vmem>> -> memref<32x64xf32, #tpu.memory_space<vmem>>
      %dma_start3A_147 = arith.constant 0 : i32
      %dma_start3A_148 = tpu.memref_slice %arg4[%add3A_141, %dma_start3A_147] : memref<16384x64xf32, #tpu.memory_space<hbm>> -> memref<32x64xf32, #tpu.memory_space<hbm>>
      %dma_start3A_149 = arith.constant 0 : i32
      %dma_start3A_150 = tpu.memref_slice %arg4[%add3A_141, %dma_start3A_149] : memref<16384x64xf32, #tpu.memory_space<hbm>> -> memref<32x64xf32, #tpu.memory_space<hbm>>
      %dma_start3A_151 = arith.constant 0 : i32
      %dma_start3A_152 = arith.constant 0 : i32
      %dma_start3A_153 = tpu.memref_slice %arg7[%dma_start3A_142, %dma_start3A_151, %dma_start3A_152] : memref<2x32x64xf32, #tpu.memory_space<vmem>> -> memref<1x32x64xf32, #tpu.memory_space<vmem>>
      %dma_start3A_154 = tpu.memref_squeeze %dma_start3A_153 : memref<1x32x64xf32, #tpu.memory_space<vmem>> -> memref<32x64xf32, #tpu.memory_space<vmem>>
      tpu.enqueue_dma source(%dma_start3A_154 : memref<32x64xf32, #tpu.memory_space<vmem>>) target(%dma_start3A_150 : memref<32x64xf32, #tpu.memory_space<hbm>>) target_semaphore(%arg10 : memref<!tpu.dma_semaphore, #tpu.memory_space<semaphore_mem>>)
      %mul3A_155 = arith.constant 2 : i32
      %mul3A_156 = arith.muli %scan3A_103, %mul3A_155 : i32
      %add3A_157 = arith.constant 1 : i32
      %add3A_158 = arith.addi %mul3A_156, %add3A_157 : i32
      %add3A_159 = arith.constant 1 : i32
      %add3A_160 = arith.addi %add3A_158, %add3A_159 : i32
      %lt3A_161 = arith.constant 16 : i32
      %lt3A_162 = arith.cmpi slt, %add3A_160, %lt3A_161 : i32
      %convert_element_type3A_163 = arith.extui %lt3A_162 : i1 to i32
      %cond3A_164 = arith.constant 0 : i32
      %cond3A_165 = arith.cmpi ne, %convert_element_type3A_163, %cond3A_164 : i32
      scf.if %cond3A_165 {
        %add3A_210 = arith.constant 1 : i32
        %add3A_211 = arith.addi %add3A_158, %add3A_210 : i32
        %mul3A_212 = arith.constant 640 : i32
        %mul3A_213 = arith.muli %add3A_211, %mul3A_212 : i32
        %add3A_214 = arith.constant 0 : i32
        %add3A_215 = arith.addi %mul3A_213, %add3A_214 : i32
        %dma_start3A_216 = arith.constant 0 : i32
        %dma_start3A_217 = arith.constant 0 : i32
        %dma_start3A_218 = arith.constant 0 : i32
        %dma_start3A_219 = tpu.memref_slice %arg6[%dma_start3A_216, %dma_start3A_217, %dma_start3A_218] : memref<2x640x64xf32, #tpu.memory_space<vmem>> -> memref<1x640x64xf32, #tpu.memory_space<vmem>>
        %dma_start3A_220 = tpu.memref_squeeze %dma_start3A_219 : memref<1x640x64xf32, #tpu.memory_space<vmem>> -> memref<640x64xf32, #tpu.memory_space<vmem>>
        %dma_start3A_221 = arith.constant 0 : i32
        %dma_start3A_222 = arith.constant 0 : i32
        %dma_start3A_223 = tpu.memref_slice %dma_start3A_220[%dma_start3A_221, %dma_start3A_222] : memref<640x64xf32, #tpu.memory_space<vmem>> -> memref<128x64xf32, #tpu.memory_space<vmem>>
        %dma_start3A_224 = tpu.memref_slice %arg5[%add3A_215] : memref<10240xi32, #tpu.memory_space<vmem>> -> memref<128xi32, #tpu.memory_space<vmem>>
        %dma_start3A_225 = arith.constant 0 : i32
        %dma_start3A_226 = arith.constant 0 : i32
        %dma_start3A_227 = tpu.memref_slice %arg2[%dma_start3A_225, %dma_start3A_226] : memref<1000000x64xf32, #tpu.memory_space<hbm>> -> memref<1000000x64xf32, #tpu.memory_space<hbm>>
        tpu.enqueue_indirect_dma source(%dma_start3A_227 : memref<1000000x64xf32, #tpu.memory_space<hbm>>) target(%dma_start3A_223 : memref<128x64xf32, #tpu.memory_space<vmem>>) offsets(%dma_start3A_224 : memref<128xi32, #tpu.memory_space<vmem>>) semaphore(%arg8 : memref<!tpu.dma_semaphore, #tpu.memory_space<semaphore_mem>>)
        %mul3A_228 = arith.constant 640 : i32
        %mul3A_229 = arith.muli %add3A_211, %mul3A_228 : i32
        %add3A_230 = arith.constant 128 : i32
        %add3A_231 = arith.addi %mul3A_229, %add3A_230 : i32
        %dma_start3A_232 = arith.constant 0 : i32
        %dma_start3A_233 = arith.constant 0 : i32
        %dma_start3A_234 = arith.constant 0 : i32
        %dma_start3A_235 = tpu.memref_slice %arg6[%dma_start3A_232, %dma_start3A_233, %dma_start3A_234] : memref<2x640x64xf32, #tpu.memory_space<vmem>> -> memref<1x640x64xf32, #tpu.memory_space<vmem>>
        %dma_start3A_236 = tpu.memref_squeeze %dma_start3A_235 : memref<1x640x64xf32, #tpu.memory_space<vmem>> -> memref<640x64xf32, #tpu.memory_space<vmem>>
        %dma_start3A_237 = arith.constant 128 : i32
        %dma_start3A_238 = arith.constant 0 : i32
        %dma_start3A_239 = tpu.memref_slice %dma_start3A_236[%dma_start3A_237, %dma_start3A_238] : memref<640x64xf32, #tpu.memory_space<vmem>> -> memref<128x64xf32, #tpu.memory_space<vmem>>
        %dma_start3A_240 = tpu.memref_slice %arg5[%add3A_231] : memref<10240xi32, #tpu.memory_space<vmem>> -> memref<128xi32, #tpu.memory_space<vmem>>
        %dma_start3A_241 = arith.constant 0 : i32
        %dma_start3A_242 = arith.constant 0 : i32
        %dma_start3A_243 = tpu.memref_slice %arg2[%dma_start3A_241, %dma_start3A_242] : memref<1000000x64xf32, #tpu.memory_space<hbm>> -> memref<1000000x64xf32, #tpu.memory_space<hbm>>
        tpu.enqueue_indirect_dma source(%dma_start3A_243 : memref<1000000x64xf32, #tpu.memory_space<hbm>>) target(%dma_start3A_239 : memref<128x64xf32, #tpu.memory_space<vmem>>) offsets(%dma_start3A_240 : memref<128xi32, #tpu.memory_space<vmem>>) semaphore(%arg8 : memref<!tpu.dma_semaphore, #tpu.memory_space<semaphore_mem>>)
        %mul3A_244 = arith.constant 640 : i32
        %mul3A_245 = arith.muli %add3A_211, %mul3A_244 : i32
        %add3A_246 = arith.constant 256 : i32
        %add3A_247 = arith.addi %mul3A_245, %add3A_246 : i32
        %dma_start3A_248 = arith.constant 0 : i32
        %dma_start3A_249 = arith.constant 0 : i32
        %dma_start3A_250 = arith.constant 0 : i32
        %dma_start3A_251 = tpu.memref_slice %arg6[%dma_start3A_248, %dma_start3A_249, %dma_start3A_250] : memref<2x640x64xf32, #tpu.memory_space<vmem>> -> memref<1x640x64xf32, #tpu.memory_space<vmem>>
        %dma_start3A_252 = tpu.memref_squeeze %dma_start3A_251 : memref<1x640x64xf32, #tpu.memory_space<vmem>> -> memref<640x64xf32, #tpu.memory_space<vmem>>
        %dma_start3A_253 = arith.constant 256 : i32
        %dma_start3A_254 = arith.constant 0 : i32
        %dma_start3A_255 = tpu.memref_slice %dma_start3A_252[%dma_start3A_253, %dma_start3A_254] : memref<640x64xf32, #tpu.memory_space<vmem>> -> memref<128x64xf32, #tpu.memory_space<vmem>>
        %dma_start3A_256 = tpu.memref_slice %arg5[%add3A_247] : memref<10240xi32, #tpu.memory_space<vmem>> -> memref<128xi32, #tpu.memory_space<vmem>>
        %dma_start3A_257 = arith.constant 0 : i32
        %dma_start3A_258 = arith.constant 0 : i32
        %dma_start3A_259 = tpu.memref_slice %arg2[%dma_start3A_257, %dma_start3A_258] : memref<1000000x64xf32, #tpu.memory_space<hbm>> -> memref<1000000x64xf32, #tpu.memory_space<hbm>>
        tpu.enqueue_indirect_dma source(%dma_start3A_259 : memref<1000000x64xf32, #tpu.memory_space<hbm>>) target(%dma_start3A_255 : memref<128x64xf32, #tpu.memory_space<vmem>>) offsets(%dma_start3A_256 : memref<128xi32, #tpu.memory_space<vmem>>) semaphore(%arg8 : memref<!tpu.dma_semaphore, #tpu.memory_space<semaphore_mem>>)
        %mul3A_260 = arith.constant 640 : i32
        %mul3A_261 = arith.muli %add3A_211, %mul3A_260 : i32
        %add3A_262 = arith.constant 384 : i32
        %add3A_263 = arith.addi %mul3A_261, %add3A_262 : i32
        %dma_start3A_264 = arith.constant 0 : i32
        %dma_start3A_265 = arith.constant 0 : i32
        %dma_start3A_266 = arith.constant 0 : i32
        %dma_start3A_267 = tpu.memref_slice %arg6[%dma_start3A_264, %dma_start3A_265, %dma_start3A_266] : memref<2x640x64xf32, #tpu.memory_space<vmem>> -> memref<1x640x64xf32, #tpu.memory_space<vmem>>
        %dma_start3A_268 = tpu.memref_squeeze %dma_start3A_267 : memref<1x640x64xf32, #tpu.memory_space<vmem>> -> memref<640x64xf32, #tpu.memory_space<vmem>>
        %dma_start3A_269 = arith.constant 384 : i32
        %dma_start3A_270 = arith.constant 0 : i32
        %dma_start3A_271 = tpu.memref_slice %dma_start3A_268[%dma_start3A_269, %dma_start3A_270] : memref<640x64xf32, #tpu.memory_space<vmem>> -> memref<128x64xf32, #tpu.memory_space<vmem>>
        %dma_start3A_272 = tpu.memref_slice %arg5[%add3A_263] : memref<10240xi32, #tpu.memory_space<vmem>> -> memref<128xi32, #tpu.memory_space<vmem>>
        %dma_start3A_273 = arith.constant 0 : i32
        %dma_start3A_274 = arith.constant 0 : i32
        %dma_start3A_275 = tpu.memref_slice %arg2[%dma_start3A_273, %dma_start3A_274] : memref<1000000x64xf32, #tpu.memory_space<hbm>> -> memref<1000000x64xf32, #tpu.memory_space<hbm>>
        tpu.enqueue_indirect_dma source(%dma_start3A_275 : memref<1000000x64xf32, #tpu.memory_space<hbm>>) target(%dma_start3A_271 : memref<128x64xf32, #tpu.memory_space<vmem>>) offsets(%dma_start3A_272 : memref<128xi32, #tpu.memory_space<vmem>>) semaphore(%arg8 : memref<!tpu.dma_semaphore, #tpu.memory_space<semaphore_mem>>)
        %mul3A_276 = arith.constant 640 : i32
        %mul3A_277 = arith.muli %add3A_211, %mul3A_276 : i32
        %add3A_278 = arith.constant 512 : i32
        %add3A_279 = arith.addi %mul3A_277, %add3A_278 : i32
        %dma_start3A_280 = arith.constant 0 : i32
        %dma_start3A_281 = arith.constant 0 : i32
        %dma_start3A_282 = arith.constant 0 : i32
        %dma_start3A_283 = tpu.memref_slice %arg6[%dma_start3A_280, %dma_start3A_281, %dma_start3A_282] : memref<2x640x64xf32, #tpu.memory_space<vmem>> -> memref<1x640x64xf32, #tpu.memory_space<vmem>>
        %dma_start3A_284 = tpu.memref_squeeze %dma_start3A_283 : memref<1x640x64xf32, #tpu.memory_space<vmem>> -> memref<640x64xf32, #tpu.memory_space<vmem>>
        %dma_start3A_285 = arith.constant 512 : i32
        %dma_start3A_286 = arith.constant 0 : i32
        %dma_start3A_287 = tpu.memref_slice %dma_start3A_284[%dma_start3A_285, %dma_start3A_286] : memref<640x64xf32, #tpu.memory_space<vmem>> -> memref<128x64xf32, #tpu.memory_space<vmem>>
        %dma_start3A_288 = tpu.memref_slice %arg5[%add3A_279] : memref<10240xi32, #tpu.memory_space<vmem>> -> memref<128xi32, #tpu.memory_space<vmem>>
        %dma_start3A_289 = arith.constant 0 : i32
        %dma_start3A_290 = arith.constant 0 : i32
        %dma_start3A_291 = tpu.memref_slice %arg2[%dma_start3A_289, %dma_start3A_290] : memref<1000000x64xf32, #tpu.memory_space<hbm>> -> memref<1000000x64xf32, #tpu.memory_space<hbm>>
        tpu.enqueue_indirect_dma source(%dma_start3A_291 : memref<1000000x64xf32, #tpu.memory_space<hbm>>) target(%dma_start3A_287 : memref<128x64xf32, #tpu.memory_space<vmem>>) offsets(%dma_start3A_288 : memref<128xi32, #tpu.memory_space<vmem>>) semaphore(%arg8 : memref<!tpu.dma_semaphore, #tpu.memory_space<semaphore_mem>>)
      } else {
      }
      %dma_wait3A_166 = arith.constant 1 : i32
      %dma_wait3A_167 = arith.constant 0 : i32
      %dma_wait3A_168 = arith.constant 0 : i32
      %dma_wait3A_169 = tpu.memref_slice %arg6[%dma_wait3A_166, %dma_wait3A_167, %dma_wait3A_168] : memref<2x640x64xf32, #tpu.memory_space<vmem>> -> memref<1x640x64xf32, #tpu.memory_space<vmem>>
      %dma_wait3A_170 = tpu.memref_squeeze %dma_wait3A_169 : memref<1x640x64xf32, #tpu.memory_space<vmem>> -> memref<640x64xf32, #tpu.memory_space<vmem>>
      %dma_wait3A_171 = arith.constant 0 : i32
      %dma_wait3A_172 = arith.constant 0 : i32
      %dma_wait3A_173 = tpu.memref_slice %arg2[%dma_wait3A_171, %dma_wait3A_172] : memref<1000000x64xf32, #tpu.memory_space<hbm>> -> memref<640x64xf32, #tpu.memory_space<hbm>>
      %dma_wait3A_174 = arith.constant 0 : i32
      %dma_wait3A_175 = arith.constant 0 : i32
      %dma_wait3A_176 = tpu.memref_slice %arg6[%dma_wait3A_166, %dma_wait3A_174, %dma_wait3A_175] : memref<2x640x64xf32, #tpu.memory_space<vmem>> -> memref<1x640x64xf32, #tpu.memory_space<vmem>>
      %dma_wait3A_177 = tpu.memref_squeeze %dma_wait3A_176 : memref<1x640x64xf32, #tpu.memory_space<vmem>> -> memref<640x64xf32, #tpu.memory_space<vmem>>
      %dma_wait3A_178 = arith.constant 0 : i32
      %dma_wait3A_179 = arith.constant 0 : i32
      %dma_wait3A_180 = tpu.memref_slice %arg2[%dma_wait3A_178, %dma_wait3A_179] : memref<1000000x64xf32, #tpu.memory_space<hbm>> -> memref<640x64xf32, #tpu.memory_space<hbm>>
      tpu.wait_dma2 semaphore(%arg9 : memref<!tpu.dma_semaphore, #tpu.memory_space<semaphore_mem>>) src(%dma_wait3A_180 : memref<640x64xf32, #tpu.memory_space<hbm>>) dst(%dma_wait3A_177 : memref<640x64xf32, #tpu.memory_space<vmem>>)
      %ge3A_181 = arith.constant 2 : i32
      %ge3A_182 = arith.cmpi sge, %add3A_158, %ge3A_181 : i32
      %convert_element_type3A_183 = arith.extui %ge3A_182 : i1 to i32
      %cond3A_184 = arith.constant 0 : i32
      %cond3A_185 = arith.cmpi ne, %convert_element_type3A_183, %cond3A_184 : i32
      scf.if %cond3A_185 {
        %dma_wait3A_210 = arith.constant 1 : i32
        %dma_wait3A_211 = arith.constant 0 : i32
        %dma_wait3A_212 = arith.constant 0 : i32
        %dma_wait3A_213 = tpu.memref_slice %arg7[%dma_wait3A_210, %dma_wait3A_211, %dma_wait3A_212] : memref<2x32x64xf32, #tpu.memory_space<vmem>> -> memref<1x32x64xf32, #tpu.memory_space<vmem>>
        %dma_wait3A_214 = tpu.memref_squeeze %dma_wait3A_213 : memref<1x32x64xf32, #tpu.memory_space<vmem>> -> memref<32x64xf32, #tpu.memory_space<vmem>>
        %dma_wait3A_215 = arith.constant 0 : i32
        %dma_wait3A_216 = arith.constant 0 : i32
        %dma_wait3A_217 = tpu.memref_slice %arg4[%dma_wait3A_215, %dma_wait3A_216] : memref<16384x64xf32, #tpu.memory_space<hbm>> -> memref<32x64xf32, #tpu.memory_space<hbm>>
        %dma_wait3A_218 = arith.constant 0 : i32
        %dma_wait3A_219 = arith.constant 0 : i32
        %dma_wait3A_220 = tpu.memref_slice %arg4[%dma_wait3A_218, %dma_wait3A_219] : memref<16384x64xf32, #tpu.memory_space<hbm>> -> memref<32x64xf32, #tpu.memory_space<hbm>>
        %dma_wait3A_221 = arith.constant 0 : i32
        %dma_wait3A_222 = arith.constant 0 : i32
        %dma_wait3A_223 = tpu.memref_slice %arg7[%dma_wait3A_210, %dma_wait3A_221, %dma_wait3A_222] : memref<2x32x64xf32, #tpu.memory_space<vmem>> -> memref<1x32x64xf32, #tpu.memory_space<vmem>>
        %dma_wait3A_224 = tpu.memref_squeeze %dma_wait3A_223 : memref<1x32x64xf32, #tpu.memory_space<vmem>> -> memref<32x64xf32, #tpu.memory_space<vmem>>
        tpu.wait_dma2 semaphore(%arg11 : memref<!tpu.dma_semaphore, #tpu.memory_space<semaphore_mem>>) src(%dma_wait3A_224 : memref<32x64xf32, #tpu.memory_space<vmem>>) dst(%dma_wait3A_220 : memref<32x64xf32, #tpu.memory_space<hbm>>)
      } else {
      }
      %scan3A_186 = arith.constant 0 : i32
      %scan3A_187 = arith.constant 1 : i32
      %scan3A_188 = arith.constant 1 : i32
      %scan3A_189 = arith.constant 0 : i32
      %scan3A_190 = arith.constant 32 : i32
      %scan3A_191 = arith.addi %scan3A_189, %scan3A_190 : i32
      %scan3A_192 = arith.constant 1 : i32
      scf.for %scan3A_210 = %scan3A_189 to %scan3A_191 step %scan3A_192  : i32 {
        %mul3A_211 = arith.constant 20 : i32
        %mul3A_212 = arith.muli %scan3A_210, %mul3A_211 : i32
        %add3A_213 = arith.constant 0 : i32
        %add3A_214 = arith.addi %mul3A_212, %add3A_213 : i32
        %get3A = arith.constant 0 : i32
        %get3A_215 = arith.constant 0 : i32
        %get3A_216 = tpu.memref_slice %arg6[%scan3A_187, %get3A, %get3A_215] : memref<2x640x64xf32, #tpu.memory_space<vmem>> -> memref<1x640x64xf32, #tpu.memory_space<vmem>>
        %get3A_217 = tpu.memref_squeeze %get3A_216 : memref<1x640x64xf32, #tpu.memory_space<vmem>> -> memref<640x64xf32, #tpu.memory_space<vmem>>
        %get3A_218 = arith.index_cast %add3A_214 : i32 to index
        %get3A_219 = arith.constant 0 : index
        %get3A_220 = tpu.vector_load %get3A_217[%get3A_218, %get3A_219] {strides = array<i32>} : memref<640x64xf32, #tpu.memory_space<vmem>>, vector<1x16xf32>,
        %get3A_221 = vector.shape_cast %get3A_220 : vector<1x16xf32> to vector<16xf32>
        %add3A_222 = arith.constant 1 : i32
        %add3A_223 = arith.addi %mul3A_212, %add3A_222 : i32
        %get3A_224 = arith.constant 0 : i32
        %get3A_225 = arith.constant 0 : i32
        %get3A_226 = tpu.memref_slice %arg6[%scan3A_187, %get3A_224, %get3A_225] : memref<2x640x64xf32, #tpu.memory_space<vmem>> -> memref<1x640x64xf32, #tpu.memory_space<vmem>>
        %get3A_227 = tpu.memref_squeeze %get3A_226 : memref<1x640x64xf32, #tpu.memory_space<vmem>> -> memref<640x64xf32, #tpu.memory_space<vmem>>
        %get3A_228 = arith.index_cast %add3A_223 : i32 to index
        %get3A_229 = arith.constant 0 : index
        %get3A_230 = tpu.vector_load %get3A_227[%get3A_228, %get3A_229] {strides = array<i32>} : memref<640x64xf32, #tpu.memory_space<vmem>>, vector<1x16xf32>,
        %get3A_231 = vector.shape_cast %get3A_230 : vector<1x16xf32> to vector<16xf32>
        %add3A_232 = arith.constant 2 : i32
        %add3A_233 = arith.addi %mul3A_212, %add3A_232 : i32
        %get3A_234 = arith.constant 0 : i32
        %get3A_235 = arith.constant 0 : i32
        %get3A_236 = tpu.memref_slice %arg6[%scan3A_187, %get3A_234, %get3A_235] : memref<2x640x64xf32, #tpu.memory_space<vmem>> -> memref<1x640x64xf32, #tpu.memory_space<vmem>>
        %get3A_237 = tpu.memref_squeeze %get3A_236 : memref<1x640x64xf32, #tpu.memory_space<vmem>> -> memref<640x64xf32, #tpu.memory_space<vmem>>
        %get3A_238 = arith.index_cast %add3A_233 : i32 to index
        %get3A_239 = arith.constant 0 : index
        %get3A_240 = tpu.vector_load %get3A_237[%get3A_238, %get3A_239] {strides = array<i32>} : memref<640x64xf32, #tpu.memory_space<vmem>>, vector<1x16xf32>,
        %get3A_241 = vector.shape_cast %get3A_240 : vector<1x16xf32> to vector<16xf32>
        %add3A_242 = arith.constant 3 : i32
        %add3A_243 = arith.addi %mul3A_212, %add3A_242 : i32
        %get3A_244 = arith.constant 0 : i32
        %get3A_245 = arith.constant 0 : i32
        %get3A_246 = tpu.memref_slice %arg6[%scan3A_187, %get3A_244, %get3A_245] : memref<2x640x64xf32, #tpu.memory_space<vmem>> -> memref<1x640x64xf32, #tpu.memory_space<vmem>>
        %get3A_247 = tpu.memref_squeeze %get3A_246 : memref<1x640x64xf32, #tpu.memory_space<vmem>> -> memref<640x64xf32, #tpu.memory_space<vmem>>
        %get3A_248 = arith.index_cast %add3A_243 : i32 to index
        %get3A_249 = arith.constant 0 : index
        %get3A_250 = tpu.vector_load %get3A_247[%get3A_248, %get3A_249] {strides = array<i32>} : memref<640x64xf32, #tpu.memory_space<vmem>>, vector<1x16xf32>,
        %get3A_251 = vector.shape_cast %get3A_250 : vector<1x16xf32> to vector<16xf32>
        %add3A_252 = arith.constant 4 : i32
        %add3A_253 = arith.addi %mul3A_212, %add3A_252 : i32
        %get3A_254 = arith.constant 0 : i32
        %get3A_255 = arith.constant 0 : i32
        %get3A_256 = tpu.memref_slice %arg6[%scan3A_187, %get3A_254, %get3A_255] : memref<2x640x64xf32, #tpu.memory_space<vmem>> -> memref<1x640x64xf32, #tpu.memory_space<vmem>>
        %get3A_257 = tpu.memref_squeeze %get3A_256 : memref<1x640x64xf32, #tpu.memory_space<vmem>> -> memref<640x64xf32, #tpu.memory_space<vmem>>
        %get3A_258 = arith.index_cast %add3A_253 : i32 to index
        %get3A_259 = arith.constant 0 : index
        %get3A_260 = tpu.vector_load %get3A_257[%get3A_258, %get3A_259] {strides = array<i32>} : memref<640x64xf32, #tpu.memory_space<vmem>>, vector<1x16xf32>,
        %get3A_261 = vector.shape_cast %get3A_260 : vector<1x16xf32> to vector<16xf32>
        %add3A_262 = arith.constant 5 : i32
        %add3A_263 = arith.addi %mul3A_212, %add3A_262 : i32
        %get3A_264 = arith.constant 0 : i32
        %get3A_265 = arith.constant 0 : i32
        %get3A_266 = tpu.memref_slice %arg6[%scan3A_187, %get3A_264, %get3A_265] : memref<2x640x64xf32, #tpu.memory_space<vmem>> -> memref<1x640x64xf32, #tpu.memory_space<vmem>>
        %get3A_267 = tpu.memref_squeeze %get3A_266 : memref<1x640x64xf32, #tpu.memory_space<vmem>> -> memref<640x64xf32, #tpu.memory_space<vmem>>
        %get3A_268 = arith.index_cast %add3A_263 : i32 to index
        %get3A_269 = arith.constant 0 : index
        %get3A_270 = tpu.vector_load %get3A_267[%get3A_268, %get3A_269] {strides = array<i32>} : memref<640x64xf32, #tpu.memory_space<vmem>>, vector<1x16xf32>,
        %get3A_271 = vector.shape_cast %get3A_270 : vector<1x16xf32> to vector<16xf32>
        %add3A_272 = arith.constant 6 : i32
        %add3A_273 = arith.addi %mul3A_212, %add3A_272 : i32
        %get3A_274 = arith.constant 0 : i32
        %get3A_275 = arith.constant 0 : i32
        %get3A_276 = tpu.memref_slice %arg6[%scan3A_187, %get3A_274, %get3A_275] : memref<2x640x64xf32, #tpu.memory_space<vmem>> -> memref<1x640x64xf32, #tpu.memory_space<vmem>>
        %get3A_277 = tpu.memref_squeeze %get3A_276 : memref<1x640x64xf32, #tpu.memory_space<vmem>> -> memref<640x64xf32, #tpu.memory_space<vmem>>
        %get3A_278 = arith.index_cast %add3A_273 : i32 to index
        %get3A_279 = arith.constant 0 : index
        %get3A_280 = tpu.vector_load %get3A_277[%get3A_278, %get3A_279] {strides = array<i32>} : memref<640x64xf32, #tpu.memory_space<vmem>>, vector<1x16xf32>,
        %get3A_281 = vector.shape_cast %get3A_280 : vector<1x16xf32> to vector<16xf32>
        %add3A_282 = arith.constant 7 : i32
        %add3A_283 = arith.addi %mul3A_212, %add3A_282 : i32
        %get3A_284 = arith.constant 0 : i32
        %get3A_285 = arith.constant 0 : i32
        %get3A_286 = tpu.memref_slice %arg6[%scan3A_187, %get3A_284, %get3A_285] : memref<2x640x64xf32, #tpu.memory_space<vmem>> -> memref<1x640x64xf32, #tpu.memory_space<vmem>>
        %get3A_287 = tpu.memref_squeeze %get3A_286 : memref<1x640x64xf32, #tpu.memory_space<vmem>> -> memref<640x64xf32, #tpu.memory_space<vmem>>
        %get3A_288 = arith.index_cast %add3A_283 : i32 to index
        %get3A_289 = arith.constant 0 : index
        %get3A_290 = tpu.vector_load %get3A_287[%get3A_288, %get3A_289] {strides = array<i32>} : memref<640x64xf32, #tpu.memory_space<vmem>>, vector<1x16xf32>,
        %get3A_291 = vector.shape_cast %get3A_290 : vector<1x16xf32> to vector<16xf32>
        %add3A_292 = arith.constant 8 : i32
        %add3A_293 = arith.addi %mul3A_212, %add3A_292 : i32
        %get3A_294 = arith.constant 0 : i32
        %get3A_295 = arith.constant 0 : i32
        %get3A_296 = tpu.memref_slice %arg6[%scan3A_187, %get3A_294, %get3A_295] : memref<2x640x64xf32, #tpu.memory_space<vmem>> -> memref<1x640x64xf32, #tpu.memory_space<vmem>>
        %get3A_297 = tpu.memref_squeeze %get3A_296 : memref<1x640x64xf32, #tpu.memory_space<vmem>> -> memref<640x64xf32, #tpu.memory_space<vmem>>
        %get3A_298 = arith.index_cast %add3A_293 : i32 to index
        %get3A_299 = arith.constant 0 : index
        %get3A_300 = tpu.vector_load %get3A_297[%get3A_298, %get3A_299] {strides = array<i32>} : memref<640x64xf32, #tpu.memory_space<vmem>>, vector<1x16xf32>,
        %get3A_301 = vector.shape_cast %get3A_300 : vector<1x16xf32> to vector<16xf32>
        %add3A_302 = arith.constant 9 : i32
        %add3A_303 = arith.addi %mul3A_212, %add3A_302 : i32
        %get3A_304 = arith.constant 0 : i32
        %get3A_305 = arith.constant 0 : i32
        %get3A_306 = tpu.memref_slice %arg6[%scan3A_187, %get3A_304, %get3A_305] : memref<2x640x64xf32, #tpu.memory_space<vmem>> -> memref<1x640x64xf32, #tpu.memory_space<vmem>>
        %get3A_307 = tpu.memref_squeeze %get3A_306 : memref<1x640x64xf32, #tpu.memory_space<vmem>> -> memref<640x64xf32, #tpu.memory_space<vmem>>
        %get3A_308 = arith.index_cast %add3A_303 : i32 to index
        %get3A_309 = arith.constant 0 : index
        %get3A_310 = tpu.vector_load %get3A_307[%get3A_308, %get3A_309] {strides = array<i32>} : memref<640x64xf32, #tpu.memory_space<vmem>>, vector<1x16xf32>,
        %get3A_311 = vector.shape_cast %get3A_310 : vector<1x16xf32> to vector<16xf32>
        %add3A_312 = arith.constant 10 : i32
        %add3A_313 = arith.addi %mul3A_212, %add3A_312 : i32
        %get3A_314 = arith.constant 0 : i32
        %get3A_315 = arith.constant 0 : i32
        %get3A_316 = tpu.memref_slice %arg6[%scan3A_187, %get3A_314, %get3A_315] : memref<2x640x64xf32, #tpu.memory_space<vmem>> -> memref<1x640x64xf32, #tpu.memory_space<vmem>>
        %get3A_317 = tpu.memref_squeeze %get3A_316 : memref<1x640x64xf32, #tpu.memory_space<vmem>> -> memref<640x64xf32, #tpu.memory_space<vmem>>
        %get3A_318 = arith.index_cast %add3A_313 : i32 to index
        %get3A_319 = arith.constant 0 : index
        %get3A_320 = tpu.vector_load %get3A_317[%get3A_318, %get3A_319] {strides = array<i32>} : memref<640x64xf32, #tpu.memory_space<vmem>>, vector<1x16xf32>,
        %get3A_321 = vector.shape_cast %get3A_320 : vector<1x16xf32> to vector<16xf32>
        %add3A_322 = arith.constant 11 : i32
        %add3A_323 = arith.addi %mul3A_212, %add3A_322 : i32
        %get3A_324 = arith.constant 0 : i32
        %get3A_325 = arith.constant 0 : i32
        %get3A_326 = tpu.memref_slice %arg6[%scan3A_187, %get3A_324, %get3A_325] : memref<2x640x64xf32, #tpu.memory_space<vmem>> -> memref<1x640x64xf32, #tpu.memory_space<vmem>>
        %get3A_327 = tpu.memref_squeeze %get3A_326 : memref<1x640x64xf32, #tpu.memory_space<vmem>> -> memref<640x64xf32, #tpu.memory_space<vmem>>
        %get3A_328 = arith.index_cast %add3A_323 : i32 to index
        %get3A_329 = arith.constant 0 : index
        %get3A_330 = tpu.vector_load %get3A_327[%get3A_328, %get3A_329] {strides = array<i32>} : memref<640x64xf32, #tpu.memory_space<vmem>>, vector<1x16xf32>,
        %get3A_331 = vector.shape_cast %get3A_330 : vector<1x16xf32> to vector<16xf32>
        %add3A_332 = arith.constant 12 : i32
        %add3A_333 = arith.addi %mul3A_212, %add3A_332 : i32
        %get3A_334 = arith.constant 0 : i32
        %get3A_335 = arith.constant 0 : i32
        %get3A_336 = tpu.memref_slice %arg6[%scan3A_187, %get3A_334, %get3A_335] : memref<2x640x64xf32, #tpu.memory_space<vmem>> -> memref<1x640x64xf32, #tpu.memory_space<vmem>>
        %get3A_337 = tpu.memref_squeeze %get3A_336 : memref<1x640x64xf32, #tpu.memory_space<vmem>> -> memref<640x64xf32, #tpu.memory_space<vmem>>
        %get3A_338 = arith.index_cast %add3A_333 : i32 to index
        %get3A_339 = arith.constant 0 : index
        %get3A_340 = tpu.vector_load %get3A_337[%get3A_338, %get3A_339] {strides = array<i32>} : memref<640x64xf32, #tpu.memory_space<vmem>>, vector<1x16xf32>,
        %get3A_341 = vector.shape_cast %get3A_340 : vector<1x16xf32> to vector<16xf32>
        %add3A_342 = arith.constant 13 : i32
        %add3A_343 = arith.addi %mul3A_212, %add3A_342 : i32
        %get3A_344 = arith.constant 0 : i32
        %get3A_345 = arith.constant 0 : i32
        %get3A_346 = tpu.memref_slice %arg6[%scan3A_187, %get3A_344, %get3A_345] : memref<2x640x64xf32, #tpu.memory_space<vmem>> -> memref<1x640x64xf32, #tpu.memory_space<vmem>>
        %get3A_347 = tpu.memref_squeeze %get3A_346 : memref<1x640x64xf32, #tpu.memory_space<vmem>> -> memref<640x64xf32, #tpu.memory_space<vmem>>
        %get3A_348 = arith.index_cast %add3A_343 : i32 to index
        %get3A_349 = arith.constant 0 : index
        %get3A_350 = tpu.vector_load %get3A_347[%get3A_348, %get3A_349] {strides = array<i32>} : memref<640x64xf32, #tpu.memory_space<vmem>>, vector<1x16xf32>,
        %get3A_351 = vector.shape_cast %get3A_350 : vector<1x16xf32> to vector<16xf32>
        %add3A_352 = arith.constant 14 : i32
        %add3A_353 = arith.addi %mul3A_212, %add3A_352 : i32
        %get3A_354 = arith.constant 0 : i32
        %get3A_355 = arith.constant 0 : i32
        %get3A_356 = tpu.memref_slice %arg6[%scan3A_187, %get3A_354, %get3A_355] : memref<2x640x64xf32, #tpu.memory_space<vmem>> -> memref<1x640x64xf32, #tpu.memory_space<vmem>>
        %get3A_357 = tpu.memref_squeeze %get3A_356 : memref<1x640x64xf32, #tpu.memory_space<vmem>> -> memref<640x64xf32, #tpu.memory_space<vmem>>
        %get3A_358 = arith.index_cast %add3A_353 : i32 to index
        %get3A_359 = arith.constant 0 : index
        %get3A_360 = tpu.vector_load %get3A_357[%get3A_358, %get3A_359] {strides = array<i32>} : memref<640x64xf32, #tpu.memory_space<vmem>>, vector<1x16xf32>,
        %get3A_361 = vector.shape_cast %get3A_360 : vector<1x16xf32> to vector<16xf32>
        %add3A_362 = arith.constant 15 : i32
        %add3A_363 = arith.addi %mul3A_212, %add3A_362 : i32
        %get3A_364 = arith.constant 0 : i32
        %get3A_365 = arith.constant 0 : i32
        %get3A_366 = tpu.memref_slice %arg6[%scan3A_187, %get3A_364, %get3A_365] : memref<2x640x64xf32, #tpu.memory_space<vmem>> -> memref<1x640x64xf32, #tpu.memory_space<vmem>>
        %get3A_367 = tpu.memref_squeeze %get3A_366 : memref<1x640x64xf32, #tpu.memory_space<vmem>> -> memref<640x64xf32, #tpu.memory_space<vmem>>
        %get3A_368 = arith.index_cast %add3A_363 : i32 to index
        %get3A_369 = arith.constant 0 : index
        %get3A_370 = tpu.vector_load %get3A_367[%get3A_368, %get3A_369] {strides = array<i32>} : memref<640x64xf32, #tpu.memory_space<vmem>>, vector<1x16xf32>,
        %get3A_371 = vector.shape_cast %get3A_370 : vector<1x16xf32> to vector<16xf32>
        %add3A_372 = arith.constant 16 : i32
        %add3A_373 = arith.addi %mul3A_212, %add3A_372 : i32
        %get3A_374 = arith.constant 0 : i32
        %get3A_375 = arith.constant 0 : i32
        %get3A_376 = tpu.memref_slice %arg6[%scan3A_187, %get3A_374, %get3A_375] : memref<2x640x64xf32, #tpu.memory_space<vmem>> -> memref<1x640x64xf32, #tpu.memory_space<vmem>>
        %get3A_377 = tpu.memref_squeeze %get3A_376 : memref<1x640x64xf32, #tpu.memory_space<vmem>> -> memref<640x64xf32, #tpu.memory_space<vmem>>
        %get3A_378 = arith.index_cast %add3A_373 : i32 to index
        %get3A_379 = arith.constant 0 : index
        %get3A_380 = tpu.vector_load %get3A_377[%get3A_378, %get3A_379] {strides = array<i32>} : memref<640x64xf32, #tpu.memory_space<vmem>>, vector<1x16xf32>,
        %get3A_381 = vector.shape_cast %get3A_380 : vector<1x16xf32> to vector<16xf32>
        %add3A_382 = arith.constant 17 : i32
        %add3A_383 = arith.addi %mul3A_212, %add3A_382 : i32
        %get3A_384 = arith.constant 0 : i32
        %get3A_385 = arith.constant 0 : i32
        %get3A_386 = tpu.memref_slice %arg6[%scan3A_187, %get3A_384, %get3A_385] : memref<2x640x64xf32, #tpu.memory_space<vmem>> -> memref<1x640x64xf32, #tpu.memory_space<vmem>>
        %get3A_387 = tpu.memref_squeeze %get3A_386 : memref<1x640x64xf32, #tpu.memory_space<vmem>> -> memref<640x64xf32, #tpu.memory_space<vmem>>
        %get3A_388 = arith.index_cast %add3A_383 : i32 to index
        %get3A_389 = arith.constant 0 : index
        %get3A_390 = tpu.vector_load %get3A_387[%get3A_388, %get3A_389] {strides = array<i32>} : memref<640x64xf32, #tpu.memory_space<vmem>>, vector<1x16xf32>,
        %get3A_391 = vector.shape_cast %get3A_390 : vector<1x16xf32> to vector<16xf32>
        %add3A_392 = arith.constant 18 : i32
        %add3A_393 = arith.addi %mul3A_212, %add3A_392 : i32
        %get3A_394 = arith.constant 0 : i32
        %get3A_395 = arith.constant 0 : i32
        %get3A_396 = tpu.memref_slice %arg6[%scan3A_187, %get3A_394, %get3A_395] : memref<2x640x64xf32, #tpu.memory_space<vmem>> -> memref<1x640x64xf32, #tpu.memory_space<vmem>>
        %get3A_397 = tpu.memref_squeeze %get3A_396 : memref<1x640x64xf32, #tpu.memory_space<vmem>> -> memref<640x64xf32, #tpu.memory_space<vmem>>
        %get3A_398 = arith.index_cast %add3A_393 : i32 to index
        %get3A_399 = arith.constant 0 : index
        %get3A_400 = tpu.vector_load %get3A_397[%get3A_398, %get3A_399] {strides = array<i32>} : memref<640x64xf32, #tpu.memory_space<vmem>>, vector<1x16xf32>,
        %get3A_401 = vector.shape_cast %get3A_400 : vector<1x16xf32> to vector<16xf32>
        %add3A_402 = arith.constant 19 : i32
        %add3A_403 = arith.addi %mul3A_212, %add3A_402 : i32
        %get3A_404 = arith.constant 0 : i32
        %get3A_405 = arith.constant 0 : i32
        %get3A_406 = tpu.memref_slice %arg6[%scan3A_187, %get3A_404, %get3A_405] : memref<2x640x64xf32, #tpu.memory_space<vmem>> -> memref<1x640x64xf32, #tpu.memory_space<vmem>>
        %get3A_407 = tpu.memref_squeeze %get3A_406 : memref<1x640x64xf32, #tpu.memory_space<vmem>> -> memref<640x64xf32, #tpu.memory_space<vmem>>
        %get3A_408 = arith.index_cast %add3A_403 : i32 to index
        %get3A_409 = arith.constant 0 : index
        %get3A_410 = tpu.vector_load %get3A_407[%get3A_408, %get3A_409] {strides = array<i32>} : memref<640x64xf32, #tpu.memory_space<vmem>>, vector<1x16xf32>,
        %get3A_411 = vector.shape_cast %get3A_410 : vector<1x16xf32> to vector<16xf32>
        %add3A_412 = arith.addf %get3A_221, %get3A_231 : vector<16xf32>
        %add3A_413 = arith.addf %get3A_241, %get3A_251 : vector<16xf32>
        %add3A_414 = arith.addf %get3A_261, %get3A_271 : vector<16xf32>
        %add3A_415 = arith.addf %get3A_281, %get3A_291 : vector<16xf32>
        %add3A_416 = arith.addf %get3A_301, %get3A_311 : vector<16xf32>
        %add3A_417 = arith.addf %get3A_321, %get3A_331 : vector<16xf32>
        %add3A_418 = arith.addf %get3A_341, %get3A_351 : vector<16xf32>
        %add3A_419 = arith.addf %get3A_361, %get3A_371 : vector<16xf32>
        %add3A_420 = arith.addf %get3A_381, %get3A_391 : vector<16xf32>
        %add3A_421 = arith.addf %get3A_401, %get3A_411 : vector<16xf32>
        %add3A_422 = arith.addf %add3A_412, %add3A_413 : vector<16xf32>
        %add3A_423 = arith.addf %add3A_414, %add3A_415 : vector<16xf32>
        %add3A_424 = arith.addf %add3A_416, %add3A_417 : vector<16xf32>
        %add3A_425 = arith.addf %add3A_418, %add3A_419 : vector<16xf32>
        %add3A_426 = arith.addf %add3A_420, %add3A_421 : vector<16xf32>
        %add3A_427 = arith.addf %add3A_422, %add3A_423 : vector<16xf32>
        %add3A_428 = arith.addf %add3A_424, %add3A_425 : vector<16xf32>
        %add3A_429 = arith.addf %add3A_428, %add3A_426 : vector<16xf32>
        %add3A_430 = arith.addf %add3A_427, %add3A_429 : vector<16xf32>
        %mul3A_431 = arith.constant 5.000000e-02 : f32
        %mul3A_432 = vector.broadcast %mul3A_431 : f32 to vector<16xf32>
        %mul3A_433 = arith.mulf %add3A_430, %mul3A_432 : vector<16xf32>
        %swap3A = arith.constant 0 : i32
        %swap3A_434 = arith.constant 0 : i32
        %swap3A_435 = tpu.memref_slice %arg7[%scan3A_188, %swap3A, %swap3A_434] : memref<2x32x64xf32, #tpu.memory_space<vmem>> -> memref<1x32x64xf32, #tpu.memory_space<vmem>>
        %swap3A_436 = tpu.memref_squeeze %swap3A_435 : memref<1x32x64xf32, #tpu.memory_space<vmem>> -> memref<32x64xf32, #tpu.memory_space<vmem>>
        %swap3A_437 = arith.index_cast %scan3A_210 : i32 to index
        %swap3A_438 = arith.constant 0 : index
        %swap3A_439 = tpu.vector_load %swap3A_436[%swap3A_437, %swap3A_438] {strides = array<i32>} : memref<32x64xf32, #tpu.memory_space<vmem>>, vector<1x16xf32>,
        %swap3A_440 = vector.shape_cast %swap3A_439 : vector<1x16xf32> to vector<16xf32>
        %swap3A_441 = vector.shape_cast %mul3A_433 : vector<16xf32> to vector<1x16xf32>
        tpu.vector_store %swap3A_436[%swap3A_437, %swap3A_438], %swap3A_441 {strides = array<i32>} : memref<32x64xf32, #tpu.memory_space<vmem>>, vector<1x16xf32>,
        %add3A_442 = arith.constant 0 : i32
        %add3A_443 = arith.addi %mul3A_212, %add3A_442 : i32
        %get3A_444 = arith.constant 0 : i32
        %get3A_445 = arith.constant 0 : i32
        %get3A_446 = tpu.memref_slice %arg6[%scan3A_187, %get3A_444, %get3A_445] : memref<2x640x64xf32, #tpu.memory_space<vmem>> -> memref<1x640x64xf32, #tpu.memory_space<vmem>>
        %get3A_447 = tpu.memref_squeeze %get3A_446 : memref<1x640x64xf32, #tpu.memory_space<vmem>> -> memref<640x64xf32, #tpu.memory_space<vmem>>
        %get3A_448 = arith.index_cast %add3A_443 : i32 to index
        %get3A_449 = arith.constant 16 : index
        %get3A_450 = tpu.vector_load %get3A_447[%get3A_448, %get3A_449] {strides = array<i32>} : memref<640x64xf32, #tpu.memory_space<vmem>>, vector<1x16xf32>,
        %get3A_451 = vector.shape_cast %get3A_450 : vector<1x16xf32> to vector<16xf32>
        %add3A_452 = arith.constant 1 : i32
        %add3A_453 = arith.addi %mul3A_212, %add3A_452 : i32
        %get3A_454 = arith.constant 0 : i32
        %get3A_455 = arith.constant 0 : i32
        %get3A_456 = tpu.memref_slice %arg6[%scan3A_187, %get3A_454, %get3A_455] : memref<2x640x64xf32, #tpu.memory_space<vmem>> -> memref<1x640x64xf32, #tpu.memory_space<vmem>>
        %get3A_457 = tpu.memref_squeeze %get3A_456 : memref<1x640x64xf32, #tpu.memory_space<vmem>> -> memref<640x64xf32, #tpu.memory_space<vmem>>
        %get3A_458 = arith.index_cast %add3A_453 : i32 to index
        %get3A_459 = arith.constant 16 : index
        %get3A_460 = tpu.vector_load %get3A_457[%get3A_458, %get3A_459] {strides = array<i32>} : memref<640x64xf32, #tpu.memory_space<vmem>>, vector<1x16xf32>,
        %get3A_461 = vector.shape_cast %get3A_460 : vector<1x16xf32> to vector<16xf32>
        %add3A_462 = arith.constant 2 : i32
        %add3A_463 = arith.addi %mul3A_212, %add3A_462 : i32
        %get3A_464 = arith.constant 0 : i32
        %get3A_465 = arith.constant 0 : i32
        %get3A_466 = tpu.memref_slice %arg6[%scan3A_187, %get3A_464, %get3A_465] : memref<2x640x64xf32, #tpu.memory_space<vmem>> -> memref<1x640x64xf32, #tpu.memory_space<vmem>>
        %get3A_467 = tpu.memref_squeeze %get3A_466 : memref<1x640x64xf32, #tpu.memory_space<vmem>> -> memref<640x64xf32, #tpu.memory_space<vmem>>
        %get3A_468 = arith.index_cast %add3A_463 : i32 to index
        %get3A_469 = arith.constant 16 : index
        %get3A_470 = tpu.vector_load %get3A_467[%get3A_468, %get3A_469] {strides = array<i32>} : memref<640x64xf32, #tpu.memory_space<vmem>>, vector<1x16xf32>,
        %get3A_471 = vector.shape_cast %get3A_470 : vector<1x16xf32> to vector<16xf32>
        %add3A_472 = arith.constant 3 : i32
        %add3A_473 = arith.addi %mul3A_212, %add3A_472 : i32
        %get3A_474 = arith.constant 0 : i32
        %get3A_475 = arith.constant 0 : i32
        %get3A_476 = tpu.memref_slice %arg6[%scan3A_187, %get3A_474, %get3A_475] : memref<2x640x64xf32, #tpu.memory_space<vmem>> -> memref<1x640x64xf32, #tpu.memory_space<vmem>>
        %get3A_477 = tpu.memref_squeeze %get3A_476 : memref<1x640x64xf32, #tpu.memory_space<vmem>> -> memref<640x64xf32, #tpu.memory_space<vmem>>
        %get3A_478 = arith.index_cast %add3A_473 : i32 to index
        %get3A_479 = arith.constant 16 : index
        %get3A_480 = tpu.vector_load %get3A_477[%get3A_478, %get3A_479] {strides = array<i32>} : memref<640x64xf32, #tpu.memory_space<vmem>>, vector<1x16xf32>,
        %get3A_481 = vector.shape_cast %get3A_480 : vector<1x16xf32> to vector<16xf32>
        %add3A_482 = arith.constant 4 : i32
        %add3A_483 = arith.addi %mul3A_212, %add3A_482 : i32
        %get3A_484 = arith.constant 0 : i32
        %get3A_485 = arith.constant 0 : i32
        %get3A_486 = tpu.memref_slice %arg6[%scan3A_187, %get3A_484, %get3A_485] : memref<2x640x64xf32, #tpu.memory_space<vmem>> -> memref<1x640x64xf32, #tpu.memory_space<vmem>>
        %get3A_487 = tpu.memref_squeeze %get3A_486 : memref<1x640x64xf32, #tpu.memory_space<vmem>> -> memref<640x64xf32, #tpu.memory_space<vmem>>
        %get3A_488 = arith.index_cast %add3A_483 : i32 to index
        %get3A_489 = arith.constant 16 : index
        %get3A_490 = tpu.vector_load %get3A_487[%get3A_488, %get3A_489] {strides = array<i32>} : memref<640x64xf32, #tpu.memory_space<vmem>>, vector<1x16xf32>,
        %get3A_491 = vector.shape_cast %get3A_490 : vector<1x16xf32> to vector<16xf32>
        %add3A_492 = arith.constant 5 : i32
        %add3A_493 = arith.addi %mul3A_212, %add3A_492 : i32
        %get3A_494 = arith.constant 0 : i32
        %get3A_495 = arith.constant 0 : i32
        %get3A_496 = tpu.memref_slice %arg6[%scan3A_187, %get3A_494, %get3A_495] : memref<2x640x64xf32, #tpu.memory_space<vmem>> -> memref<1x640x64xf32, #tpu.memory_space<vmem>>
        %get3A_497 = tpu.memref_squeeze %get3A_496 : memref<1x640x64xf32, #tpu.memory_space<vmem>> -> memref<640x64xf32, #tpu.memory_space<vmem>>
        %get3A_498 = arith.index_cast %add3A_493 : i32 to index
        %get3A_499 = arith.constant 16 : index
        %get3A_500 = tpu.vector_load %get3A_497[%get3A_498, %get3A_499] {strides = array<i32>} : memref<640x64xf32, #tpu.memory_space<vmem>>, vector<1x16xf32>,
        %get3A_501 = vector.shape_cast %get3A_500 : vector<1x16xf32> to vector<16xf32>
        %add3A_502 = arith.constant 6 : i32
        %add3A_503 = arith.addi %mul3A_212, %add3A_502 : i32
        %get3A_504 = arith.constant 0 : i32
        %get3A_505 = arith.constant 0 : i32
        %get3A_506 = tpu.memref_slice %arg6[%scan3A_187, %get3A_504, %get3A_505] : memref<2x640x64xf32, #tpu.memory_space<vmem>> -> memref<1x640x64xf32, #tpu.memory_space<vmem>>
        %get3A_507 = tpu.memref_squeeze %get3A_506 : memref<1x640x64xf32, #tpu.memory_space<vmem>> -> memref<640x64xf32, #tpu.memory_space<vmem>>
        %get3A_508 = arith.index_cast %add3A_503 : i32 to index
        %get3A_509 = arith.constant 16 : index
        %get3A_510 = tpu.vector_load %get3A_507[%get3A_508, %get3A_509] {strides = array<i32>} : memref<640x64xf32, #tpu.memory_space<vmem>>, vector<1x16xf32>,
        %get3A_511 = vector.shape_cast %get3A_510 : vector<1x16xf32> to vector<16xf32>
        %add3A_512 = arith.constant 7 : i32
        %add3A_513 = arith.addi %mul3A_212, %add3A_512 : i32
        %get3A_514 = arith.constant 0 : i32
        %get3A_515 = arith.constant 0 : i32
        %get3A_516 = tpu.memref_slice %arg6[%scan3A_187, %get3A_514, %get3A_515] : memref<2x640x64xf32, #tpu.memory_space<vmem>> -> memref<1x640x64xf32, #tpu.memory_space<vmem>>
        %get3A_517 = tpu.memref_squeeze %get3A_516 : memref<1x640x64xf32, #tpu.memory_space<vmem>> -> memref<640x64xf32, #tpu.memory_space<vmem>>
        %get3A_518 = arith.index_cast %add3A_513 : i32 to index
        %get3A_519 = arith.constant 16 : index
        %get3A_520 = tpu.vector_load %get3A_517[%get3A_518, %get3A_519] {strides = array<i32>} : memref<640x64xf32, #tpu.memory_space<vmem>>, vector<1x16xf32>,
        %get3A_521 = vector.shape_cast %get3A_520 : vector<1x16xf32> to vector<16xf32>
        %add3A_522 = arith.constant 8 : i32
        %add3A_523 = arith.addi %mul3A_212, %add3A_522 : i32
        %get3A_524 = arith.constant 0 : i32
        %get3A_525 = arith.constant 0 : i32
        %get3A_526 = tpu.memref_slice %arg6[%scan3A_187, %get3A_524, %get3A_525] : memref<2x640x64xf32, #tpu.memory_space<vmem>> -> memref<1x640x64xf32, #tpu.memory_space<vmem>>
        %get3A_527 = tpu.memref_squeeze %get3A_526 : memref<1x640x64xf32, #tpu.memory_space<vmem>> -> memref<640x64xf32, #tpu.memory_space<vmem>>
        %get3A_528 = arith.index_cast %add3A_523 : i32 to index
        %get3A_529 = arith.constant 16 : index
        %get3A_530 = tpu.vector_load %get3A_527[%get3A_528, %get3A_529] {strides = array<i32>} : memref<640x64xf32, #tpu.memory_space<vmem>>, vector<1x16xf32>,
        %get3A_531 = vector.shape_cast %get3A_530 : vector<1x16xf32> to vector<16xf32>
        %add3A_532 = arith.constant 9 : i32
        %add3A_533 = arith.addi %mul3A_212, %add3A_532 : i32
        %get3A_534 = arith.constant 0 : i32
        %get3A_535 = arith.constant 0 : i32
        %get3A_536 = tpu.memref_slice %arg6[%scan3A_187, %get3A_534, %get3A_535] : memref<2x640x64xf32, #tpu.memory_space<vmem>> -> memref<1x640x64xf32, #tpu.memory_space<vmem>>
        %get3A_537 = tpu.memref_squeeze %get3A_536 : memref<1x640x64xf32, #tpu.memory_space<vmem>> -> memref<640x64xf32, #tpu.memory_space<vmem>>
        %get3A_538 = arith.index_cast %add3A_533 : i32 to index
        %get3A_539 = arith.constant 16 : index
        %get3A_540 = tpu.vector_load %get3A_537[%get3A_538, %get3A_539] {strides = array<i32>} : memref<640x64xf32, #tpu.memory_space<vmem>>, vector<1x16xf32>,
        %get3A_541 = vector.shape_cast %get3A_540 : vector<1x16xf32> to vector<16xf32>
        %add3A_542 = arith.constant 10 : i32
        %add3A_543 = arith.addi %mul3A_212, %add3A_542 : i32
        %get3A_544 = arith.constant 0 : i32
        %get3A_545 = arith.constant 0 : i32
        %get3A_546 = tpu.memref_slice %arg6[%scan3A_187, %get3A_544, %get3A_545] : memref<2x640x64xf32, #tpu.memory_space<vmem>> -> memref<1x640x64xf32, #tpu.memory_space<vmem>>
        %get3A_547 = tpu.memref_squeeze %get3A_546 : memref<1x640x64xf32, #tpu.memory_space<vmem>> -> memref<640x64xf32, #tpu.memory_space<vmem>>
        %get3A_548 = arith.index_cast %add3A_543 : i32 to index
        %get3A_549 = arith.constant 16 : index
        %get3A_550 = tpu.vector_load %get3A_547[%get3A_548, %get3A_549] {strides = array<i32>} : memref<640x64xf32, #tpu.memory_space<vmem>>, vector<1x16xf32>,
        %get3A_551 = vector.shape_cast %get3A_550 : vector<1x16xf32> to vector<16xf32>
        %add3A_552 = arith.constant 11 : i32
        %add3A_553 = arith.addi %mul3A_212, %add3A_552 : i32
        %get3A_554 = arith.constant 0 : i32
        %get3A_555 = arith.constant 0 : i32
        %get3A_556 = tpu.memref_slice %arg6[%scan3A_187, %get3A_554, %get3A_555] : memref<2x640x64xf32, #tpu.memory_space<vmem>> -> memref<1x640x64xf32, #tpu.memory_space<vmem>>
        %get3A_557 = tpu.memref_squeeze %get3A_556 : memref<1x640x64xf32, #tpu.memory_space<vmem>> -> memref<640x64xf32, #tpu.memory_space<vmem>>
        %get3A_558 = arith.index_cast %add3A_553 : i32 to index
        %get3A_559 = arith.constant 16 : index
        %get3A_560 = tpu.vector_load %get3A_557[%get3A_558, %get3A_559] {strides = array<i32>} : memref<640x64xf32, #tpu.memory_space<vmem>>, vector<1x16xf32>,
        %get3A_561 = vector.shape_cast %get3A_560 : vector<1x16xf32> to vector<16xf32>
        %add3A_562 = arith.constant 12 : i32
        %add3A_563 = arith.addi %mul3A_212, %add3A_562 : i32
        %get3A_564 = arith.constant 0 : i32
        %get3A_565 = arith.constant 0 : i32
        %get3A_566 = tpu.memref_slice %arg6[%scan3A_187, %get3A_564, %get3A_565] : memref<2x640x64xf32, #tpu.memory_space<vmem>> -> memref<1x640x64xf32, #tpu.memory_space<vmem>>
        %get3A_567 = tpu.memref_squeeze %get3A_566 : memref<1x640x64xf32, #tpu.memory_space<vmem>> -> memref<640x64xf32, #tpu.memory_space<vmem>>
        %get3A_568 = arith.index_cast %add3A_563 : i32 to index
        %get3A_569 = arith.constant 16 : index
        %get3A_570 = tpu.vector_load %get3A_567[%get3A_568, %get3A_569] {strides = array<i32>} : memref<640x64xf32, #tpu.memory_space<vmem>>, vector<1x16xf32>,
        %get3A_571 = vector.shape_cast %get3A_570 : vector<1x16xf32> to vector<16xf32>
        %add3A_572 = arith.constant 13 : i32
        %add3A_573 = arith.addi %mul3A_212, %add3A_572 : i32
        %get3A_574 = arith.constant 0 : i32
        %get3A_575 = arith.constant 0 : i32
        %get3A_576 = tpu.memref_slice %arg6[%scan3A_187, %get3A_574, %get3A_575] : memref<2x640x64xf32, #tpu.memory_space<vmem>> -> memref<1x640x64xf32, #tpu.memory_space<vmem>>
        %get3A_577 = tpu.memref_squeeze %get3A_576 : memref<1x640x64xf32, #tpu.memory_space<vmem>> -> memref<640x64xf32, #tpu.memory_space<vmem>>
        %get3A_578 = arith.index_cast %add3A_573 : i32 to index
        %get3A_579 = arith.constant 16 : index
        %get3A_580 = tpu.vector_load %get3A_577[%get3A_578, %get3A_579] {strides = array<i32>} : memref<640x64xf32, #tpu.memory_space<vmem>>, vector<1x16xf32>,
        %get3A_581 = vector.shape_cast %get3A_580 : vector<1x16xf32> to vector<16xf32>
        %add3A_582 = arith.constant 14 : i32
        %add3A_583 = arith.addi %mul3A_212, %add3A_582 : i32
        %get3A_584 = arith.constant 0 : i32
        %get3A_585 = arith.constant 0 : i32
        %get3A_586 = tpu.memref_slice %arg6[%scan3A_187, %get3A_584, %get3A_585] : memref<2x640x64xf32, #tpu.memory_space<vmem>> -> memref<1x640x64xf32, #tpu.memory_space<vmem>>
        %get3A_587 = tpu.memref_squeeze %get3A_586 : memref<1x640x64xf32, #tpu.memory_space<vmem>> -> memref<640x64xf32, #tpu.memory_space<vmem>>
        %get3A_588 = arith.index_cast %add3A_583 : i32 to index
        %get3A_589 = arith.constant 16 : index
        %get3A_590 = tpu.vector_load %get3A_587[%get3A_588, %get3A_589] {strides = array<i32>} : memref<640x64xf32, #tpu.memory_space<vmem>>, vector<1x16xf32>,
        %get3A_591 = vector.shape_cast %get3A_590 : vector<1x16xf32> to vector<16xf32>
        %add3A_592 = arith.constant 15 : i32
        %add3A_593 = arith.addi %mul3A_212, %add3A_592 : i32
        %get3A_594 = arith.constant 0 : i32
        %get3A_595 = arith.constant 0 : i32
        %get3A_596 = tpu.memref_slice %arg6[%scan3A_187, %get3A_594, %get3A_595] : memref<2x640x64xf32, #tpu.memory_space<vmem>> -> memref<1x640x64xf32, #tpu.memory_space<vmem>>
        %get3A_597 = tpu.memref_squeeze %get3A_596 : memref<1x640x64xf32, #tpu.memory_space<vmem>> -> memref<640x64xf32, #tpu.memory_space<vmem>>
        %get3A_598 = arith.index_cast %add3A_593 : i32 to index
        %get3A_599 = arith.constant 16 : index
        %get3A_600 = tpu.vector_load %get3A_597[%get3A_598, %get3A_599] {strides = array<i32>} : memref<640x64xf32, #tpu.memory_space<vmem>>, vector<1x16xf32>,
        %get3A_601 = vector.shape_cast %get3A_600 : vector<1x16xf32> to vector<16xf32>
        %add3A_602 = arith.constant 16 : i32
        %add3A_603 = arith.addi %mul3A_212, %add3A_602 : i32
        %get3A_604 = arith.constant 0 : i32
        %get3A_605 = arith.constant 0 : i32
        %get3A_606 = tpu.memref_slice %arg6[%scan3A_187, %get3A_604, %get3A_605] : memref<2x640x64xf32, #tpu.memory_space<vmem>> -> memref<1x640x64xf32, #tpu.memory_space<vmem>>
        %get3A_607 = tpu.memref_squeeze %get3A_606 : memref<1x640x64xf32, #tpu.memory_space<vmem>> -> memref<640x64xf32, #tpu.memory_space<vmem>>
        %get3A_608 = arith.index_cast %add3A_603 : i32 to index
        %get3A_609 = arith.constant 16 : index
        %get3A_610 = tpu.vector_load %get3A_607[%get3A_608, %get3A_609] {strides = array<i32>} : memref<640x64xf32, #tpu.memory_space<vmem>>, vector<1x16xf32>,
        %get3A_611 = vector.shape_cast %get3A_610 : vector<1x16xf32> to vector<16xf32>
        %add3A_612 = arith.constant 17 : i32
        %add3A_613 = arith.addi %mul3A_212, %add3A_612 : i32
        %get3A_614 = arith.constant 0 : i32
        %get3A_615 = arith.constant 0 : i32
        %get3A_616 = tpu.memref_slice %arg6[%scan3A_187, %get3A_614, %get3A_615] : memref<2x640x64xf32, #tpu.memory_space<vmem>> -> memref<1x640x64xf32, #tpu.memory_space<vmem>>
        %get3A_617 = tpu.memref_squeeze %get3A_616 : memref<1x640x64xf32, #tpu.memory_space<vmem>> -> memref<640x64xf32, #tpu.memory_space<vmem>>
        %get3A_618 = arith.index_cast %add3A_613 : i32 to index
        %get3A_619 = arith.constant 16 : index
        %get3A_620 = tpu.vector_load %get3A_617[%get3A_618, %get3A_619] {strides = array<i32>} : memref<640x64xf32, #tpu.memory_space<vmem>>, vector<1x16xf32>,
        %get3A_621 = vector.shape_cast %get3A_620 : vector<1x16xf32> to vector<16xf32>
        %add3A_622 = arith.constant 18 : i32
        %add3A_623 = arith.addi %mul3A_212, %add3A_622 : i32
        %get3A_624 = arith.constant 0 : i32
        %get3A_625 = arith.constant 0 : i32
        %get3A_626 = tpu.memref_slice %arg6[%scan3A_187, %get3A_624, %get3A_625] : memref<2x640x64xf32, #tpu.memory_space<vmem>> -> memref<1x640x64xf32, #tpu.memory_space<vmem>>
        %get3A_627 = tpu.memref_squeeze %get3A_626 : memref<1x640x64xf32, #tpu.memory_space<vmem>> -> memref<640x64xf32, #tpu.memory_space<vmem>>
        %get3A_628 = arith.index_cast %add3A_623 : i32 to index
        %get3A_629 = arith.constant 16 : index
        %get3A_630 = tpu.vector_load %get3A_627[%get3A_628, %get3A_629] {strides = array<i32>} : memref<640x64xf32, #tpu.memory_space<vmem>>, vector<1x16xf32>,
        %get3A_631 = vector.shape_cast %get3A_630 : vector<1x16xf32> to vector<16xf32>
        %add3A_632 = arith.constant 19 : i32
        %add3A_633 = arith.addi %mul3A_212, %add3A_632 : i32
        %get3A_634 = arith.constant 0 : i32
        %get3A_635 = arith.constant 0 : i32
        %get3A_636 = tpu.memref_slice %arg6[%scan3A_187, %get3A_634, %get3A_635] : memref<2x640x64xf32, #tpu.memory_space<vmem>> -> memref<1x640x64xf32, #tpu.memory_space<vmem>>
        %get3A_637 = tpu.memref_squeeze %get3A_636 : memref<1x640x64xf32, #tpu.memory_space<vmem>> -> memref<640x64xf32, #tpu.memory_space<vmem>>
        %get3A_638 = arith.index_cast %add3A_633 : i32 to index
        %get3A_639 = arith.constant 16 : index
        %get3A_640 = tpu.vector_load %get3A_637[%get3A_638, %get3A_639] {strides = array<i32>} : memref<640x64xf32, #tpu.memory_space<vmem>>, vector<1x16xf32>,
        %get3A_641 = vector.shape_cast %get3A_640 : vector<1x16xf32> to vector<16xf32>
        %add3A_642 = arith.addf %get3A_451, %get3A_461 : vector<16xf32>
        %add3A_643 = arith.addf %get3A_471, %get3A_481 : vector<16xf32>
        %add3A_644 = arith.addf %get3A_491, %get3A_501 : vector<16xf32>
        %add3A_645 = arith.addf %get3A_511, %get3A_521 : vector<16xf32>
        %add3A_646 = arith.addf %get3A_531, %get3A_541 : vector<16xf32>
        %add3A_647 = arith.addf %get3A_551, %get3A_561 : vector<16xf32>
        %add3A_648 = arith.addf %get3A_571, %get3A_581 : vector<16xf32>
        %add3A_649 = arith.addf %get3A_591, %get3A_601 : vector<16xf32>
        %add3A_650 = arith.addf %get3A_611, %get3A_621 : vector<16xf32>
        %add3A_651 = arith.addf %get3A_631, %get3A_641 : vector<16xf32>
        %add3A_652 = arith.addf %add3A_642, %add3A_643 : vector<16xf32>
        %add3A_653 = arith.addf %add3A_644, %add3A_645 : vector<16xf32>
        %add3A_654 = arith.addf %add3A_646, %add3A_647 : vector<16xf32>
        %add3A_655 = arith.addf %add3A_648, %add3A_649 : vector<16xf32>
        %add3A_656 = arith.addf %add3A_650, %add3A_651 : vector<16xf32>
        %add3A_657 = arith.addf %add3A_652, %add3A_653 : vector<16xf32>
        %add3A_658 = arith.addf %add3A_654, %add3A_655 : vector<16xf32>
        %add3A_659 = arith.addf %add3A_658, %add3A_656 : vector<16xf32>
        %add3A_660 = arith.addf %add3A_657, %add3A_659 : vector<16xf32>
        %mul3A_661 = arith.constant 5.000000e-02 : f32
        %mul3A_662 = vector.broadcast %mul3A_661 : f32 to vector<16xf32>
        %mul3A_663 = arith.mulf %add3A_660, %mul3A_662 : vector<16xf32>
        %swap3A_664 = arith.constant 0 : i32
        %swap3A_665 = arith.constant 0 : i32
        %swap3A_666 = tpu.memref_slice %arg7[%scan3A_188, %swap3A_664, %swap3A_665] : memref<2x32x64xf32, #tpu.memory_space<vmem>> -> memref<1x32x64xf32, #tpu.memory_space<vmem>>
        %swap3A_667 = tpu.memref_squeeze %swap3A_666 : memref<1x32x64xf32, #tpu.memory_space<vmem>> -> memref<32x64xf32, #tpu.memory_space<vmem>>
        %swap3A_668 = arith.index_cast %scan3A_210 : i32 to index
        %swap3A_669 = arith.constant 16 : index
        %swap3A_670 = tpu.vector_load %swap3A_667[%swap3A_668, %swap3A_669] {strides = array<i32>} : memref<32x64xf32, #tpu.memory_space<vmem>>, vector<1x16xf32>,
        %swap3A_671 = vector.shape_cast %swap3A_670 : vector<1x16xf32> to vector<16xf32>
        %swap3A_672 = vector.shape_cast %mul3A_663 : vector<16xf32> to vector<1x16xf32>
        tpu.vector_store %swap3A_667[%swap3A_668, %swap3A_669], %swap3A_672 {strides = array<i32>} : memref<32x64xf32, #tpu.memory_space<vmem>>, vector<1x16xf32>,
        %add3A_673 = arith.constant 0 : i32
        %add3A_674 = arith.addi %mul3A_212, %add3A_673 : i32
        %get3A_675 = arith.constant 0 : i32
        %get3A_676 = arith.constant 0 : i32
        %get3A_677 = tpu.memref_slice %arg6[%scan3A_187, %get3A_675, %get3A_676] : memref<2x640x64xf32, #tpu.memory_space<vmem>> -> memref<1x640x64xf32, #tpu.memory_space<vmem>>
        %get3A_678 = tpu.memref_squeeze %get3A_677 : memref<1x640x64xf32, #tpu.memory_space<vmem>> -> memref<640x64xf32, #tpu.memory_space<vmem>>
        %get3A_679 = arith.index_cast %add3A_674 : i32 to index
        %get3A_680 = arith.constant 32 : index
        %get3A_681 = tpu.vector_load %get3A_678[%get3A_679, %get3A_680] {strides = array<i32>} : memref<640x64xf32, #tpu.memory_space<vmem>>, vector<1x16xf32>,
        %get3A_682 = vector.shape_cast %get3A_681 : vector<1x16xf32> to vector<16xf32>
        %add3A_683 = arith.constant 1 : i32
        %add3A_684 = arith.addi %mul3A_212, %add3A_683 : i32
        %get3A_685 = arith.constant 0 : i32
        %get3A_686 = arith.constant 0 : i32
        %get3A_687 = tpu.memref_slice %arg6[%scan3A_187, %get3A_685, %get3A_686] : memref<2x640x64xf32, #tpu.memory_space<vmem>> -> memref<1x640x64xf32, #tpu.memory_space<vmem>>
        %get3A_688 = tpu.memref_squeeze %get3A_687 : memref<1x640x64xf32, #tpu.memory_space<vmem>> -> memref<640x64xf32, #tpu.memory_space<vmem>>
        %get3A_689 = arith.index_cast %add3A_684 : i32 to index
        %get3A_690 = arith.constant 32 : index
        %get3A_691 = tpu.vector_load %get3A_688[%get3A_689, %get3A_690] {strides = array<i32>} : memref<640x64xf32, #tpu.memory_space<vmem>>, vector<1x16xf32>,
        %get3A_692 = vector.shape_cast %get3A_691 : vector<1x16xf32> to vector<16xf32>
        %add3A_693 = arith.constant 2 : i32
        %add3A_694 = arith.addi %mul3A_212, %add3A_693 : i32
        %get3A_695 = arith.constant 0 : i32
        %get3A_696 = arith.constant 0 : i32
        %get3A_697 = tpu.memref_slice %arg6[%scan3A_187, %get3A_695, %get3A_696] : memref<2x640x64xf32, #tpu.memory_space<vmem>> -> memref<1x640x64xf32, #tpu.memory_space<vmem>>
        %get3A_698 = tpu.memref_squeeze %get3A_697 : memref<1x640x64xf32, #tpu.memory_space<vmem>> -> memref<640x64xf32, #tpu.memory_space<vmem>>
        %get3A_699 = arith.index_cast %add3A_694 : i32 to index
        %get3A_700 = arith.constant 32 : index
        %get3A_701 = tpu.vector_load %get3A_698[%get3A_699, %get3A_700] {strides = array<i32>} : memref<640x64xf32, #tpu.memory_space<vmem>>, vector<1x16xf32>,
        %get3A_702 = vector.shape_cast %get3A_701 : vector<1x16xf32> to vector<16xf32>
        %add3A_703 = arith.constant 3 : i32
        %add3A_704 = arith.addi %mul3A_212, %add3A_703 : i32
        %get3A_705 = arith.constant 0 : i32
        %get3A_706 = arith.constant 0 : i32
        %get3A_707 = tpu.memref_slice %arg6[%scan3A_187, %get3A_705, %get3A_706] : memref<2x640x64xf32, #tpu.memory_space<vmem>> -> memref<1x640x64xf32, #tpu.memory_space<vmem>>
        %get3A_708 = tpu.memref_squeeze %get3A_707 : memref<1x640x64xf32, #tpu.memory_space<vmem>> -> memref<640x64xf32, #tpu.memory_space<vmem>>
        %get3A_709 = arith.index_cast %add3A_704 : i32 to index
        %get3A_710 = arith.constant 32 : index
        %get3A_711 = tpu.vector_load %get3A_708[%get3A_709, %get3A_710] {strides = array<i32>} : memref<640x64xf32, #tpu.memory_space<vmem>>, vector<1x16xf32>,
        %get3A_712 = vector.shape_cast %get3A_711 : vector<1x16xf32> to vector<16xf32>
        %add3A_713 = arith.constant 4 : i32
        %add3A_714 = arith.addi %mul3A_212, %add3A_713 : i32
        %get3A_715 = arith.constant 0 : i32
        %get3A_716 = arith.constant 0 : i32
        %get3A_717 = tpu.memref_slice %arg6[%scan3A_187, %get3A_715, %get3A_716] : memref<2x640x64xf32, #tpu.memory_space<vmem>> -> memref<1x640x64xf32, #tpu.memory_space<vmem>>
        %get3A_718 = tpu.memref_squeeze %get3A_717 : memref<1x640x64xf32, #tpu.memory_space<vmem>> -> memref<640x64xf32, #tpu.memory_space<vmem>>
        %get3A_719 = arith.index_cast %add3A_714 : i32 to index
        %get3A_720 = arith.constant 32 : index
        %get3A_721 = tpu.vector_load %get3A_718[%get3A_719, %get3A_720] {strides = array<i32>} : memref<640x64xf32, #tpu.memory_space<vmem>>, vector<1x16xf32>,
        %get3A_722 = vector.shape_cast %get3A_721 : vector<1x16xf32> to vector<16xf32>
        %add3A_723 = arith.constant 5 : i32
        %add3A_724 = arith.addi %mul3A_212, %add3A_723 : i32
        %get3A_725 = arith.constant 0 : i32
        %get3A_726 = arith.constant 0 : i32
        %get3A_727 = tpu.memref_slice %arg6[%scan3A_187, %get3A_725, %get3A_726] : memref<2x640x64xf32, #tpu.memory_space<vmem>> -> memref<1x640x64xf32, #tpu.memory_space<vmem>>
        %get3A_728 = tpu.memref_squeeze %get3A_727 : memref<1x640x64xf32, #tpu.memory_space<vmem>> -> memref<640x64xf32, #tpu.memory_space<vmem>>
        %get3A_729 = arith.index_cast %add3A_724 : i32 to index
        %get3A_730 = arith.constant 32 : index
        %get3A_731 = tpu.vector_load %get3A_728[%get3A_729, %get3A_730] {strides = array<i32>} : memref<640x64xf32, #tpu.memory_space<vmem>>, vector<1x16xf32>,
        %get3A_732 = vector.shape_cast %get3A_731 : vector<1x16xf32> to vector<16xf32>
        %add3A_733 = arith.constant 6 : i32
        %add3A_734 = arith.addi %mul3A_212, %add3A_733 : i32
        %get3A_735 = arith.constant 0 : i32
        %get3A_736 = arith.constant 0 : i32
        %get3A_737 = tpu.memref_slice %arg6[%scan3A_187, %get3A_735, %get3A_736] : memref<2x640x64xf32, #tpu.memory_space<vmem>> -> memref<1x640x64xf32, #tpu.memory_space<vmem>>
        %get3A_738 = tpu.memref_squeeze %get3A_737 : memref<1x640x64xf32, #tpu.memory_space<vmem>> -> memref<640x64xf32, #tpu.memory_space<vmem>>
        %get3A_739 = arith.index_cast %add3A_734 : i32 to index
        %get3A_740 = arith.constant 32 : index
        %get3A_741 = tpu.vector_load %get3A_738[%get3A_739, %get3A_740] {strides = array<i32>} : memref<640x64xf32, #tpu.memory_space<vmem>>, vector<1x16xf32>,
        %get3A_742 = vector.shape_cast %get3A_741 : vector<1x16xf32> to vector<16xf32>
        %add3A_743 = arith.constant 7 : i32
        %add3A_744 = arith.addi %mul3A_212, %add3A_743 : i32
        %get3A_745 = arith.constant 0 : i32
        %get3A_746 = arith.constant 0 : i32
        %get3A_747 = tpu.memref_slice %arg6[%scan3A_187, %get3A_745, %get3A_746] : memref<2x640x64xf32, #tpu.memory_space<vmem>> -> memref<1x640x64xf32, #tpu.memory_space<vmem>>
        %get3A_748 = tpu.memref_squeeze %get3A_747 : memref<1x640x64xf32, #tpu.memory_space<vmem>> -> memref<640x64xf32, #tpu.memory_space<vmem>>
        %get3A_749 = arith.index_cast %add3A_744 : i32 to index
        %get3A_750 = arith.constant 32 : index
        %get3A_751 = tpu.vector_load %get3A_748[%get3A_749, %get3A_750] {strides = array<i32>} : memref<640x64xf32, #tpu.memory_space<vmem>>, vector<1x16xf32>,
        %get3A_752 = vector.shape_cast %get3A_751 : vector<1x16xf32> to vector<16xf32>
        %add3A_753 = arith.constant 8 : i32
        %add3A_754 = arith.addi %mul3A_212, %add3A_753 : i32
        %get3A_755 = arith.constant 0 : i32
        %get3A_756 = arith.constant 0 : i32
        %get3A_757 = tpu.memref_slice %arg6[%scan3A_187, %get3A_755, %get3A_756] : memref<2x640x64xf32, #tpu.memory_space<vmem>> -> memref<1x640x64xf32, #tpu.memory_space<vmem>>
        %get3A_758 = tpu.memref_squeeze %get3A_757 : memref<1x640x64xf32, #tpu.memory_space<vmem>> -> memref<640x64xf32, #tpu.memory_space<vmem>>
        %get3A_759 = arith.index_cast %add3A_754 : i32 to index
        %get3A_760 = arith.constant 32 : index
        %get3A_761 = tpu.vector_load %get3A_758[%get3A_759, %get3A_760] {strides = array<i32>} : memref<640x64xf32, #tpu.memory_space<vmem>>, vector<1x16xf32>,
        %get3A_762 = vector.shape_cast %get3A_761 : vector<1x16xf32> to vector<16xf32>
        %add3A_763 = arith.constant 9 : i32
        %add3A_764 = arith.addi %mul3A_212, %add3A_763 : i32
        %get3A_765 = arith.constant 0 : i32
        %get3A_766 = arith.constant 0 : i32
        %get3A_767 = tpu.memref_slice %arg6[%scan3A_187, %get3A_765, %get3A_766] : memref<2x640x64xf32, #tpu.memory_space<vmem>> -> memref<1x640x64xf32, #tpu.memory_space<vmem>>
        %get3A_768 = tpu.memref_squeeze %get3A_767 : memref<1x640x64xf32, #tpu.memory_space<vmem>> -> memref<640x64xf32, #tpu.memory_space<vmem>>
        %get3A_769 = arith.index_cast %add3A_764 : i32 to index
        %get3A_770 = arith.constant 32 : index
        %get3A_771 = tpu.vector_load %get3A_768[%get3A_769, %get3A_770] {strides = array<i32>} : memref<640x64xf32, #tpu.memory_space<vmem>>, vector<1x16xf32>,
        %get3A_772 = vector.shape_cast %get3A_771 : vector<1x16xf32> to vector<16xf32>
        %add3A_773 = arith.constant 10 : i32
        %add3A_774 = arith.addi %mul3A_212, %add3A_773 : i32
        %get3A_775 = arith.constant 0 : i32
        %get3A_776 = arith.constant 0 : i32
        %get3A_777 = tpu.memref_slice %arg6[%scan3A_187, %get3A_775, %get3A_776] : memref<2x640x64xf32, #tpu.memory_space<vmem>> -> memref<1x640x64xf32, #tpu.memory_space<vmem>>
        %get3A_778 = tpu.memref_squeeze %get3A_777 : memref<1x640x64xf32, #tpu.memory_space<vmem>> -> memref<640x64xf32, #tpu.memory_space<vmem>>
        %get3A_779 = arith.index_cast %add3A_774 : i32 to index
        %get3A_780 = arith.constant 32 : index
        %get3A_781 = tpu.vector_load %get3A_778[%get3A_779, %get3A_780] {strides = array<i32>} : memref<640x64xf32, #tpu.memory_space<vmem>>, vector<1x16xf32>,
        %get3A_782 = vector.shape_cast %get3A_781 : vector<1x16xf32> to vector<16xf32>
        %add3A_783 = arith.constant 11 : i32
        %add3A_784 = arith.addi %mul3A_212, %add3A_783 : i32
        %get3A_785 = arith.constant 0 : i32
        %get3A_786 = arith.constant 0 : i32
        %get3A_787 = tpu.memref_slice %arg6[%scan3A_187, %get3A_785, %get3A_786] : memref<2x640x64xf32, #tpu.memory_space<vmem>> -> memref<1x640x64xf32, #tpu.memory_space<vmem>>
        %get3A_788 = tpu.memref_squeeze %get3A_787 : memref<1x640x64xf32, #tpu.memory_space<vmem>> -> memref<640x64xf32, #tpu.memory_space<vmem>>
        %get3A_789 = arith.index_cast %add3A_784 : i32 to index
        %get3A_790 = arith.constant 32 : index
        %get3A_791 = tpu.vector_load %get3A_788[%get3A_789, %get3A_790] {strides = array<i32>} : memref<640x64xf32, #tpu.memory_space<vmem>>, vector<1x16xf32>,
        %get3A_792 = vector.shape_cast %get3A_791 : vector<1x16xf32> to vector<16xf32>
        %add3A_793 = arith.constant 12 : i32
        %add3A_794 = arith.addi %mul3A_212, %add3A_793 : i32
        %get3A_795 = arith.constant 0 : i32
        %get3A_796 = arith.constant 0 : i32
        %get3A_797 = tpu.memref_slice %arg6[%scan3A_187, %get3A_795, %get3A_796] : memref<2x640x64xf32, #tpu.memory_space<vmem>> -> memref<1x640x64xf32, #tpu.memory_space<vmem>>
        %get3A_798 = tpu.memref_squeeze %get3A_797 : memref<1x640x64xf32, #tpu.memory_space<vmem>> -> memref<640x64xf32, #tpu.memory_space<vmem>>
        %get3A_799 = arith.index_cast %add3A_794 : i32 to index
        %get3A_800 = arith.constant 32 : index
        %get3A_801 = tpu.vector_load %get3A_798[%get3A_799, %get3A_800] {strides = array<i32>} : memref<640x64xf32, #tpu.memory_space<vmem>>, vector<1x16xf32>,
        %get3A_802 = vector.shape_cast %get3A_801 : vector<1x16xf32> to vector<16xf32>
        %add3A_803 = arith.constant 13 : i32
        %add3A_804 = arith.addi %mul3A_212, %add3A_803 : i32
        %get3A_805 = arith.constant 0 : i32
        %get3A_806 = arith.constant 0 : i32
        %get3A_807 = tpu.memref_slice %arg6[%scan3A_187, %get3A_805, %get3A_806] : memref<2x640x64xf32, #tpu.memory_space<vmem>> -> memref<1x640x64xf32, #tpu.memory_space<vmem>>
        %get3A_808 = tpu.memref_squeeze %get3A_807 : memref<1x640x64xf32, #tpu.memory_space<vmem>> -> memref<640x64xf32, #tpu.memory_space<vmem>>
        %get3A_809 = arith.index_cast %add3A_804 : i32 to index
        %get3A_810 = arith.constant 32 : index
        %get3A_811 = tpu.vector_load %get3A_808[%get3A_809, %get3A_810] {strides = array<i32>} : memref<640x64xf32, #tpu.memory_space<vmem>>, vector<1x16xf32>,
        %get3A_812 = vector.shape_cast %get3A_811 : vector<1x16xf32> to vector<16xf32>
        %add3A_813 = arith.constant 14 : i32
        %add3A_814 = arith.addi %mul3A_212, %add3A_813 : i32
        %get3A_815 = arith.constant 0 : i32
        %get3A_816 = arith.constant 0 : i32
        %get3A_817 = tpu.memref_slice %arg6[%scan3A_187, %get3A_815, %get3A_816] : memref<2x640x64xf32, #tpu.memory_space<vmem>> -> memref<1x640x64xf32, #tpu.memory_space<vmem>>
        %get3A_818 = tpu.memref_squeeze %get3A_817 : memref<1x640x64xf32, #tpu.memory_space<vmem>> -> memref<640x64xf32, #tpu.memory_space<vmem>>
        %get3A_819 = arith.index_cast %add3A_814 : i32 to index
        %get3A_820 = arith.constant 32 : index
        %get3A_821 = tpu.vector_load %get3A_818[%get3A_819, %get3A_820] {strides = array<i32>} : memref<640x64xf32, #tpu.memory_space<vmem>>, vector<1x16xf32>,
        %get3A_822 = vector.shape_cast %get3A_821 : vector<1x16xf32> to vector<16xf32>
        %add3A_823 = arith.constant 15 : i32
        %add3A_824 = arith.addi %mul3A_212, %add3A_823 : i32
        %get3A_825 = arith.constant 0 : i32
        %get3A_826 = arith.constant 0 : i32
        %get3A_827 = tpu.memref_slice %arg6[%scan3A_187, %get3A_825, %get3A_826] : memref<2x640x64xf32, #tpu.memory_space<vmem>> -> memref<1x640x64xf32, #tpu.memory_space<vmem>>
        %get3A_828 = tpu.memref_squeeze %get3A_827 : memref<1x640x64xf32, #tpu.memory_space<vmem>> -> memref<640x64xf32, #tpu.memory_space<vmem>>
        %get3A_829 = arith.index_cast %add3A_824 : i32 to index
        %get3A_830 = arith.constant 32 : index
        %get3A_831 = tpu.vector_load %get3A_828[%get3A_829, %get3A_830] {strides = array<i32>} : memref<640x64xf32, #tpu.memory_space<vmem>>, vector<1x16xf32>,
        %get3A_832 = vector.shape_cast %get3A_831 : vector<1x16xf32> to vector<16xf32>
        %add3A_833 = arith.constant 16 : i32
        %add3A_834 = arith.addi %mul3A_212, %add3A_833 : i32
        %get3A_835 = arith.constant 0 : i32
        %get3A_836 = arith.constant 0 : i32
        %get3A_837 = tpu.memref_slice %arg6[%scan3A_187, %get3A_835, %get3A_836] : memref<2x640x64xf32, #tpu.memory_space<vmem>> -> memref<1x640x64xf32, #tpu.memory_space<vmem>>
        %get3A_838 = tpu.memref_squeeze %get3A_837 : memref<1x640x64xf32, #tpu.memory_space<vmem>> -> memref<640x64xf32, #tpu.memory_space<vmem>>
        %get3A_839 = arith.index_cast %add3A_834 : i32 to index
        %get3A_840 = arith.constant 32 : index
        %get3A_841 = tpu.vector_load %get3A_838[%get3A_839, %get3A_840] {strides = array<i32>} : memref<640x64xf32, #tpu.memory_space<vmem>>, vector<1x16xf32>,
        %get3A_842 = vector.shape_cast %get3A_841 : vector<1x16xf32> to vector<16xf32>
        %add3A_843 = arith.constant 17 : i32
        %add3A_844 = arith.addi %mul3A_212, %add3A_843 : i32
        %get3A_845 = arith.constant 0 : i32
        %get3A_846 = arith.constant 0 : i32
        %get3A_847 = tpu.memref_slice %arg6[%scan3A_187, %get3A_845, %get3A_846] : memref<2x640x64xf32, #tpu.memory_space<vmem>> -> memref<1x640x64xf32, #tpu.memory_space<vmem>>
        %get3A_848 = tpu.memref_squeeze %get3A_847 : memref<1x640x64xf32, #tpu.memory_space<vmem>> -> memref<640x64xf32, #tpu.memory_space<vmem>>
        %get3A_849 = arith.index_cast %add3A_844 : i32 to index
        %get3A_850 = arith.constant 32 : index
        %get3A_851 = tpu.vector_load %get3A_848[%get3A_849, %get3A_850] {strides = array<i32>} : memref<640x64xf32, #tpu.memory_space<vmem>>, vector<1x16xf32>,
        %get3A_852 = vector.shape_cast %get3A_851 : vector<1x16xf32> to vector<16xf32>
        %add3A_853 = arith.constant 18 : i32
        %add3A_854 = arith.addi %mul3A_212, %add3A_853 : i32
        %get3A_855 = arith.constant 0 : i32
        %get3A_856 = arith.constant 0 : i32
        %get3A_857 = tpu.memref_slice %arg6[%scan3A_187, %get3A_855, %get3A_856] : memref<2x640x64xf32, #tpu.memory_space<vmem>> -> memref<1x640x64xf32, #tpu.memory_space<vmem>>
        %get3A_858 = tpu.memref_squeeze %get3A_857 : memref<1x640x64xf32, #tpu.memory_space<vmem>> -> memref<640x64xf32, #tpu.memory_space<vmem>>
        %get3A_859 = arith.index_cast %add3A_854 : i32 to index
        %get3A_860 = arith.constant 32 : index
        %get3A_861 = tpu.vector_load %get3A_858[%get3A_859, %get3A_860] {strides = array<i32>} : memref<640x64xf32, #tpu.memory_space<vmem>>, vector<1x16xf32>,
        %get3A_862 = vector.shape_cast %get3A_861 : vector<1x16xf32> to vector<16xf32>
        %add3A_863 = arith.constant 19 : i32
        %add3A_864 = arith.addi %mul3A_212, %add3A_863 : i32
        %get3A_865 = arith.constant 0 : i32
        %get3A_866 = arith.constant 0 : i32
        %get3A_867 = tpu.memref_slice %arg6[%scan3A_187, %get3A_865, %get3A_866] : memref<2x640x64xf32, #tpu.memory_space<vmem>> -> memref<1x640x64xf32, #tpu.memory_space<vmem>>
        %get3A_868 = tpu.memref_squeeze %get3A_867 : memref<1x640x64xf32, #tpu.memory_space<vmem>> -> memref<640x64xf32, #tpu.memory_space<vmem>>
        %get3A_869 = arith.index_cast %add3A_864 : i32 to index
        %get3A_870 = arith.constant 32 : index
        %get3A_871 = tpu.vector_load %get3A_868[%get3A_869, %get3A_870] {strides = array<i32>} : memref<640x64xf32, #tpu.memory_space<vmem>>, vector<1x16xf32>,
        %get3A_872 = vector.shape_cast %get3A_871 : vector<1x16xf32> to vector<16xf32>
        %add3A_873 = arith.addf %get3A_682, %get3A_692 : vector<16xf32>
        %add3A_874 = arith.addf %get3A_702, %get3A_712 : vector<16xf32>
        %add3A_875 = arith.addf %get3A_722, %get3A_732 : vector<16xf32>
        %add3A_876 = arith.addf %get3A_742, %get3A_752 : vector<16xf32>
        %add3A_877 = arith.addf %get3A_762, %get3A_772 : vector<16xf32>
        %add3A_878 = arith.addf %get3A_782, %get3A_792 : vector<16xf32>
        %add3A_879 = arith.addf %get3A_802, %get3A_812 : vector<16xf32>
        %add3A_880 = arith.addf %get3A_822, %get3A_832 : vector<16xf32>
        %add3A_881 = arith.addf %get3A_842, %get3A_852 : vector<16xf32>
        %add3A_882 = arith.addf %get3A_862, %get3A_872 : vector<16xf32>
        %add3A_883 = arith.addf %add3A_873, %add3A_874 : vector<16xf32>
        %add3A_884 = arith.addf %add3A_875, %add3A_876 : vector<16xf32>
        %add3A_885 = arith.addf %add3A_877, %add3A_878 : vector<16xf32>
        %add3A_886 = arith.addf %add3A_879, %add3A_880 : vector<16xf32>
        %add3A_887 = arith.addf %add3A_881, %add3A_882 : vector<16xf32>
        %add3A_888 = arith.addf %add3A_883, %add3A_884 : vector<16xf32>
        %add3A_889 = arith.addf %add3A_885, %add3A_886 : vector<16xf32>
        %add3A_890 = arith.addf %add3A_889, %add3A_887 : vector<16xf32>
        %add3A_891 = arith.addf %add3A_888, %add3A_890 : vector<16xf32>
        %mul3A_892 = arith.constant 5.000000e-02 : f32
        %mul3A_893 = vector.broadcast %mul3A_892 : f32 to vector<16xf32>
        %mul3A_894 = arith.mulf %add3A_891, %mul3A_893 : vector<16xf32>
        %swap3A_895 = arith.constant 0 : i32
        %swap3A_896 = arith.constant 0 : i32
        %swap3A_897 = tpu.memref_slice %arg7[%scan3A_188, %swap3A_895, %swap3A_896] : memref<2x32x64xf32, #tpu.memory_space<vmem>> -> memref<1x32x64xf32, #tpu.memory_space<vmem>>
        %swap3A_898 = tpu.memref_squeeze %swap3A_897 : memref<1x32x64xf32, #tpu.memory_space<vmem>> -> memref<32x64xf32, #tpu.memory_space<vmem>>
        %swap3A_899 = arith.index_cast %scan3A_210 : i32 to index
        %swap3A_900 = arith.constant 32 : index
        %swap3A_901 = tpu.vector_load %swap3A_898[%swap3A_899, %swap3A_900] {strides = array<i32>} : memref<32x64xf32, #tpu.memory_space<vmem>>, vector<1x16xf32>,
        %swap3A_902 = vector.shape_cast %swap3A_901 : vector<1x16xf32> to vector<16xf32>
        %swap3A_903 = vector.shape_cast %mul3A_894 : vector<16xf32> to vector<1x16xf32>
        tpu.vector_store %swap3A_898[%swap3A_899, %swap3A_900], %swap3A_903 {strides = array<i32>} : memref<32x64xf32, #tpu.memory_space<vmem>>, vector<1x16xf32>,
        %add3A_904 = arith.constant 0 : i32
        %add3A_905 = arith.addi %mul3A_212, %add3A_904 : i32
        %get3A_906 = arith.constant 0 : i32
        %get3A_907 = arith.constant 0 : i32
        %get3A_908 = tpu.memref_slice %arg6[%scan3A_187, %get3A_906, %get3A_907] : memref<2x640x64xf32, #tpu.memory_space<vmem>> -> memref<1x640x64xf32, #tpu.memory_space<vmem>>
        %get3A_909 = tpu.memref_squeeze %get3A_908 : memref<1x640x64xf32, #tpu.memory_space<vmem>> -> memref<640x64xf32, #tpu.memory_space<vmem>>
        %get3A_910 = arith.index_cast %add3A_905 : i32 to index
        %get3A_911 = arith.constant 48 : index
        %get3A_912 = tpu.vector_load %get3A_909[%get3A_910, %get3A_911] {strides = array<i32>} : memref<640x64xf32, #tpu.memory_space<vmem>>, vector<1x16xf32>,
        %get3A_913 = vector.shape_cast %get3A_912 : vector<1x16xf32> to vector<16xf32>
        %add3A_914 = arith.constant 1 : i32
        %add3A_915 = arith.addi %mul3A_212, %add3A_914 : i32
        %get3A_916 = arith.constant 0 : i32
        %get3A_917 = arith.constant 0 : i32
        %get3A_918 = tpu.memref_slice %arg6[%scan3A_187, %get3A_916, %get3A_917] : memref<2x640x64xf32, #tpu.memory_space<vmem>> -> memref<1x640x64xf32, #tpu.memory_space<vmem>>
        %get3A_919 = tpu.memref_squeeze %get3A_918 : memref<1x640x64xf32, #tpu.memory_space<vmem>> -> memref<640x64xf32, #tpu.memory_space<vmem>>
        %get3A_920 = arith.index_cast %add3A_915 : i32 to index
        %get3A_921 = arith.constant 48 : index
        %get3A_922 = tpu.vector_load %get3A_919[%get3A_920, %get3A_921] {strides = array<i32>} : memref<640x64xf32, #tpu.memory_space<vmem>>, vector<1x16xf32>,
        %get3A_923 = vector.shape_cast %get3A_922 : vector<1x16xf32> to vector<16xf32>
        %add3A_924 = arith.constant 2 : i32
        %add3A_925 = arith.addi %mul3A_212, %add3A_924 : i32
        %get3A_926 = arith.constant 0 : i32
        %get3A_927 = arith.constant 0 : i32
        %get3A_928 = tpu.memref_slice %arg6[%scan3A_187, %get3A_926, %get3A_927] : memref<2x640x64xf32, #tpu.memory_space<vmem>> -> memref<1x640x64xf32, #tpu.memory_space<vmem>>
        %get3A_929 = tpu.memref_squeeze %get3A_928 : memref<1x640x64xf32, #tpu.memory_space<vmem>> -> memref<640x64xf32, #tpu.memory_space<vmem>>
        %get3A_930 = arith.index_cast %add3A_925 : i32 to index
        %get3A_931 = arith.constant 48 : index
        %get3A_932 = tpu.vector_load %get3A_929[%get3A_930, %get3A_931] {strides = array<i32>} : memref<640x64xf32, #tpu.memory_space<vmem>>, vector<1x16xf32>,
        %get3A_933 = vector.shape_cast %get3A_932 : vector<1x16xf32> to vector<16xf32>
        %add3A_934 = arith.constant 3 : i32
        %add3A_935 = arith.addi %mul3A_212, %add3A_934 : i32
        %get3A_936 = arith.constant 0 : i32
        %get3A_937 = arith.constant 0 : i32
        %get3A_938 = tpu.memref_slice %arg6[%scan3A_187, %get3A_936, %get3A_937] : memref<2x640x64xf32, #tpu.memory_space<vmem>> -> memref<1x640x64xf32, #tpu.memory_space<vmem>>
        %get3A_939 = tpu.memref_squeeze %get3A_938 : memref<1x640x64xf32, #tpu.memory_space<vmem>> -> memref<640x64xf32, #tpu.memory_space<vmem>>
        %get3A_940 = arith.index_cast %add3A_935 : i32 to index
        %get3A_941 = arith.constant 48 : index
        %get3A_942 = tpu.vector_load %get3A_939[%get3A_940, %get3A_941] {strides = array<i32>} : memref<640x64xf32, #tpu.memory_space<vmem>>, vector<1x16xf32>,
        %get3A_943 = vector.shape_cast %get3A_942 : vector<1x16xf32> to vector<16xf32>
        %add3A_944 = arith.constant 4 : i32
        %add3A_945 = arith.addi %mul3A_212, %add3A_944 : i32
        %get3A_946 = arith.constant 0 : i32
        %get3A_947 = arith.constant 0 : i32
        %get3A_948 = tpu.memref_slice %arg6[%scan3A_187, %get3A_946, %get3A_947] : memref<2x640x64xf32, #tpu.memory_space<vmem>> -> memref<1x640x64xf32, #tpu.memory_space<vmem>>
        %get3A_949 = tpu.memref_squeeze %get3A_948 : memref<1x640x64xf32, #tpu.memory_space<vmem>> -> memref<640x64xf32, #tpu.memory_space<vmem>>
        %get3A_950 = arith.index_cast %add3A_945 : i32 to index
        %get3A_951 = arith.constant 48 : index
        %get3A_952 = tpu.vector_load %get3A_949[%get3A_950, %get3A_951] {strides = array<i32>} : memref<640x64xf32, #tpu.memory_space<vmem>>, vector<1x16xf32>,
        %get3A_953 = vector.shape_cast %get3A_952 : vector<1x16xf32> to vector<16xf32>
        %add3A_954 = arith.constant 5 : i32
        %add3A_955 = arith.addi %mul3A_212, %add3A_954 : i32
        %get3A_956 = arith.constant 0 : i32
        %get3A_957 = arith.constant 0 : i32
        %get3A_958 = tpu.memref_slice %arg6[%scan3A_187, %get3A_956, %get3A_957] : memref<2x640x64xf32, #tpu.memory_space<vmem>> -> memref<1x640x64xf32, #tpu.memory_space<vmem>>
        %get3A_959 = tpu.memref_squeeze %get3A_958 : memref<1x640x64xf32, #tpu.memory_space<vmem>> -> memref<640x64xf32, #tpu.memory_space<vmem>>
        %get3A_960 = arith.index_cast %add3A_955 : i32 to index
        %get3A_961 = arith.constant 48 : index
        %get3A_962 = tpu.vector_load %get3A_959[%get3A_960, %get3A_961] {strides = array<i32>} : memref<640x64xf32, #tpu.memory_space<vmem>>, vector<1x16xf32>,
        %get3A_963 = vector.shape_cast %get3A_962 : vector<1x16xf32> to vector<16xf32>
        %add3A_964 = arith.constant 6 : i32
        %add3A_965 = arith.addi %mul3A_212, %add3A_964 : i32
        %get3A_966 = arith.constant 0 : i32
        %get3A_967 = arith.constant 0 : i32
        %get3A_968 = tpu.memref_slice %arg6[%scan3A_187, %get3A_966, %get3A_967] : memref<2x640x64xf32, #tpu.memory_space<vmem>> -> memref<1x640x64xf32, #tpu.memory_space<vmem>>
        %get3A_969 = tpu.memref_squeeze %get3A_968 : memref<1x640x64xf32, #tpu.memory_space<vmem>> -> memref<640x64xf32, #tpu.memory_space<vmem>>
        %get3A_970 = arith.index_cast %add3A_965 : i32 to index
        %get3A_971 = arith.constant 48 : index
        %get3A_972 = tpu.vector_load %get3A_969[%get3A_970, %get3A_971] {strides = array<i32>} : memref<640x64xf32, #tpu.memory_space<vmem>>, vector<1x16xf32>,
        %get3A_973 = vector.shape_cast %get3A_972 : vector<1x16xf32> to vector<16xf32>
        %add3A_974 = arith.constant 7 : i32
        %add3A_975 = arith.addi %mul3A_212, %add3A_974 : i32
        %get3A_976 = arith.constant 0 : i32
        %get3A_977 = arith.constant 0 : i32
        %get3A_978 = tpu.memref_slice %arg6[%scan3A_187, %get3A_976, %get3A_977] : memref<2x640x64xf32, #tpu.memory_space<vmem>> -> memref<1x640x64xf32, #tpu.memory_space<vmem>>
        %get3A_979 = tpu.memref_squeeze %get3A_978 : memref<1x640x64xf32, #tpu.memory_space<vmem>> -> memref<640x64xf32, #tpu.memory_space<vmem>>
        %get3A_980 = arith.index_cast %add3A_975 : i32 to index
        %get3A_981 = arith.constant 48 : index
        %get3A_982 = tpu.vector_load %get3A_979[%get3A_980, %get3A_981] {strides = array<i32>} : memref<640x64xf32, #tpu.memory_space<vmem>>, vector<1x16xf32>,
        %get3A_983 = vector.shape_cast %get3A_982 : vector<1x16xf32> to vector<16xf32>
        %add3A_984 = arith.constant 8 : i32
        %add3A_985 = arith.addi %mul3A_212, %add3A_984 : i32
        %get3A_986 = arith.constant 0 : i32
        %get3A_987 = arith.constant 0 : i32
        %get3A_988 = tpu.memref_slice %arg6[%scan3A_187, %get3A_986, %get3A_987] : memref<2x640x64xf32, #tpu.memory_space<vmem>> -> memref<1x640x64xf32, #tpu.memory_space<vmem>>
        %get3A_989 = tpu.memref_squeeze %get3A_988 : memref<1x640x64xf32, #tpu.memory_space<vmem>> -> memref<640x64xf32, #tpu.memory_space<vmem>>
        %get3A_990 = arith.index_cast %add3A_985 : i32 to index
        %get3A_991 = arith.constant 48 : index
        %get3A_992 = tpu.vector_load %get3A_989[%get3A_990, %get3A_991] {strides = array<i32>} : memref<640x64xf32, #tpu.memory_space<vmem>>, vector<1x16xf32>,
        %get3A_993 = vector.shape_cast %get3A_992 : vector<1x16xf32> to vector<16xf32>
        %add3A_994 = arith.constant 9 : i32
        %add3A_995 = arith.addi %mul3A_212, %add3A_994 : i32
        %get3A_996 = arith.constant 0 : i32
        %get3A_997 = arith.constant 0 : i32
        %get3A_998 = tpu.memref_slice %arg6[%scan3A_187, %get3A_996, %get3A_997] : memref<2x640x64xf32, #tpu.memory_space<vmem>> -> memref<1x640x64xf32, #tpu.memory_space<vmem>>
        %get3A_999 = tpu.memref_squeeze %get3A_998 : memref<1x640x64xf32, #tpu.memory_space<vmem>> -> memref<640x64xf32, #tpu.memory_space<vmem>>
        %get3A_1000 = arith.index_cast %add3A_995 : i32 to index
        %get3A_1001 = arith.constant 48 : index
        %get3A_1002 = tpu.vector_load %get3A_999[%get3A_1000, %get3A_1001] {strides = array<i32>} : memref<640x64xf32, #tpu.memory_space<vmem>>, vector<1x16xf32>,
        %get3A_1003 = vector.shape_cast %get3A_1002 : vector<1x16xf32> to vector<16xf32>
        %add3A_1004 = arith.constant 10 : i32
        %add3A_1005 = arith.addi %mul3A_212, %add3A_1004 : i32
        %get3A_1006 = arith.constant 0 : i32
        %get3A_1007 = arith.constant 0 : i32
        %get3A_1008 = tpu.memref_slice %arg6[%scan3A_187, %get3A_1006, %get3A_1007] : memref<2x640x64xf32, #tpu.memory_space<vmem>> -> memref<1x640x64xf32, #tpu.memory_space<vmem>>
        %get3A_1009 = tpu.memref_squeeze %get3A_1008 : memref<1x640x64xf32, #tpu.memory_space<vmem>> -> memref<640x64xf32, #tpu.memory_space<vmem>>
        %get3A_1010 = arith.index_cast %add3A_1005 : i32 to index
        %get3A_1011 = arith.constant 48 : index
        %get3A_1012 = tpu.vector_load %get3A_1009[%get3A_1010, %get3A_1011] {strides = array<i32>} : memref<640x64xf32, #tpu.memory_space<vmem>>, vector<1x16xf32>,
        %get3A_1013 = vector.shape_cast %get3A_1012 : vector<1x16xf32> to vector<16xf32>
        %add3A_1014 = arith.constant 11 : i32
        %add3A_1015 = arith.addi %mul3A_212, %add3A_1014 : i32
        %get3A_1016 = arith.constant 0 : i32
        %get3A_1017 = arith.constant 0 : i32
        %get3A_1018 = tpu.memref_slice %arg6[%scan3A_187, %get3A_1016, %get3A_1017] : memref<2x640x64xf32, #tpu.memory_space<vmem>> -> memref<1x640x64xf32, #tpu.memory_space<vmem>>
        %get3A_1019 = tpu.memref_squeeze %get3A_1018 : memref<1x640x64xf32, #tpu.memory_space<vmem>> -> memref<640x64xf32, #tpu.memory_space<vmem>>
        %get3A_1020 = arith.index_cast %add3A_1015 : i32 to index
        %get3A_1021 = arith.constant 48 : index
        %get3A_1022 = tpu.vector_load %get3A_1019[%get3A_1020, %get3A_1021] {strides = array<i32>} : memref<640x64xf32, #tpu.memory_space<vmem>>, vector<1x16xf32>,
        %get3A_1023 = vector.shape_cast %get3A_1022 : vector<1x16xf32> to vector<16xf32>
        %add3A_1024 = arith.constant 12 : i32
        %add3A_1025 = arith.addi %mul3A_212, %add3A_1024 : i32
        %get3A_1026 = arith.constant 0 : i32
        %get3A_1027 = arith.constant 0 : i32
        %get3A_1028 = tpu.memref_slice %arg6[%scan3A_187, %get3A_1026, %get3A_1027] : memref<2x640x64xf32, #tpu.memory_space<vmem>> -> memref<1x640x64xf32, #tpu.memory_space<vmem>>
        %get3A_1029 = tpu.memref_squeeze %get3A_1028 : memref<1x640x64xf32, #tpu.memory_space<vmem>> -> memref<640x64xf32, #tpu.memory_space<vmem>>
        %get3A_1030 = arith.index_cast %add3A_1025 : i32 to index
        %get3A_1031 = arith.constant 48 : index
        %get3A_1032 = tpu.vector_load %get3A_1029[%get3A_1030, %get3A_1031] {strides = array<i32>} : memref<640x64xf32, #tpu.memory_space<vmem>>, vector<1x16xf32>,
        %get3A_1033 = vector.shape_cast %get3A_1032 : vector<1x16xf32> to vector<16xf32>
        %add3A_1034 = arith.constant 13 : i32
        %add3A_1035 = arith.addi %mul3A_212, %add3A_1034 : i32
        %get3A_1036 = arith.constant 0 : i32
        %get3A_1037 = arith.constant 0 : i32
        %get3A_1038 = tpu.memref_slice %arg6[%scan3A_187, %get3A_1036, %get3A_1037] : memref<2x640x64xf32, #tpu.memory_space<vmem>> -> memref<1x640x64xf32, #tpu.memory_space<vmem>>
        %get3A_1039 = tpu.memref_squeeze %get3A_1038 : memref<1x640x64xf32, #tpu.memory_space<vmem>> -> memref<640x64xf32, #tpu.memory_space<vmem>>
        %get3A_1040 = arith.index_cast %add3A_1035 : i32 to index
        %get3A_1041 = arith.constant 48 : index
        %get3A_1042 = tpu.vector_load %get3A_1039[%get3A_1040, %get3A_1041] {strides = array<i32>} : memref<640x64xf32, #tpu.memory_space<vmem>>, vector<1x16xf32>,
        %get3A_1043 = vector.shape_cast %get3A_1042 : vector<1x16xf32> to vector<16xf32>
        %add3A_1044 = arith.constant 14 : i32
        %add3A_1045 = arith.addi %mul3A_212, %add3A_1044 : i32
        %get3A_1046 = arith.constant 0 : i32
        %get3A_1047 = arith.constant 0 : i32
        %get3A_1048 = tpu.memref_slice %arg6[%scan3A_187, %get3A_1046, %get3A_1047] : memref<2x640x64xf32, #tpu.memory_space<vmem>> -> memref<1x640x64xf32, #tpu.memory_space<vmem>>
        %get3A_1049 = tpu.memref_squeeze %get3A_1048 : memref<1x640x64xf32, #tpu.memory_space<vmem>> -> memref<640x64xf32, #tpu.memory_space<vmem>>
        %get3A_1050 = arith.index_cast %add3A_1045 : i32 to index
        %get3A_1051 = arith.constant 48 : index
        %get3A_1052 = tpu.vector_load %get3A_1049[%get3A_1050, %get3A_1051] {strides = array<i32>} : memref<640x64xf32, #tpu.memory_space<vmem>>, vector<1x16xf32>,
        %get3A_1053 = vector.shape_cast %get3A_1052 : vector<1x16xf32> to vector<16xf32>
        %add3A_1054 = arith.constant 15 : i32
        %add3A_1055 = arith.addi %mul3A_212, %add3A_1054 : i32
        %get3A_1056 = arith.constant 0 : i32
        %get3A_1057 = arith.constant 0 : i32
        %get3A_1058 = tpu.memref_slice %arg6[%scan3A_187, %get3A_1056, %get3A_1057] : memref<2x640x64xf32, #tpu.memory_space<vmem>> -> memref<1x640x64xf32, #tpu.memory_space<vmem>>
        %get3A_1059 = tpu.memref_squeeze %get3A_1058 : memref<1x640x64xf32, #tpu.memory_space<vmem>> -> memref<640x64xf32, #tpu.memory_space<vmem>>
        %get3A_1060 = arith.index_cast %add3A_1055 : i32 to index
        %get3A_1061 = arith.constant 48 : index
        %get3A_1062 = tpu.vector_load %get3A_1059[%get3A_1060, %get3A_1061] {strides = array<i32>} : memref<640x64xf32, #tpu.memory_space<vmem>>, vector<1x16xf32>,
        %get3A_1063 = vector.shape_cast %get3A_1062 : vector<1x16xf32> to vector<16xf32>
        %add3A_1064 = arith.constant 16 : i32
        %add3A_1065 = arith.addi %mul3A_212, %add3A_1064 : i32
        %get3A_1066 = arith.constant 0 : i32
        %get3A_1067 = arith.constant 0 : i32
        %get3A_1068 = tpu.memref_slice %arg6[%scan3A_187, %get3A_1066, %get3A_1067] : memref<2x640x64xf32, #tpu.memory_space<vmem>> -> memref<1x640x64xf32, #tpu.memory_space<vmem>>
        %get3A_1069 = tpu.memref_squeeze %get3A_1068 : memref<1x640x64xf32, #tpu.memory_space<vmem>> -> memref<640x64xf32, #tpu.memory_space<vmem>>
        %get3A_1070 = arith.index_cast %add3A_1065 : i32 to index
        %get3A_1071 = arith.constant 48 : index
        %get3A_1072 = tpu.vector_load %get3A_1069[%get3A_1070, %get3A_1071] {strides = array<i32>} : memref<640x64xf32, #tpu.memory_space<vmem>>, vector<1x16xf32>,
        %get3A_1073 = vector.shape_cast %get3A_1072 : vector<1x16xf32> to vector<16xf32>
        %add3A_1074 = arith.constant 17 : i32
        %add3A_1075 = arith.addi %mul3A_212, %add3A_1074 : i32
        %get3A_1076 = arith.constant 0 : i32
        %get3A_1077 = arith.constant 0 : i32
        %get3A_1078 = tpu.memref_slice %arg6[%scan3A_187, %get3A_1076, %get3A_1077] : memref<2x640x64xf32, #tpu.memory_space<vmem>> -> memref<1x640x64xf32, #tpu.memory_space<vmem>>
        %get3A_1079 = tpu.memref_squeeze %get3A_1078 : memref<1x640x64xf32, #tpu.memory_space<vmem>> -> memref<640x64xf32, #tpu.memory_space<vmem>>
        %get3A_1080 = arith.index_cast %add3A_1075 : i32 to index
        %get3A_1081 = arith.constant 48 : index
        %get3A_1082 = tpu.vector_load %get3A_1079[%get3A_1080, %get3A_1081] {strides = array<i32>} : memref<640x64xf32, #tpu.memory_space<vmem>>, vector<1x16xf32>,
        %get3A_1083 = vector.shape_cast %get3A_1082 : vector<1x16xf32> to vector<16xf32>
        %add3A_1084 = arith.constant 18 : i32
        %add3A_1085 = arith.addi %mul3A_212, %add3A_1084 : i32
        %get3A_1086 = arith.constant 0 : i32
        %get3A_1087 = arith.constant 0 : i32
        %get3A_1088 = tpu.memref_slice %arg6[%scan3A_187, %get3A_1086, %get3A_1087] : memref<2x640x64xf32, #tpu.memory_space<vmem>> -> memref<1x640x64xf32, #tpu.memory_space<vmem>>
        %get3A_1089 = tpu.memref_squeeze %get3A_1088 : memref<1x640x64xf32, #tpu.memory_space<vmem>> -> memref<640x64xf32, #tpu.memory_space<vmem>>
        %get3A_1090 = arith.index_cast %add3A_1085 : i32 to index
        %get3A_1091 = arith.constant 48 : index
        %get3A_1092 = tpu.vector_load %get3A_1089[%get3A_1090, %get3A_1091] {strides = array<i32>} : memref<640x64xf32, #tpu.memory_space<vmem>>, vector<1x16xf32>,
        %get3A_1093 = vector.shape_cast %get3A_1092 : vector<1x16xf32> to vector<16xf32>
        %add3A_1094 = arith.constant 19 : i32
        %add3A_1095 = arith.addi %mul3A_212, %add3A_1094 : i32
        %get3A_1096 = arith.constant 0 : i32
        %get3A_1097 = arith.constant 0 : i32
        %get3A_1098 = tpu.memref_slice %arg6[%scan3A_187, %get3A_1096, %get3A_1097] : memref<2x640x64xf32, #tpu.memory_space<vmem>> -> memref<1x640x64xf32, #tpu.memory_space<vmem>>
        %get3A_1099 = tpu.memref_squeeze %get3A_1098 : memref<1x640x64xf32, #tpu.memory_space<vmem>> -> memref<640x64xf32, #tpu.memory_space<vmem>>
        %get3A_1100 = arith.index_cast %add3A_1095 : i32 to index
        %get3A_1101 = arith.constant 48 : index
        %get3A_1102 = tpu.vector_load %get3A_1099[%get3A_1100, %get3A_1101] {strides = array<i32>} : memref<640x64xf32, #tpu.memory_space<vmem>>, vector<1x16xf32>,
        %get3A_1103 = vector.shape_cast %get3A_1102 : vector<1x16xf32> to vector<16xf32>
        %add3A_1104 = arith.addf %get3A_913, %get3A_923 : vector<16xf32>
        %add3A_1105 = arith.addf %get3A_933, %get3A_943 : vector<16xf32>
        %add3A_1106 = arith.addf %get3A_953, %get3A_963 : vector<16xf32>
        %add3A_1107 = arith.addf %get3A_973, %get3A_983 : vector<16xf32>
        %add3A_1108 = arith.addf %get3A_993, %get3A_1003 : vector<16xf32>
        %add3A_1109 = arith.addf %get3A_1013, %get3A_1023 : vector<16xf32>
        %add3A_1110 = arith.addf %get3A_1033, %get3A_1043 : vector<16xf32>
        %add3A_1111 = arith.addf %get3A_1053, %get3A_1063 : vector<16xf32>
        %add3A_1112 = arith.addf %get3A_1073, %get3A_1083 : vector<16xf32>
        %add3A_1113 = arith.addf %get3A_1093, %get3A_1103 : vector<16xf32>
        %add3A_1114 = arith.addf %add3A_1104, %add3A_1105 : vector<16xf32>
        %add3A_1115 = arith.addf %add3A_1106, %add3A_1107 : vector<16xf32>
        %add3A_1116 = arith.addf %add3A_1108, %add3A_1109 : vector<16xf32>
        %add3A_1117 = arith.addf %add3A_1110, %add3A_1111 : vector<16xf32>
        %add3A_1118 = arith.addf %add3A_1112, %add3A_1113 : vector<16xf32>
        %add3A_1119 = arith.addf %add3A_1114, %add3A_1115 : vector<16xf32>
        %add3A_1120 = arith.addf %add3A_1116, %add3A_1117 : vector<16xf32>
        %add3A_1121 = arith.addf %add3A_1120, %add3A_1118 : vector<16xf32>
        %add3A_1122 = arith.addf %add3A_1119, %add3A_1121 : vector<16xf32>
        %mul3A_1123 = arith.constant 5.000000e-02 : f32
        %mul3A_1124 = vector.broadcast %mul3A_1123 : f32 to vector<16xf32>
        %mul3A_1125 = arith.mulf %add3A_1122, %mul3A_1124 : vector<16xf32>
        %swap3A_1126 = arith.constant 0 : i32
        %swap3A_1127 = arith.constant 0 : i32
        %swap3A_1128 = tpu.memref_slice %arg7[%scan3A_188, %swap3A_1126, %swap3A_1127] : memref<2x32x64xf32, #tpu.memory_space<vmem>> -> memref<1x32x64xf32, #tpu.memory_space<vmem>>
        %swap3A_1129 = tpu.memref_squeeze %swap3A_1128 : memref<1x32x64xf32, #tpu.memory_space<vmem>> -> memref<32x64xf32, #tpu.memory_space<vmem>>
        %swap3A_1130 = arith.index_cast %scan3A_210 : i32 to index
        %swap3A_1131 = arith.constant 48 : index
        %swap3A_1132 = tpu.vector_load %swap3A_1129[%swap3A_1130, %swap3A_1131] {strides = array<i32>} : memref<32x64xf32, #tpu.memory_space<vmem>>, vector<1x16xf32>,
        %swap3A_1133 = vector.shape_cast %swap3A_1132 : vector<1x16xf32> to vector<16xf32>
        %swap3A_1134 = vector.shape_cast %mul3A_1125 : vector<16xf32> to vector<1x16xf32>
        tpu.vector_store %swap3A_1129[%swap3A_1130, %swap3A_1131], %swap3A_1134 {strides = array<i32>} : memref<32x64xf32, #tpu.memory_space<vmem>>, vector<1x16xf32>,
      }
      %scan3A_193 = arith.constant 32 : i32
      %mul3A_194 = arith.constant 32 : i32
      %mul3A_195 = arith.muli %add3A_158, %mul3A_194 : i32
      %add3A_196 = arith.addi %mul3A_2, %mul3A_195 : i32
      %dma_start3A_197 = arith.constant 1 : i32
      %dma_start3A_198 = arith.constant 0 : i32
      %dma_start3A_199 = arith.constant 0 : i32
      %dma_start3A_200 = tpu.memref_slice %arg7[%dma_start3A_197, %dma_start3A_198, %dma_start3A_199] : memref<2x32x64xf32, #tpu.memory_space<vmem>> -> memref<1x32x64xf32, #tpu.memory_space<vmem>>
      %dma_start3A_201 = tpu.memref_squeeze %dma_start3A_200 : memref<1x32x64xf32, #tpu.memory_space<vmem>> -> memref<32x64xf32, #tpu.memory_space<vmem>>
      %dma_start3A_202 = arith.constant 0 : i32
      %dma_start3A_203 = tpu.memref_slice %arg4[%add3A_196, %dma_start3A_202] : memref<16384x64xf32, #tpu.memory_space<hbm>> -> memref<32x64xf32, #tpu.memory_space<hbm>>
      %dma_start3A_204 = arith.constant 0 : i32
      %dma_start3A_205 = tpu.memref_slice %arg4[%add3A_196, %dma_start3A_204] : memref<16384x64xf32, #tpu.memory_space<hbm>> -> memref<32x64xf32, #tpu.memory_space<hbm>>
      %dma_start3A_206 = arith.constant 0 : i32
      %dma_start3A_207 = arith.constant 0 : i32
      %dma_start3A_208 = tpu.memref_slice %arg7[%dma_start3A_197, %dma_start3A_206, %dma_start3A_207] : memref<2x32x64xf32, #tpu.memory_space<vmem>> -> memref<1x32x64xf32, #tpu.memory_space<vmem>>
      %dma_start3A_209 = tpu.memref_squeeze %dma_start3A_208 : memref<1x32x64xf32, #tpu.memory_space<vmem>> -> memref<32x64xf32, #tpu.memory_space<vmem>>
      tpu.enqueue_dma source(%dma_start3A_209 : memref<32x64xf32, #tpu.memory_space<vmem>>) target(%dma_start3A_205 : memref<32x64xf32, #tpu.memory_space<hbm>>) target_semaphore(%arg11 : memref<!tpu.dma_semaphore, #tpu.memory_space<semaphore_mem>>)
    }
    %scan3A_73 = arith.constant 8 : i32
    %dma_wait3A = arith.constant 0 : i32
    %dma_wait3A_74 = arith.constant 0 : i32
    %dma_wait3A_75 = arith.constant 0 : i32
    %dma_wait3A_76 = tpu.memref_slice %arg7[%dma_wait3A, %dma_wait3A_74, %dma_wait3A_75] : memref<2x32x64xf32, #tpu.memory_space<vmem>> -> memref<1x32x64xf32, #tpu.memory_space<vmem>>
    %dma_wait3A_77 = tpu.memref_squeeze %dma_wait3A_76 : memref<1x32x64xf32, #tpu.memory_space<vmem>> -> memref<32x64xf32, #tpu.memory_space<vmem>>
    %dma_wait3A_78 = arith.constant 0 : i32
    %dma_wait3A_79 = arith.constant 0 : i32
    %dma_wait3A_80 = tpu.memref_slice %arg4[%dma_wait3A_78, %dma_wait3A_79] : memref<16384x64xf32, #tpu.memory_space<hbm>> -> memref<32x64xf32, #tpu.memory_space<hbm>>
    %dma_wait3A_81 = arith.constant 0 : i32
    %dma_wait3A_82 = arith.constant 0 : i32
    %dma_wait3A_83 = tpu.memref_slice %arg4[%dma_wait3A_81, %dma_wait3A_82] : memref<16384x64xf32, #tpu.memory_space<hbm>> -> memref<32x64xf32, #tpu.memory_space<hbm>>
    %dma_wait3A_84 = arith.constant 0 : i32
    %dma_wait3A_85 = arith.constant 0 : i32
    %dma_wait3A_86 = tpu.memref_slice %arg7[%dma_wait3A, %dma_wait3A_84, %dma_wait3A_85] : memref<2x32x64xf32, #tpu.memory_space<vmem>> -> memref<1x32x64xf32, #tpu.memory_space<vmem>>
    %dma_wait3A_87 = tpu.memref_squeeze %dma_wait3A_86 : memref<1x32x64xf32, #tpu.memory_space<vmem>> -> memref<32x64xf32, #tpu.memory_space<vmem>>
    tpu.wait_dma2 semaphore(%arg10 : memref<!tpu.dma_semaphore, #tpu.memory_space<semaphore_mem>>) src(%dma_wait3A_87 : memref<32x64xf32, #tpu.memory_space<vmem>>) dst(%dma_wait3A_83 : memref<32x64xf32, #tpu.memory_space<hbm>>)
    %dma_wait3A_88 = arith.constant 1 : i32
    %dma_wait3A_89 = arith.constant 0 : i32
    %dma_wait3A_90 = arith.constant 0 : i32
    %dma_wait3A_91 = tpu.memref_slice %arg7[%dma_wait3A_88, %dma_wait3A_89, %dma_wait3A_90] : memref<2x32x64xf32, #tpu.memory_space<vmem>> -> memref<1x32x64xf32, #tpu.memory_space<vmem>>
    %dma_wait3A_92 = tpu.memref_squeeze %dma_wait3A_91 : memref<1x32x64xf32, #tpu.memory_space<vmem>> -> memref<32x64xf32, #tpu.memory_space<vmem>>
    %dma_wait3A_93 = arith.constant 0 : i32
    %dma_wait3A_94 = arith.constant 0 : i32
    %dma_wait3A_95 = tpu.memref_slice %arg4[%dma_wait3A_93, %dma_wait3A_94] : memref<16384x64xf32, #tpu.memory_space<hbm>> -> memref<32x64xf32, #tpu.memory_space<hbm>>
    %dma_wait3A_96 = arith.constant 0 : i32
    %dma_wait3A_97 = arith.constant 0 : i32
    %dma_wait3A_98 = tpu.memref_slice %arg4[%dma_wait3A_96, %dma_wait3A_97] : memref<16384x64xf32, #tpu.memory_space<hbm>> -> memref<32x64xf32, #tpu.memory_space<hbm>>
    %dma_wait3A_99 = arith.constant 0 : i32
    %dma_wait3A_100 = arith.constant 0 : i32
    %dma_wait3A_101 = tpu.memref_slice %arg7[%dma_wait3A_88, %dma_wait3A_99, %dma_wait3A_100] : memref<2x32x64xf32, #tpu.memory_space<vmem>> -> memref<1x32x64xf32, #tpu.memory_space<vmem>>
    %dma_wait3A_102 = tpu.memref_squeeze %dma_wait3A_101 : memref<1x32x64xf32, #tpu.memory_space<vmem>> -> memref<32x64xf32, #tpu.memory_space<vmem>>
    tpu.wait_dma2 semaphore(%arg11 : memref<!tpu.dma_semaphore, #tpu.memory_space<semaphore_mem>>) src(%dma_wait3A_102 : memref<32x64xf32, #tpu.memory_space<vmem>>) dst(%dma_wait3A_98 : memref<32x64xf32, #tpu.memory_space<hbm>>)
    return
  }
}

</mosaic_0001>

<sc_bundles>
// kernel: kernel.3.cloned.1.call-start
scs
__scs_entry_jumppad:
0x0: {  	(pc) =	sbr.rel $0x88, $3  }
0x1: {  	(tag) =	ssettag $0x0;
	lr =	simm.s32 $0x1  }
0x2: {  	[smem:$0x3F9F] =	sst lr;
	_ =	strace $0xD0000000  }
0x3: {  	_ = 	snop  }
0x4: {  	_ = 	snop  }
0x5: {  	_ = 	snop  }
0x6: {  	_ = 	snop  }
0x7: {  	_ = 	snop  }
__scs_overlays_trampoline_lowered:
0x8: {  	[smem:$0x3FAE] =	sst s0  }
0x9: {  	[smem:$0x3FAF] =	sst s1  }
0xa: {  	[smem:$0x3FB0] =	sst s2  }
0xb: {  	[smem:$0x3FB1] =	sst s3  }
0xc: {  	[smem:$0x3FB2] =	sst s4  }
0xd: {  	[smem:$0x3FB3] =	sst s5  }
0xe: {  	[smem:$0x3FB4] =	sst s6  }
0xf: {  	[smem:$0x3FB5] =	sst s7  }
0x10: {  	[smem:$0x3FB6] =	sst s8  }
0x11: {  	[smem:$0x3FB7] =	sst s9;
	s0 =	simm.s32 @!p0 $0x0  }
0x12: {  	s1 =	sld [smem:$0x3F9D];
	s0 =	simm.s32 @p0 $0x1  }
0x13: {  	[smem:$0x3FB8] =	sst s0;
	s0 =	simm.s32 @!p1 $0x0  }
0x14: {  	s2 =	sld [smem:$0x3F9C];
	s0 =	simm.s32 @p1 $0x1  }
0x15: {  	[smem:$0x3FB9] =	sst s0;
	s0 =	simm.s32 @!p2 $0x0  }
0x16: {  	s3 =	sld [smem:$0x3FDB];
	s0 =	simm.s32 @p2 $0x1  }
0x17: {  	s4 =	simm.s32 $0x1BF5;
	[smem:$0x3FBB] =	sst s0  }
0x18: {  	s0 =	sld [smem:$0x3F9E];
	_ =	swait.ge [sflag:s4], $0x0  }
0x19: {  	s7 =	sld [smem:$0x3F9F]  }
0x1a: {  	s8 =	sadd.s32 $0xFFFFE003, lr  }
0x1b: {  	s9 =	sadd.s32 $0xFFFFFEF7, lr;
	s5 =	simm.s32 $0xFFFFFFFF;
	p2 =	slt.u32 s8, $0xFFFFF086  }
0x1c: {  	p1 =	slt.u32 s9, $0xF7A;
	s5 =	simm.s32 @!p2 $0x0  }
0x1d: {  	s5 =	simm.s32 @p1 $0x1;
	p0 =	seq.s32 s7, s2  }
0x1e: {  	s7 =	smul.u32 @!p0 $0xF7A, s2;
	p2 =	seq.s32 @!p0 s5, $0x0  }
0x1f: {  	s9 =	smul.u32 $0xF7A, s1;
	s8 =	simm.s32 @!p0 $0x1BF5;
	p2 =	por !p2, p0  }
0x20: {  	[sflag:s8] =	ssyncset.s32 @!p0 $0xFFFFF086;
	s6 =	sadd.s32 @!p0 s3, s7;
	s7 =	simm.s32 @!p0 $0x108  }
0x21: {  	s3 =	sadd.s32 s3, s9;
	s6 =	sadd.s32 @!p0 $0x88, s6;
	s7 =	simm.s32 @p2 $0x1082  }
0x22: {  	[simem:s7], [sflag:s8] =	dma.local @!p0 [hbm:s6], $0xF7A  }
0x23: {  	s9 =	sor.u32 $0xD0000000, s2;
	s6 =	simm.s32 $0x108;
	_ =	swait.ge @!p0 [sflag:s8], $0x0  }
0x24: {  	s3 =	sadd.s32 $0x88, s3;
	s6 =	simm.s32 @!p1 $0x1082;
	[sflag:s4] =	ssyncset.s32 $0xFFFFF086  }
0x25: {  	[simem:s6], [sflag:s4] =	dma.local [hbm:s3], $0xF7A  }
0x26: {  	[smem:$0x3F9F] =	sst s1;
	(tag) =	ssettag s2;
	_ =	strace s9  }
0x27: {  	s1 =	sld [smem:$0x3FAF]  }
0x28: {  	s2 =	sld [smem:$0x3FB0]  }
0x29: {  	s4 =	sld [smem:$0x3FB2]  }
0x2a: {  	p0 =	seq.s32 s5, $0x0;
	s5 =	sld [smem:$0x3FB3]  }
0x2b: {  	s6 =	sld [smem:$0x3FB4]  }
0x2c: {  	s7 =	sld [smem:$0x3FB5]  }
0x2d: {  	s3 =	simm.s32 $0x108;
	s8 =	sld [smem:$0x3FB6]  }
0x2e: {  	s3 =	simm.s32 @!p0 $0x1082;
	s9 =	sld [smem:$0x3FB7]  }
0x2f: {  	lr =	sadd.s32 s0, s3;
	s0 =	sld [smem:$0x3FAE]  }
0x30: {  	s3 =	sld [smem:$0x3FB1]  }
0x31: {  	[smem:$0x3FBA] =	sst s10  }
0x32: {  	s10 =	sld [smem:$0x3FB8];
	_ =	sdelay $0x3  }
0x33: {  	p0 =	seq.s32 s10, $0x1;
	s10 =	sld [smem:$0x3FBA];
	_ =	sdelay $0x3  }
0x34: {  	[smem:$0x3FBA] =	sst s10  }
0x35: {  	s10 =	sld [smem:$0x3FB9];
	_ =	sdelay $0x3  }
0x36: {  	p1 =	seq.s32 s10, $0x1;
	s10 =	sld [smem:$0x3FBA];
	_ =	sdelay $0x3  }
0x37: {  	[smem:$0x3FBA] =	sst s10  }
0x38: {  	s10 =	sld [smem:$0x3FBB]  }
0x39: {  	_ = 	snop;
	(pc) =	sbr.ind lr, $3  }
0x3a: {  	_ = 	snop  }
0x3b: {  	_ = 	snop  }
0x3c: {  	p2 =	seq.s32 s10, $0x1;
	s10 =	sld [smem:$0x3FBA]  }
0x3d: {  	_ =	shalt  }
0x3e: {  	_ =	shalt  }
0x3f: {  	_ =	shalt  }
0x40: {  	_ =	shalt  }
0x41: {  	_ =	shalt  }
0x42: {  	_ =	shalt  }
0x43: {  	_ =	shalt  }
0x44: {  	_ =	shalt  }
0x45: {  	_ =	shalt  }
0x46: {  	_ =	shalt  }
0x47: {  	_ =	shalt  }
0x48: {  	_ =	shalt  }
0x49: {  	_ =	shalt  }
0x4a: {  	_ =	shalt  }
0x4b: {  	_ =	shalt  }
0x4c: {  	_ =	shalt  }
0x4d: {  	_ =	shalt  }
0x4e: {  	_ =	shalt  }
0x4f: {  	_ =	shalt  }
0x50: {  	_ =	shalt  }
0x51: {  	_ =	shalt  }
0x52: {  	_ =	shalt  }
0x53: {  	_ =	shalt  }
0x54: {  	_ =	shalt  }
0x55: {  	_ =	shalt  }
0x56: {  	_ =	shalt  }
0x57: {  	_ =	shalt  }
0x58: {  	_ =	shalt  }
0x59: {  	_ =	shalt  }
0x5a: {  	_ =	shalt  }
0x5b: {  	_ =	shalt  }
0x5c: {  	_ =	shalt  }
0x5d: {  	_ =	shalt  }
0x5e: {  	_ =	shalt  }
0x5f: {  	_ =	shalt  }
0x60: {  	_ =	shalt  }
0x61: {  	_ =	shalt  }
0x62: {  	_ =	shalt  }
0x63: {  	_ =	shalt  }
0x64: {  	_ =	shalt  }
0x65: {  	_ =	shalt  }
0x66: {  	_ =	shalt  }
0x67: {  	_ =	shalt  }
0x68: {  	_ =	shalt  }
0x69: {  	_ =	shalt  }
0x6a: {  	_ =	shalt  }
0x6b: {  	_ =	shalt  }
0x6c: {  	_ =	shalt  }
0x6d: {  	_ =	shalt  }
0x6e: {  	_ =	shalt  }
0x6f: {  	_ =	shalt  }
0x70: {  	_ =	shalt  }
0x71: {  	_ =	shalt  }
0x72: {  	_ =	shalt  }
0x73: {  	_ =	shalt  }
0x74: {  	_ =	shalt  }
0x75: {  	_ =	shalt  }
0x76: {  	_ =	shalt  }
0x77: {  	_ =	shalt  }
0x78: {  	_ =	shalt  }
0x79: {  	_ =	shalt  }
0x7a: {  	_ =	shalt  }
0x7b: {  	_ =	shalt  }
0x7c: {  	_ =	shalt  }
0x7d: {  	_ =	shalt  }
0x7e: {  	_ =	shalt  }
0x7f: {  	_ =	shalt  }
0x80: {  	_ =	shalt  }
0x81: {  	_ =	shalt  }
0x82: {  	_ =	shalt  }
0x83: {  	_ =	shalt  }
0x84: {  	_ =	shalt  }
0x85: {  	_ =	shalt  }
0x86: {  	_ =	shalt  }
0x87: {  	_ =	shalt  }
.Lfunc_end0:
.L_simem_size_0:
called_computation_lowered:
.L_overlay_start_0:
0x88: {  	s2 =	sld [smem:$0x3FD9]  }
0x89: {  	s3 =	sld [smem:$0x3FFE];
	_ =	sdelay $0x1  }
0x8a: {  	s1 =	srdreg.scid  }
0x8b: {  	s0 =	sand.u32 $0x1, s1  }
0x8c: {  	s17 =	sshll.u32 s0, $0xA;
	s2 =	sadd.s32 s3, s2  }
0x8d: {  	s2 =	sadd.s32 s2, s17  }
0x8e: {  	[smem:$0x3FC6] =	sst s2  }
0x8f: {  	_ = 	snop  }
0x90: {  	s2 =	sld [smem:$0x3FD0];
	(tm) =	ssettm $0x1  }
0x91: {  	s18 =	sld [smem:$0x3FFB];
	_ =	sdelay $0x3  }
0x92: {  	_ =	strace s18  }
0x93: {  	s3 =	sld [smem:$0x3FFC];
	_ =	sdelay $0x3  }
0x94: {  	_ =	strace s3  }
0x95: {  	s3 =	sld [smem:$0x3FFD];
	_ =	sdelay $0x3  }
0x96: {  	_ =	strace s3  }
0x97: {  	_ =	strace $0x8FFFFFFF  }
0x98: {  	s19 =	sld [smem:$0x3FDB];
	_ =	sdelay $0x1  }
0x99: {  	s4 =	simm.s32 $_scs_section_size  }
0x9a: {  	s5 =	simm.s32 $_size__tile_overlayer_lowered;
	s6 =	simm.s32 $_tile_overlayer_lowered  }
0x9b: {  	s22 =	simm.s32 $0x1BFF;
	s21 =	sshll.u32 s6, $0x1;
	s3 =	sadd.s32 s4, s19  }
0x9c: {  	s7 =	simm.s32 $0x0;
	s20 =	sshll.u32 s5, $0x1;
	s5 =	sadd.s32 s21, s3  }
0x9d: {  	[timem:s7], [sflag:s22] =	dma.local [hbm:s5], s20  }
0x9e: {  	_ =	swait.ge [sflag:s22], s20  }
0x9f: {  	s4 =	ssub.s32 $0x0, s20;
	[sflag:s22] =	ssyncset.done $0x0  }
0xa0: {  	[sflag:s22] =	ssyncadd.s32 s4;
	_ =	sdelay $0x1  }
0xa1: {  	s23 =	simm.s32 $0x1B8B  }
0xa2: {  	_ =	swait.ge [sflag:s23], $0x1  }
0xa3: {  	[sflag:s23] =	ssyncset.done $0x0  }
0xa4: {  	s25 =	simm.s32 $0x1B8E;
	s24 =	sld [smem:$0x3FFE];
	[sflag:s23] =	ssyncadd.s32 $0xFFFFFFFF  }
0xa5: {  	s26 =	simm.s32 $execute0_lowered;
	[smem:$0x3FD2] =	sst s25  }
0xa6: {  	s5 =	sshll.u32 s26, $0x1;
	_ =	strace $0x80000046;
	[dreg:$0x1] =	wrdreg $0xFFFFFFFF  }
0xa7: {  	s28 =	simm.s32 $_size_execute0_lowered;
	s3 =	sadd.s32 s3, s5;
	[dreg:$0x0] =	wrdreg $0x0  }
0xa8: {  	s5 =	sshll.u32 s28, $0x1;
	[dreg:$0x2] =	wrdreg s3  }
0xa9: {  	[dreg:$0x3] =	wrdreg s5  }
0xaa: {  	[dreg:$0x4] =	wrdreg $0xC0  }
0xab: {  	_ =	task [dreg:s7], $0x5FFFF  }
0xac: {  	[dreg:$0x1] =	wrdreg $0xFFFFFFFF  }
0xad: {  	[dreg:$0x0] =	wrdreg $0x60  }
0xae: {  	[dreg:$0x2] =	wrdreg s24  }
0xaf: {  	[dreg:$0x3] =	wrdreg s2  }
0xb0: {  	[dreg:$0x4] =	wrdreg $0x9  }
0xb1: {  	_ =	task.clear_ibuf [dreg:s7], $0x5FFFF;
	_ =	strace $0x90000046  }
0xb2: {  	s29 =	simm.s32 $0x9;
	_ =	strace $0x80000048  }
0xb3: {  	_ =	swait.ge [sflag:s29], $0x1  }
0xb4: {  	[sflag:s29] =	ssyncadd.s32 $0xFFFFFFFF  }
0xb5: {  	_ =	strace $0x90000048  }
0xb6: {  	_ =	sfence  }
0xb7: {  	s30 =	sld [smem:$0x0];
	_ =	sdelay $0x2  }
0xb8: {  	s31 =	sshll.u32 s1, $0xD;
	s1 =	sshrl.u32 s1, $0x2  }
0xb9: {  	s3 =	sand.u32 $0x4000, s31;
	s1 =	sadd.s32 s1, s30  }
0xba: {  	s0 =	sor.u32 s3, s0;
	s1 =	sshll.u32 s1, $0x11  }
0xbb: {  	s0 =	sor.u32 s1, s0  }
0xbc: {  	s0 =	sadd.s32 $0x8F2B, s0  }
0xbd: {  	[sflag:s0] =	ssyncadd.remote.s32 $0x1  }
0xbe: {  	_ =	sfence.sel $0xFFFF  }
0xbf: {  	[dreg:$0x0] =	wrdreg $0xFFFFFFFF;
	(pc) =	sbr.abs _section_cstart, $3  }
0xc0: {  	[dreg:$0x1] =	wrdreg $0xFFFFFFFF  }
0xc1: {  	_ =	task.clear_ibuf [dreg:s7], $0x2FFFF;
	_ =	strace $0x9FFFFFFF  }
0xc2: {  	(tm) =	ssettm $0x7FFFFFFF  }
0xc3: {  	_ =	shalt  }
tec
execute0_lowered:
.L_overlay_start_1:
0x0: {  	(tag) =	ssettag $0x1  }
0x1: {  	s0 =	rddreg [dreg:$0x0];
	s1 =	srdreg.scid  }
0x2: {  	s2 =	stileid.u32;
	s5 =	rddreg [dreg:$0x1];
	s7 =	simm.s32 $0x5  }
0x3: {  	s8 =	simm.s32 $0x80;
	s9 =	simm.s32 $0x2800;
	s10 =	simm.s32 $0x4800  }
0x4: {  	s12 =	simm.s32 $0x6800;
	s13 =	simm.s32 $0x180;
	s14 =	simm.s32 $0x8800  }
0x5: {  	s15 =	simm.s32 $0x200;
	s16 =	simm.s32 $0xA800;
	s17 =	simm.s32 $0xC800  }
0x6: {  	s18 =	simm.s32 $0xE800;
	s19 =	simm.s32 $0x10800;
	s20 =	simm.s32 $0x12800  }
0x7: {  	s21 =	simm.s32 $0x14800;
	s22 =	simm.s32 $0x1;
	s23 =	simm.s32 $0x16800  }
0x8: {  	s24 =	simm.s32 $0x2;
	s25 =	simm.s32 $0x4;
	s26 =	simm.s32 $0x17000  }
0x9: {  	s28 =	simm.s32 $0x3;
	s1 =	sand.u32 $0x1, s1;
	s3 =	sshll.u32 s2, $0x1  }
0xa: {  	s29 =	simm.s32 $0x0;
	s2 =	simm.s32 $0x0;
	s4 =	sor.u32 s1, s3  }
0xb: {  	[smem:$0x7FF] =	sst s2;
	s1 =	ssub.s32 $0x2, s1;
	s6 =	smul.u32 $0x500, s4  }
0xc: {  	s3 =	sadd.s32 $0xF42A00, s0;
	_ =	strace $0x80000047;
	s30 =	sshrl.u32 s1, $0x1  }
0xd: {  	s31 =	sshll.u32 s4, $0xC;
	s1 =	ssub.s32 s1, s30;
	s0 =	sadd.s32 s6, s0  }
0xe: {  	s5 =	sadd.s32 s5, s31;
	s6 =	smax.u32 s1, $0x1;
	s4 =	sadd.s32 $0x600, s0  }
.LBB2_1:
0xf: {  	[tilespmem:s2], [sflag:$0x5] =	stream.linear.gather [hbm4b:s4+s2], $0x2800, $0x38;
	[tilespmem:$0x17800] =	vst v63  }
0x10: {  	_ =	swait.ge [sflag:s7], $0x2800  }
0x11: {  	[sflag:s7] =	ssyncset.done $0x0  }
0x12: {  	[sflag:s7] =	ssyncadd.s32 $0xFFFFD800  }
0x13: {  	[tilespmem:s9], [sflag:$0x1] =	stream.indirect.gather [hbm4b:s3+s8], $0x40, s2, s8, $0xb8;
	[tilespmem:$0x17800] =	vst v63  }
0x14: {  	_ = 	snop  }
0x15: {  	[tilespmem:s10], [sflag:$0x1] =	stream.indirect.gather [hbm4b:s3+s8], $0x40, s8, s8, $0xb8;
	[tilespmem:$0x17800] =	vst v63  }
0x16: {  	s0 =	simm.s32 $0x100  }
0x17: {  	[tilespmem:s12], [sflag:$0x1] =	stream.indirect.gather [hbm4b:s3+s8], $0x40, s0, s8, $0xb8;
	[tilespmem:$0x17800] =	vst v63  }
0x18: {  	_ = 	snop  }
0x19: {  	[tilespmem:s14], [sflag:$0x1] =	stream.indirect.gather [hbm4b:s3+s8], $0x40, s13, s8, $0xb8;
	[tilespmem:$0x17800] =	vst v63  }
0x1a: {  	s30 =	simm.s32 $0x0  }
0x1b: {  	[tilespmem:s16], [sflag:$0x1] =	stream.indirect.gather [hbm4b:s3+s8], $0x40, s15, s8, $0xb8;
	[tilespmem:$0x17800] =	vst v63  }
.LBB2_2:
0x1c: {  	s31 =	sshllo.u32 s30, $0x1  }
0x1d: {  	s0 =	smul.u32 $0xA00, s31;
	_ =	sdelay $0x1  }
0x1e: {  	s0 =	sshra.s32 s0, $0x2  }
0x1f: {  	[tilespmem:s17], [sflag:$0x2] =	stream.indirect.gather [hbm4b:s3+s8], $0x40, s0, s8, $0xb8;
	[tilespmem:$0x17800] =	vst v63  }
0x20: {  	s1 =	sadd.s32 $0x80, s0  }
0x21: {  	[tilespmem:s18], [sflag:$0x2] =	stream.indirect.gather [hbm4b:s3+s8], $0x40, s1, s8, $0xb8;
	[tilespmem:$0x17800] =	vst v63  }
0x22: {  	s11 =	sadd.s32 $0x100, s0  }
0x23: {  	[tilespmem:s19], [sflag:$0x2] =	stream.indirect.gather [hbm4b:s3+s8], $0x40, s11, s8, $0xb8;
	[tilespmem:$0x17800] =	vst v63  }
0x24: {  	s11 =	sadd.s32 $0x180, s0  }
0x25: {  	[tilespmem:s20], [sflag:$0x2] =	stream.indirect.gather [hbm4b:s3+s8], $0x40, s11, s8, $0xb8;
	[tilespmem:$0x17800] =	vst v63  }
0x26: {  	s0 =	sadd.s32 $0x200, s0  }
0x27: {  	[tilespmem:s21], [sflag:$0x2] =	stream.indirect.gather [hbm4b:s3+s8], $0x40, s0, s8, $0xb8;
	[tilespmem:$0x17800] =	vst v63  }
0x28: {  	_ =	swait.ge [sflag:s22], $0xA000  }
0x29: {  	p0 =	seq.s32 s30, $0x0;
	[sflag:s22] =	ssyncset.done $0x0  }
0x2a: {  	s0 =	simm.s32 @!p0 $0x3;
	[sflag:s22] =	ssyncadd.s32 $0xFFFF6000  }
0x2b: {  	_ =	swait.ge @!p0 [sflag:s0], $0x800  }
0x2c: {  	[sflag:s0] =	ssyncset.done @!p0 $0x0  }
0x2d: {  	s1 =	simm.s32 $0x0;
	[sflag:s0] =	ssyncadd.s32 @!p0 $0xFFFFF800;
	s0 =	simm.s32 $0x2A80  }
.LBB2_3:
0x2e: {  	v0 =	vld [tilespmem:s0+$0xFFFFFD80]  }
0x2f: {  	v1 =	vld [tilespmem:s0+$0xFFFFFDC0]  }
0x30: {  	v2 =	vld [tilespmem:s0+$0xFFFFFE00]  }
0x31: {  	v3 =	vld [tilespmem:s0+$0xFFFFFE40]  }
0x32: {  	v4 =	vld [tilespmem:s0+$0xFFFFFE80]  }
0x33: {  	v5 =	vld [tilespmem:s0+$0xFFFFFEC0]  }
0x34: {  	v6 =	vld [tilespmem:s0+$0xFFFFFF00]  }
0x35: {  	v7 =	vld [tilespmem:s0+$0xFFFFFF40]  }
0x36: {  	v8 =	vld [tilespmem:s0+$0xFFFFFF80]  }
0x37: {  	v9 =	vld [tilespmem:s0+$0xFFFFFFC0]  }
0x38: {  	v10 =	vld [tilespmem:s0+$0x0]  }
0x39: {  	v11 =	vld [tilespmem:s0+$0x40]  }
0x3a: {  	v12 =	vld [tilespmem:s0+$0x80]  }
0x3b: {  	v13 =	vld [tilespmem:s0+$0xC0]  }
0x3c: {  	v14 =	vld [tilespmem:s0+$0x100]  }
0x3d: {  	v15 =	vld [tilespmem:s0+$0x140]  }
0x3e: {  	v16 =	vld [tilespmem:s0+$0x180]  }
0x3f: {  	v17 =	vld [tilespmem:s0+$0x1C0]  }
0x40: {  	v18 =	vld [tilespmem:s0+$0x200]  }
0x41: {  	v19 =	vld [tilespmem:s0+$0x240]  }
0x42: {  	v0 =	vadd.f32 v1, v0;
	v38 =	vadd.f32 v3, v2  }
0x43: {  	v39 =	vadd.f32 v5, v4;
	v40 =	vadd.f32 v7, v6  }
0x44: {  	v41 =	vadd.f32 v9, v8;
	v42 =	vadd.f32 v11, v10  }
0x45: {  	v43 =	vadd.f32 v13, v12;
	v44 =	vadd.f32 v15, v14  }
0x46: {  	v45 =	vadd.f32 v17, v16;
	v46 =	vadd.f32 v19, v18  }
0x47: {  	v4 =	vadd.f32 v42, v41;
	v47 =	vadd.f32 v44, v43  }
0x48: {  	v0 =	vadd.f32 v38, v0;
	v48 =	vadd.f32 v40, v39  }
0x49: {  	v49 =	vadd.f32 v46, v45;
	v50 =	vadd.f32 v47, v4;
	_ =	sdelay $0x1  }
0x4a: {  	v0 =	vadd.f32 v48, v0;
	v51 =	vadd.f32 v49, v50;
	_ =	sdelay $0x1  }
0x4b: {  	v0 =	vadd.f32 v51, v0;
	_ =	sdelay $0x1  }
0x4c: {  	v0 =	vmul.f32 $5.000000070e-02, v0  }
0x4d: {  	s11 =	sshra.s32 s1, $0x2  }
0x4e: {  	[tilespmem:s11+$0x16800] =	vst v0  }
0x4f: {  	v0 =	vld [tilespmem:s0+$0xFFFFFD90]  }
0x50: {  	v52 =	vld [tilespmem:s0+$0xFFFFFDD0]  }
0x51: {  	v53 =	vld [tilespmem:s0+$0xFFFFFE10]  }
0x52: {  	v54 =	vld [tilespmem:s0+$0xFFFFFE50]  }
0x53: {  	v55 =	vld [tilespmem:s0+$0xFFFFFE90]  }
0x54: {  	v56 =	vld [tilespmem:s0+$0xFFFFFED0]  }
0x55: {  	v57 =	vld [tilespmem:s0+$0xFFFFFF10]  }
0x56: {  	v58 =	vld [tilespmem:s0+$0xFFFFFF50]  }
0x57: {  	v59 =	vld [tilespmem:s0+$0xFFFFFF90]  }
0x58: {  	v60 =	vld [tilespmem:s0+$0xFFFFFFD0]  }
0x59: {  	v61 =	vld [tilespmem:s0+$0x10]  }
0x5a: {  	v62 =	vld [tilespmem:s0+$0x50]  }
0x5b: {  	v63 =	vld [tilespmem:s0+$0x90]  }
0x5c: {  	v21 =	vld [tilespmem:s0+$0xD0]  }
0x5d: {  	v22 =	vld [tilespmem:s0+$0x110]  }
0x5e: {  	v23 =	vld [tilespmem:s0+$0x150]  }
0x5f: {  	v24 =	vld [tilespmem:s0+$0x190]  }
0x60: {  	v25 =	vld [tilespmem:s0+$0x1D0]  }
0x61: {  	v26 =	vld [tilespmem:s0+$0x210]  }
0x62: {  	v27 =	vld [tilespmem:s0+$0x250]  }
0x63: {  	v0 =	vadd.f32 v52, v0;
	v28 =	vadd.f32 v54, v53  }
0x64: {  	v29 =	vadd.f32 v56, v55;
	v30 =	vadd.f32 v58, v57  }
0x65: {  	v31 =	vadd.f32 v60, v59;
	v32 =	vadd.f32 v62, v61  }
0x66: {  	v33 =	vadd.f32 v21, v63;
	v34 =	vadd.f32 v23, v22  }
0x67: {  	v35 =	vadd.f32 v25, v24;
	v36 =	vadd.f32 v27, v26  }
0x68: {  	v4 =	vadd.f32 v32, v31;
	v37 =	vadd.f32 v34, v33  }
0x69: {  	v0 =	vadd.f32 v28, v0;
	v38 =	vadd.f32 v30, v29  }
0x6a: {  	v39 =	vadd.f32 v36, v35;
	v40 =	vadd.f32 v37, v4;
	_ =	sdelay $0x1  }
0x6b: {  	v0 =	vadd.f32 v38, v0;
	v41 =	vadd.f32 v39, v40;
	_ =	sdelay $0x1  }
0x6c: {  	v0 =	vadd.f32 v41, v0;
	_ =	sdelay $0x1  }
0x6d: {  	v0 =	vmul.f32 $5.000000070e-02, v0;
	_ =	sdelay $0x1  }
0x6e: {  	[tilespmem:s11+$0x16810] =	vst v0  }
0x6f: {  	v0 =	vld [tilespmem:s0+$0xFFFFFDA0]  }
0x70: {  	v42 =	vld [tilespmem:s0+$0xFFFFFDE0]  }
0x71: {  	v43 =	vld [tilespmem:s0+$0xFFFFFE20]  }
0x72: {  	v44 =	vld [tilespmem:s0+$0xFFFFFE60]  }
0x73: {  	v45 =	vld [tilespmem:s0+$0xFFFFFEA0]  }
0x74: {  	v46 =	vld [tilespmem:s0+$0xFFFFFEE0]  }
0x75: {  	v47 =	vld [tilespmem:s0+$0xFFFFFF20]  }
0x76: {  	v48 =	vld [tilespmem:s0+$0xFFFFFF60]  }
0x77: {  	v49 =	vld [tilespmem:s0+$0xFFFFFFA0]  }
0x78: {  	v50 =	vld [tilespmem:s0+$0xFFFFFFE0]  }
0x79: {  	v51 =	vld [tilespmem:s0+$0x20]  }
0x7a: {  	v52 =	vld [tilespmem:s0+$0x60]  }
0x7b: {  	v53 =	vld [tilespmem:s0+$0xA0]  }
0x7c: {  	v54 =	vld [tilespmem:s0+$0xE0]  }
0x7d: {  	v55 =	vld [tilespmem:s0+$0x120]  }
0x7e: {  	v56 =	vld [tilespmem:s0+$0x160]  }
0x7f: {  	v57 =	vld [tilespmem:s0+$0x1A0]  }
0x80: {  	v58 =	vld [tilespmem:s0+$0x1E0]  }
0x81: {  	v59 =	vld [tilespmem:s0+$0x220]  }
0x82: {  	v60 =	vld [tilespmem:s0+$0x260]  }
0x83: {  	v0 =	vadd.f32 v42, v0;
	v61 =	vadd.f32 v44, v43  }
0x84: {  	v62 =	vadd.f32 v46, v45;
	v63 =	vadd.f32 v48, v47  }
0x85: {  	v20 =	vadd.f32 v50, v49;
	v21 =	vadd.f32 v52, v51  }
0x86: {  	v22 =	vadd.f32 v54, v53;
	v23 =	vadd.f32 v56, v55  }
0x87: {  	v24 =	vadd.f32 v58, v57;
	v25 =	vadd.f32 v60, v59  }
0x88: {  	v4 =	vadd.f32 v21, v20;
	v26 =	vadd.f32 v23, v22  }
0x89: {  	v0 =	vadd.f32 v61, v0;
	v27 =	vadd.f32 v63, v62  }
0x8a: {  	v28 =	vadd.f32 v25, v24;
	v29 =	vadd.f32 v26, v4;
	_ =	sdelay $0x1  }
0x8b: {  	v0 =	vadd.f32 v27, v0;
	v30 =	vadd.f32 v28, v29;
	_ =	sdelay $0x1  }
0x8c: {  	v0 =	vadd.f32 v30, v0;
	_ =	sdelay $0x1  }
0x8d: {  	v0 =	vmul.f32 $5.000000070e-02, v0;
	_ =	sdelay $0x1  }
0x8e: {  	[tilespmem:s11+$0x16820] =	vst v0  }
0x8f: {  	v0 =	vld [tilespmem:s0+$0xFFFFFDB0]  }
0x90: {  	v31 =	vld [tilespmem:s0+$0xFFFFFDF0]  }
0x91: {  	v32 =	vld [tilespmem:s0+$0xFFFFFE30]  }
0x92: {  	v33 =	vld [tilespmem:s0+$0xFFFFFE70]  }
0x93: {  	v34 =	vld [tilespmem:s0+$0xFFFFFEB0]  }
0x94: {  	v35 =	vld [tilespmem:s0+$0xFFFFFEF0]  }
0x95: {  	v36 =	vld [tilespmem:s0+$0xFFFFFF30]  }
0x96: {  	v37 =	vld [tilespmem:s0+$0xFFFFFF70]  }
0x97: {  	v38 =	vld [tilespmem:s0+$0xFFFFFFB0]  }
0x98: {  	v39 =	vld [tilespmem:s0+$0xFFFFFFF0]  }
0x99: {  	v40 =	vld [tilespmem:s0+$0x30]  }
0x9a: {  	v41 =	vld [tilespmem:s0+$0x70]  }
0x9b: {  	v42 =	vld [tilespmem:s0+$0xB0]  }
0x9c: {  	v43 =	vld [tilespmem:s0+$0xF0]  }
0x9d: {  	v44 =	vld [tilespmem:s0+$0x130]  }
0x9e: {  	v45 =	vld [tilespmem:s0+$0x170]  }
0x9f: {  	v46 =	vld [tilespmem:s0+$0x1B0]  }
0xa0: {  	v47 =	vld [tilespmem:s0+$0x1F0]  }
0xa1: {  	v48 =	vld [tilespmem:s0+$0x230]  }
0xa2: {  	v49 =	vld [tilespmem:s0+$0x270]  }
0xa3: {  	v0 =	vadd.f32 v31, v0;
	v50 =	vadd.f32 v33, v32  }
0xa4: {  	v51 =	vadd.f32 v35, v34;
	v52 =	vadd.f32 v37, v36  }
0xa5: {  	v53 =	vadd.f32 v39, v38;
	v54 =	vadd.f32 v41, v40  }
0xa6: {  	v55 =	vadd.f32 v43, v42;
	v56 =	vadd.f32 v45, v44  }
0xa7: {  	v57 =	vadd.f32 v47, v46;
	v58 =	vadd.f32 v49, v48  }
0xa8: {  	v4 =	vadd.f32 v54, v53;
	v59 =	vadd.f32 v56, v55  }
0xa9: {  	v0 =	vadd.f32 v50, v0;
	v60 =	vadd.f32 v52, v51  }
0xaa: {  	v61 =	vadd.f32 v58, v57;
	v62 =	vadd.f32 v59, v4;
	_ =	sdelay $0x1  }
0xab: {  	v0 =	vadd.f32 v60, v0;
	v63 =	vadd.f32 v61, v62  }
0xac: {  	p1 =	sne.s32 s1, $0x1F00  }
.Ltmp0:
0xad: {  	v0 =	vadd.f32 v63, v0;
	(pc) =	sbr.rel @p1 .LBB2_3-.Ltmp0, $3  }
0xae: {  	_ = 	snop  }
0xaf: {  	v0 =	vmul.f32 $5.000000070e-02, v0;
	_ =	sdelay $0x1  }
0xb0: {  	s1 =	sadd.s32 $0x100, s1;
	s0 =	sadd.s32 $0x500, s0;
	[tilespmem:s11+$0x16830] =	vst v0  }
0xb1: {  	p1 =	sne.s32 s30, $0x7  }
.Ltmp1:
0xb2: {  	_ = 	snop;
	(pc) =	sbr.rel @p1 .LBB2_6-.Ltmp1, $4  }
0xb3: {  	_ = 	snop  }
0xb4: {  	s0 =	sshll.u32 s30, $0x9  }
0xb5: {  	s0 =	sadd.s32 s0, s5  }
0xb6: {  	[hbm4b:s0+s2] =	stream.linear.scatter [tilespmem:s23], [sflag:$0x3], $0x800, $0x38;
	[tilespmem:$0x17800] =	vst v63  }
.Ltmp2:
0xb7: {  	(pc) =	sbr.rel .LBB2_7-.Ltmp2, $4  }
0xb8: {  	_ = 	snop  }
0xb9: {  	_ =	swait.ge [sflag:s24], $0xA000  }
0xba: {  	[sflag:s24] =	ssyncset.done $0x0  }
0xbb: {  	[sflag:s24] =	ssyncadd.s32 $0xFFFF6000  }
.LBB2_6:
0xbc: {  	s0 =	smul.u32 $0x1400, s30;
	_ =	sdelay $0x1  }
0xbd: {  	s0 =	sshra.s32 s0, $0x2  }
0xbe: {  	s1 =	sadd.s32 $0x500, s0  }
0xbf: {  	[tilespmem:s9], [sflag:$0x1] =	stream.indirect.gather [hbm4b:s3+s8], $0x40, s1, s8, $0xb8;
	[tilespmem:$0x17800] =	vst v63  }
0xc0: {  	s11 =	sadd.s32 $0x580, s0  }
0xc1: {  	[tilespmem:s10], [sflag:$0x1] =	stream.indirect.gather [hbm4b:s3+s8], $0x40, s11, s8, $0xb8;
	[tilespmem:$0x17800] =	vst v63  }
0xc2: {  	s11 =	sadd.s32 $0x600, s0  }
0xc3: {  	[tilespmem:s12], [sflag:$0x1] =	stream.indirect.gather [hbm4b:s3+s8], $0x40, s11, s8, $0xb8;
	[tilespmem:$0x17800] =	vst v63  }
0xc4: {  	s11 =	sadd.s32 $0x680, s0  }
0xc5: {  	[tilespmem:s14], [sflag:$0x1] =	stream.indirect.gather [hbm4b:s3+s8], $0x40, s11, s8, $0xb8;
	[tilespmem:$0x17800] =	vst v63  }
.Ltmp3:
0xc6: {  	s0 =	sadd.s32 $0x700, s0;
	(pc) =	sbr.rel @p0 .LBB2_8-.Ltmp3, $4  }
0xc7: {  	[tilespmem:s16], [sflag:$0x1] =	stream.indirect.gather [hbm4b:s3+s8], $0x40, s0, s8, $0xb8;
	[tilespmem:$0x17800] =	vst v63  }
0xc8: {  	_ =	swait.ge [sflag:s24], $0xA000  }
0xc9: {  	[sflag:s24] =	ssyncset.done $0x0  }
0xca: {  	[sflag:s24] =	ssyncadd.s32 $0xFFFF6000  }
.LBB2_7:
0xcb: {  	_ =	swait.ge [sflag:s25], $0x800  }
0xcc: {  	[sflag:s25] =	ssyncset.done $0x0  }
0xcd: {  	[sflag:s25] =	ssyncadd.s32 $0xFFFFF800  }
.LBB2_8:
0xce: {  	s1 =	simm.s32 $0x0;
	s0 =	simm.s32 $0x17030  }
.LBB2_9:
0xcf: {  	s11 =	sshra.s32 s1, $0x2  }
0xd0: {  	v0 =	vld [tilespmem:s11+$0xC800]  }
0xd1: {  	v1 =	vld [tilespmem:s11+$0xC840]  }
0xd2: {  	v2 =	vld [tilespmem:s11+$0xC880]  }
0xd3: {  	v3 =	vld [tilespmem:s11+$0xC8C0]  }
0xd4: {  	v4 =	vld [tilespmem:s11+$0xC900]  }
0xd5: {  	v5 =	vld [tilespmem:s11+$0xC940]  }
0xd6: {  	v6 =	vld [tilespmem:s11+$0xC980]  }
0xd7: {  	v7 =	vld [tilespmem:s11+$0xC9C0]  }
0xd8: {  	v8 =	vld [tilespmem:s11+$0xCA00]  }
0xd9: {  	v9 =	vld [tilespmem:s11+$0xCA40]  }
0xda: {  	v10 =	vld [tilespmem:s11+$0xCA80]  }
0xdb: {  	v11 =	vld [tilespmem:s11+$0xCAC0]  }
0xdc: {  	v12 =	vld [tilespmem:s11+$0xCB00]  }
0xdd: {  	v13 =	vld [tilespmem:s11+$0xCB40]  }
0xde: {  	v14 =	vld [tilespmem:s11+$0xCB80]  }
0xdf: {  	v15 =	vld [tilespmem:s11+$0xCBC0]  }
0xe0: {  	v16 =	vld [tilespmem:s11+$0xCC00]  }
0xe1: {  	v17 =	vld [tilespmem:s11+$0xCC40]  }
0xe2: {  	v18 =	vld [tilespmem:s11+$0xCC80]  }
0xe3: {  	v19 =	vld [tilespmem:s11+$0xCCC0]  }
0xe4: {  	v0 =	vadd.f32 v1, v0;
	v38 =	vadd.f32 v3, v2  }
0xe5: {  	v39 =	vadd.f32 v5, v4;
	v40 =	vadd.f32 v7, v6  }
0xe6: {  	v41 =	vadd.f32 v9, v8;
	v42 =	vadd.f32 v11, v10  }
0xe7: {  	v43 =	vadd.f32 v13, v12;
	v44 =	vadd.f32 v15, v14  }
0xe8: {  	v45 =	vadd.f32 v17, v16;
	v46 =	vadd.f32 v19, v18  }
0xe9: {  	v4 =	vadd.f32 v42, v41;
	v47 =	vadd.f32 v44, v43  }
0xea: {  	v0 =	vadd.f32 v38, v0;
	v48 =	vadd.f32 v40, v39  }
0xeb: {  	v49 =	vadd.f32 v46, v45;
	v50 =	vadd.f32 v47, v4;
	_ =	sdelay $0x1  }
0xec: {  	v0 =	vadd.f32 v48, v0;
	v51 =	vadd.f32 v49, v50;
	_ =	sdelay $0x1  }
0xed: {  	v0 =	vadd.f32 v51, v0;
	_ =	sdelay $0x1  }
0xee: {  	v0 =	vmul.f32 $5.000000070e-02, v0;
	_ =	sdelay $0x1  }
0xef: {  	[tilespmem:s0+$0xFFFFFFD0] =	vst v0  }
0xf0: {  	v0 =	vld [tilespmem:s11+$0xC810]  }
0xf1: {  	v52 =	vld [tilespmem:s11+$0xC850]  }
0xf2: {  	v53 =	vld [tilespmem:s11+$0xC890]  }
0xf3: {  	v54 =	vld [tilespmem:s11+$0xC8D0]  }
0xf4: {  	v55 =	vld [tilespmem:s11+$0xC910]  }
0xf5: {  	v56 =	vld [tilespmem:s11+$0xC950]  }
0xf6: {  	v57 =	vld [tilespmem:s11+$0xC990]  }
0xf7: {  	v58 =	vld [tilespmem:s11+$0xC9D0]  }
0xf8: {  	v59 =	vld [tilespmem:s11+$0xCA10]  }
0xf9: {  	v60 =	vld [tilespmem:s11+$0xCA50]  }
0xfa: {  	v61 =	vld [tilespmem:s11+$0xCA90]  }
0xfb: {  	v62 =	vld [tilespmem:s11+$0xCAD0]  }
0xfc: {  	v63 =	vld [tilespmem:s11+$0xCB10]  }
0xfd: {  	v21 =	vld [tilespmem:s11+$0xCB50]  }
0xfe: {  	v22 =	vld [tilespmem:s11+$0xCB90]  }
0xff: {  	v23 =	vld [tilespmem:s11+$0xCBD0]  }
0x100: {  	v24 =	vld [tilespmem:s11+$0xCC10]  }
0x101: {  	v25 =	vld [tilespmem:s11+$0xCC50]  }
0x102: {  	v26 =	vld [tilespmem:s11+$0xCC90]  }
0x103: {  	v27 =	vld [tilespmem:s11+$0xCCD0]  }
0x104: {  	v0 =	vadd.f32 v52, v0;
	v28 =	vadd.f32 v54, v53  }
0x105: {  	v29 =	vadd.f32 v56, v55;
	v30 =	vadd.f32 v58, v57  }
0x106: {  	v31 =	vadd.f32 v60, v59;
	v32 =	vadd.f32 v62, v61  }
0x107: {  	v33 =	vadd.f32 v21, v63;
	v34 =	vadd.f32 v23, v22  }
0x108: {  	v35 =	vadd.f32 v25, v24;
	v36 =	vadd.f32 v27, v26  }
0x109: {  	v4 =	vadd.f32 v32, v31;
	v37 =	vadd.f32 v34, v33  }
0x10a: {  	v0 =	vadd.f32 v28, v0;
	v38 =	vadd.f32 v30, v29  }
0x10b: {  	v39 =	vadd.f32 v36, v35;
	v40 =	vadd.f32 v37, v4;
	_ =	sdelay $0x1  }
0x10c: {  	v0 =	vadd.f32 v38, v0;
	v41 =	vadd.f32 v39, v40;
	_ =	sdelay $0x1  }
0x10d: {  	v0 =	vadd.f32 v41, v0;
	_ =	sdelay $0x1  }
0x10e: {  	v0 =	vmul.f32 $5.000000070e-02, v0;
	_ =	sdelay $0x1  }
0x10f: {  	[tilespmem:s0+$0xFFFFFFE0] =	vst v0  }
0x110: {  	v0 =	vld [tilespmem:s11+$0xC820]  }
0x111: {  	v42 =	vld [tilespmem:s11+$0xC860]  }
0x112: {  	v43 =	vld [tilespmem:s11+$0xC8A0]  }
0x113: {  	v44 =	vld [tilespmem:s11+$0xC8E0]  }
0x114: {  	v45 =	vld [tilespmem:s11+$0xC920]  }
0x115: {  	v46 =	vld [tilespmem:s11+$0xC960]  }
0x116: {  	v47 =	vld [tilespmem:s11+$0xC9A0]  }
0x117: {  	v48 =	vld [tilespmem:s11+$0xC9E0]  }
0x118: {  	v49 =	vld [tilespmem:s11+$0xCA20]  }
0x119: {  	v50 =	vld [tilespmem:s11+$0xCA60]  }
0x11a: {  	v51 =	vld [tilespmem:s11+$0xCAA0]  }
0x11b: {  	v52 =	vld [tilespmem:s11+$0xCAE0]  }
0x11c: {  	v53 =	vld [tilespmem:s11+$0xCB20]  }
0x11d: {  	v54 =	vld [tilespmem:s11+$0xCB60]  }
0x11e: {  	v55 =	vld [tilespmem:s11+$0xCBA0]  }
0x11f: {  	v56 =	vld [tilespmem:s11+$0xCBE0]  }
0x120: {  	v57 =	vld [tilespmem:s11+$0xCC20]  }
0x121: {  	v58 =	vld [tilespmem:s11+$0xCC60]  }
0x122: {  	v59 =	vld [tilespmem:s11+$0xCCA0]  }
0x123: {  	v60 =	vld [tilespmem:s11+$0xCCE0]  }
0x124: {  	v0 =	vadd.f32 v42, v0;
	v61 =	vadd.f32 v44, v43  }
0x125: {  	v62 =	vadd.f32 v46, v45;
	v63 =	vadd.f32 v48, v47  }
0x126: {  	v20 =	vadd.f32 v50, v49;
	v21 =	vadd.f32 v52, v51  }
0x127: {  	v22 =	vadd.f32 v54, v53;
	v23 =	vadd.f32 v56, v55  }
0x128: {  	v24 =	vadd.f32 v58, v57;
	v25 =	vadd.f32 v60, v59  }
0x129: {  	v4 =	vadd.f32 v21, v20;
	v26 =	vadd.f32 v23, v22  }
0x12a: {  	v0 =	vadd.f32 v61, v0;
	v27 =	vadd.f32 v63, v62  }
0x12b: {  	v28 =	vadd.f32 v25, v24;
	v29 =	vadd.f32 v26, v4;
	_ =	sdelay $0x1  }
0x12c: {  	v0 =	vadd.f32 v27, v0;
	v30 =	vadd.f32 v28, v29;
	_ =	sdelay $0x1  }
0x12d: {  	v0 =	vadd.f32 v30, v0;
	_ =	sdelay $0x1  }
0x12e: {  	v0 =	vmul.f32 $5.000000070e-02, v0;
	_ =	sdelay $0x1  }
0x12f: {  	[tilespmem:s0+$0xFFFFFFF0] =	vst v0  }
0x130: {  	v0 =	vld [tilespmem:s11+$0xC830]  }
0x131: {  	v31 =	vld [tilespmem:s11+$0xC870]  }
0x132: {  	v32 =	vld [tilespmem:s11+$0xC8B0]  }
0x133: {  	v33 =	vld [tilespmem:s11+$0xC8F0]  }
0x134: {  	v34 =	vld [tilespmem:s11+$0xC930]  }
0x135: {  	v35 =	vld [tilespmem:s11+$0xC970]  }
0x136: {  	v36 =	vld [tilespmem:s11+$0xC9B0]  }
0x137: {  	v37 =	vld [tilespmem:s11+$0xC9F0]  }
0x138: {  	v38 =	vld [tilespmem:s11+$0xCA30]  }
0x139: {  	v39 =	vld [tilespmem:s11+$0xCA70]  }
0x13a: {  	v40 =	vld [tilespmem:s11+$0xCAB0]  }
0x13b: {  	v41 =	vld [tilespmem:s11+$0xCAF0]  }
0x13c: {  	v42 =	vld [tilespmem:s11+$0xCB30]  }
0x13d: {  	v43 =	vld [tilespmem:s11+$0xCB70]  }
0x13e: {  	v44 =	vld [tilespmem:s11+$0xCBB0]  }
0x13f: {  	v45 =	vld [tilespmem:s11+$0xCBF0]  }
0x140: {  	v46 =	vld [tilespmem:s11+$0xCC30]  }
0x141: {  	v47 =	vld [tilespmem:s11+$0xCC70]  }
0x142: {  	v48 =	vld [tilespmem:s11+$0xCCB0]  }
0x143: {  	v49 =	vld [tilespmem:s11+$0xCCF0]  }
0x144: {  	v0 =	vadd.f32 v31, v0;
	v50 =	vadd.f32 v33, v32  }
0x145: {  	v51 =	vadd.f32 v35, v34;
	v52 =	vadd.f32 v37, v36  }
0x146: {  	v53 =	vadd.f32 v39, v38;
	v54 =	vadd.f32 v41, v40  }
0x147: {  	v55 =	vadd.f32 v43, v42;
	v56 =	vadd.f32 v45, v44  }
0x148: {  	v57 =	vadd.f32 v47, v46;
	v58 =	vadd.f32 v49, v48  }
0x149: {  	v4 =	vadd.f32 v54, v53;
	v59 =	vadd.f32 v56, v55  }
0x14a: {  	v0 =	vadd.f32 v50, v0;
	v60 =	vadd.f32 v52, v51  }
0x14b: {  	v61 =	vadd.f32 v58, v57;
	v62 =	vadd.f32 v59, v4;
	_ =	sdelay $0x1  }
0x14c: {  	v0 =	vadd.f32 v60, v0;
	v63 =	vadd.f32 v61, v62  }
0x14d: {  	p0 =	sne.s32 s1, $0x26C00  }
.Ltmp4:
0x14e: {  	v0 =	vadd.f32 v63, v0;
	(pc) =	sbr.rel @p0 .LBB2_9-.Ltmp4, $3  }
0x14f: {  	_ = 	snop  }
0x150: {  	v0 =	vmul.f32 $5.000000070e-02, v0;
	_ =	sdelay $0x1  }
0x151: {  	s1 =	sadd.s32 $0x1400, s1;
	[tilespmem:s0+$0x0] =	vst v0;
	s0 =	sadd.s32 $0x40, s0  }
0x152: {  	s30 =	sadd.s32 $0x1, s30  }
0x153: {  	p0 =	sne.s32 s30, $0x8  }
.Ltmp5:
0x154: {  	_ = 	snop;
	(pc) =	sbr.rel @p0 .LBB2_2-.Ltmp5, $4  }
0x155: {  	_ = 	snop  }
0x156: {  	s0 =	sshll.u32 s31, $0x8  }
0x157: {  	s0 =	sadd.s32 s0, s5  }
0x158: {  	[hbm4b:s0+s2] =	stream.linear.scatter [tilespmem:s26], [sflag:$0x4], $0x800, $0x38;
	[tilespmem:$0x17800] =	vst v63  }
0x159: {  	s29 =	sadd.s32 $0x1, s29  }
0x15a: {  	_ =	swait.ge [sflag:s28], $0x800;
	p0 =	sne.s32 s29, s6  }
.Ltmp6:
0x15b: {  	[sflag:s28] =	ssyncset.done $0x0;
	(pc) =	sbr.rel @p0 .LBB2_1-.Ltmp6, $4  }
0x15c: {  	[sflag:s28] =	ssyncadd.s32 $0xFFFFF800  }
0x15d: {  	_ =	swait.ge [sflag:s25], $0x800  }
0x15e: {  	[sflag:s25] =	ssyncset.done $0x0  }
0x15f: {  	[sflag:s25] =	ssyncadd.s32 $0xFFFFF800  }
0x160: {  	_ =	sfence.sel $0x180000  }
0x161: {  	[bflag:$0x0] =	sbarrier.arrive $0xFFFF  }
0x162: {  	_ =	strace $0x90000047  }
0x163: {  	s0 =	stileid.u32;
	[bflag:$0x2] =	sbarrier.arrive $0xFFFF  }
0x164: {  	p0 =	sne.s32 s0, $0x0;
	s0 =	rddreg [dreg:$0x2]  }
0x165: {  	s0 =	sadd.s32 @!p0 $0x100000, s0  }
0x166: {  	[sflag:s0] =	ssyncadd.tile.s32 @!p0 $0x1;
	_ =	shalt  }
.Lfunc_end2:
_tile_overlayer_lowered:
.L_overlay_start_2:
0x167: {  	(tag) =	ssettag $0x2  }
0x168: {  	s0 =	rddreg [dreg:$0x0];
	s2 =	stileid.u32  }
0x169: {  	s1 =	rddreg [dreg:$0x1];
	p0 =	sne.s32 s2, $0x0  }
0x16a: {  	s3 =	rddreg [dreg:$0x2];
	[bflag:$0x3] =	sbarrier.arrive $0xFFFF;
	s2 =	simm.s32 @!p0 $0x1C05  }
0x16b: {  	[timem:s3], [sflag:s2] =	dma.local @!p0 [hbm:s0], s1  }
0x16c: {  	s0 =	simm.s32 @!p0 $0x5  }
0x16d: {  	_ =	swait.ge @!p0 [sflag:s0], s1  }
0x16e: {  	s1 =	ssub.s32 @!p0 $0x0, s1;
	[sflag:s0] =	ssyncset.done @!p0 $0x0  }
0x16f: {  	[sflag:s0] =	ssyncadd.s32 @!p0 s1  }
0x170: {  	[bflag:$0x3] =	sbarrier.arrive $0xFFFF  }
0x171: {  	_ =	shalt  }

</sc_bundles>
